<compile_context>
chip_gen: v7x
topology: tpu7x:2x2x1
jax: 0.10.2.dev20260603
libtpu: 0.0.44.dev20260713+nightly
codegen_flags: <defaults>
</compile_context>

<pallas_src>
import jax
import jax.numpy as jnp
from jax import lax
from jax.experimental import pallas as pl
from jax.experimental.pallas import tpu as pltpu
from jax.experimental.pallas import tpu_sc as plsc

N = 10000
E = 320000
D_IN = 128
D_HID = 128
D_OUT = 40
D_PAD = 48
DH = 64

NC = 2
NS = 16
NW = NC * NS
EW = E // NW
ES = E // NS
C = 125
NCH1 = ES // C
NCH2 = EW // C
RPS = 624
TAIL = N - NS * RPS
R = 1024
GRID = 10

_f32 = jnp.float32
_i32 = jnp.int32


def _sc_mesh():
    return plsc.VectorSubcoreMesh(core_axis_name="c", subcore_axis_name="s")


HR = 80
HC = 128


def _deg_body(ei_hbm, zeros_hbm, iota_hbm, dego_hbm, degi_hbm,
              src_v, dst_v, ho, hi, iota_v, sho, shi):
    c = lax.axis_index("c")
    s = lax.axis_index("s")
    w = c * NS + s
    pltpu.sync_copy(ei_hbm.at[pl.ds(w * EW, EW)], src_v)
    pltpu.sync_copy(ei_hbm.at[pl.ds(E + w * EW, EW)], dst_v)
    pltpu.sync_copy(iota_hbm, iota_v)

    @pl.when(s < HR // 8)
    def _zero_shared():
        pltpu.sync_copy(zeros_hbm, sho.at[pl.ds(s * 8, 8)])
        pltpu.sync_copy(zeros_hbm, shi.at[pl.ds(s * 8, 8)])

    zeros16 = jnp.zeros((16,), _f32)

    def zbody(i, carry):
        for k in range(HC // 16):
            ho[i, pl.ds(k * 16, 16)] = zeros16
            hi[i, pl.ds(k * 16, 16)] = zeros16
        return carry

    lax.fori_loop(0, HR, zbody, 0)
    ones16 = jnp.ones((16,), _f32)

    def body(i, carry):
        sv = src_v[pl.ds(i * 16, 16)]
        dv = dst_v[pl.ds(i * 16, 16)]
        plsc.addupdate_scatter(ho, [sv >> 7, sv & 127], ones16)
        plsc.addupdate_scatter(hi, [dv >> 7, dv & 127], ones16)
        return carry

    lax.fori_loop(0, EW // 16, body, 0)
    plsc.subcore_barrier()
    pltpu.sync_copy(ho, sho.at[iota_v.at[0]], add=True)
    pltpu.sync_copy(hi, shi.at[iota_v.at[0]], add=True)
    plsc.subcore_barrier()

    @pl.when(s < HR // 8)
    def _dump_shared():
        pltpu.sync_copy(sho.at[pl.ds(s * 8, 8)],
                        dego_hbm.at[c].at[pl.ds(s * 8, 8)])
        pltpu.sync_copy(shi.at[pl.ds(s * 8, 8)],
                        degi_hbm.at[c].at[pl.ds(s * 8, 8)])


def _deg_call(ei_flat):
    fn = pl.kernel(
        _deg_body,
        out_type=(
            jax.ShapeDtypeStruct((NC, HR, HC), _f32),
            jax.ShapeDtypeStruct((NC, HR, HC), _f32),
        ),
        mesh=_sc_mesh(),
        scratch_types=[
            pltpu.VMEM((EW,), _i32),
            pltpu.VMEM((EW,), _i32),
            pltpu.VMEM((HR, HC), _f32),
            pltpu.VMEM((HR, HC), _f32),
            pltpu.VMEM((1, HR), _i32),
            pltpu.VMEM_SHARED((HR, HC), _f32),
            pltpu.VMEM_SHARED((HR, HC), _f32),
        ],
        compiler_params=pltpu.CompilerParams(
            needs_layout_passes=False, use_tc_tiling_on_sc=False),
    )
    zeros = jnp.zeros((8, HC), _f32)
    iota = jnp.arange(HR, dtype=_i32).reshape(1, HR)
    return fn(ei_flat, zeros, iota)


def _zero_acc(zeros_hbm, acc, s):
    pltpu.sync_copy(zeros_hbm.at[pl.ds(0, RPS)], acc.at[pl.ds(s * RPS, RPS)])

    @pl.when(s == NS - 1)
    def _zero_tail():
        pltpu.sync_copy(zeros_hbm.at[pl.ds(0, TAIL)],
                        acc.at[pl.ds(NS * RPS, TAIL)])


def _dump_acc(acc, out_slab, s, lane0, d):
    pltpu.sync_copy(acc.at[pl.ds(s * RPS, RPS)],
                    out_slab.at[pl.ds(s * RPS, RPS), pl.ds(lane0, d)])

    @pl.when(s == NS - 1)
    def _dump_tail():
        pltpu.sync_copy(acc.at[pl.ds(NS * RPS, TAIL)],
                        out_slab.at[pl.ds(NS * RPS, TAIL), pl.ds(lane0, d)])


NBUF = 4


def _edge_loop(table, src_v, dst_v, bufs, acc, sems, nch):
    for b in range(NBUF):
        pltpu.async_copy(table.at[src_v.at[b]], bufs[b], sems[b])

    def group(g, carry):
        for b in range(NBUF):
            j = g * NBUF + b
            pltpu.make_async_copy(table.at[src_v.at[j]], bufs[b],
                                  sems[b]).wait()
            pltpu.sync_copy(bufs[b], acc.at[dst_v.at[j]], add=True)
            nxt = j + NBUF

            @pl.when(nxt < nch)
            def _refill():
                pltpu.async_copy(table.at[src_v.at[nxt]], bufs[b], sems[b])

        return carry

    lax.fori_loop(0, nch // NBUF, group, 0)


def _agg1_body(table_hbm, ei3_hbm, zeros_hbm, out_hbm,
               src_v, dst_v, b0, b1, b2, b3, acc,
               s0, s1, s2, s3):
    c = lax.axis_index("c")
    s = lax.axis_index("s")
    half = NCH1 // 2
    pltpu.sync_copy(ei3_hbm.at[s], src_v.at[pl.ds(0, half)])
    pltpu.sync_copy(ei3_hbm.at[NS + s], src_v.at[pl.ds(half, half)])
    pltpu.sync_copy(ei3_hbm.at[NW + s], dst_v.at[pl.ds(0, half)])
    pltpu.sync_copy(ei3_hbm.at[NW + NS + s], dst_v.at[pl.ds(half, half)])
    _zero_acc(zeros_hbm, acc, s)
    plsc.subcore_barrier()
    _edge_loop(table_hbm.at[c], src_v, dst_v,
               (b0, b1, b2, b3), acc,
               (s0, s1, s2, s3), NCH1)
    plsc.subcore_barrier()
    _dump_acc(acc, out_hbm, s, c * DH, DH)


def _agg1_call(table2, ei3):
    fn = pl.kernel(
        _agg1_body,
        out_type=jax.ShapeDtypeStruct((N, 128), _f32),
        mesh=_sc_mesh(),
        scratch_types=[
            pltpu.VMEM((NCH1, C), _i32),
            pltpu.VMEM((NCH1, C), _i32),
            pltpu.VMEM((C, DH), _f32),
            pltpu.VMEM((C, DH), _f32),
            pltpu.VMEM((C, DH), _f32),
            pltpu.VMEM((C, DH), _f32),
            pltpu.VMEM_SHARED((N, DH), _f32),
            pltpu.SemaphoreType.DMA,
            pltpu.SemaphoreType.DMA,
            pltpu.SemaphoreType.DMA,
            pltpu.SemaphoreType.DMA,
        ],
        compiler_params=pltpu.CompilerParams(use_tc_tiling_on_sc=False),
    )
    zeros = jnp.zeros((RPS + TAIL, DH), _f32)
    return fn(table2, ei3, zeros)


def _agg2_body(table_hbm, ei3_hbm, zeros_hbm, out_hbm,
               src_v, dst_v, b0, b1, b2, b3, acc,
               s0, s1, s2, s3):
    c = lax.axis_index("c")
    s = lax.axis_index("s")
    w = c * NS + s
    pltpu.sync_copy(ei3_hbm.at[w], src_v)
    pltpu.sync_copy(ei3_hbm.at[NW + w], dst_v)
    _zero_acc(zeros_hbm, acc, s)
    plsc.subcore_barrier()
    _edge_loop(table_hbm, src_v, dst_v,
               (b0, b1, b2, b3), acc,
               (s0, s1, s2, s3), NCH2)
    plsc.subcore_barrier()
    _dump_acc(acc, out_hbm, s, c * DH, D_PAD)


def _agg2_call(table, ei3):
    fn = pl.kernel(
        _agg2_body,
        out_type=jax.ShapeDtypeStruct((N, 128), _f32),
        mesh=_sc_mesh(),
        scratch_types=[
            pltpu.VMEM((NCH2, C), _i32),
            pltpu.VMEM((NCH2, C), _i32),
            pltpu.VMEM((C, D_PAD), _f32),
            pltpu.VMEM((C, D_PAD), _f32),
            pltpu.VMEM((C, D_PAD), _f32),
            pltpu.VMEM((C, D_PAD), _f32),
            pltpu.VMEM_SHARED((N, D_PAD), _f32),
            pltpu.SemaphoreType.DMA,
            pltpu.SemaphoreType.DMA,
            pltpu.SemaphoreType.DMA,
            pltpu.SemaphoreType.DMA,
        ],
        compiler_params=pltpu.CompilerParams(use_tc_tiling_on_sc=False),
    )
    zeros = jnp.zeros((RPS + TAIL, D_PAD), _f32)
    return fn(table, ei3, zeros)


def _norm_col(hist_ref):
    val8 = hist_ref[0] + hist_ref[1]
    norm8 = lax.rsqrt(jnp.maximum(val8, 1.0))
    tr = jnp.transpose(norm8)
    return jnp.concatenate([tr[:, r:r + 1] for r in range(8)], axis=0)


def _pre_body(x_ref, dego_ref, xs_ref):
    xs = x_ref[...] * _norm_col(dego_ref)
    xs_ref[0] = xs[:, :DH]
    xs_ref[1] = xs[:, DH:]


def _pre_call(x, dego):
    return pl.pallas_call(
        _pre_body,
        grid=(GRID,),
        in_specs=[
            pl.BlockSpec((R, D_IN), lambda i: (i, 0)),
            pl.BlockSpec((NC, HR // GRID, HC), lambda i: (0, i, 0)),
        ],
        out_specs=pl.BlockSpec((NC, R, DH), lambda i: (0, i, 0)),
        out_shape=jax.ShapeDtypeStruct((NC, N, DH), _f32),
    )(x, dego)


def _mid_body(agg_ref, dego_ref, degi_ref, w1_ref, b1_ref, w2_ref, h2_ref):
    ni = _norm_col(degi_ref)
    no = _norm_col(dego_ref)
    h1 = jnp.dot(agg_ref[...] * ni, w1_ref[...], preferred_element_type=_f32)
    h1 = jnp.maximum(h1 + b1_ref[...], 0.0)
    h2_ref[...] = jnp.dot(h1 * no, w2_ref[...], preferred_element_type=_f32)


def _mid_call(agg1, dego, degi, W1, b1, W2p):
    return pl.pallas_call(
        _mid_body,
        grid=(GRID,),
        in_specs=[
            pl.BlockSpec((R, D_HID), lambda i: (i, 0)),
            pl.BlockSpec((NC, HR // GRID, HC), lambda i: (0, i, 0)),
            pl.BlockSpec((NC, HR // GRID, HC), lambda i: (0, i, 0)),
            pl.BlockSpec((D_IN, D_HID), lambda i: (0, 0)),
            pl.BlockSpec((1, D_HID), lambda i: (0, 0)),
            pl.BlockSpec((D_HID, D_PAD), lambda i: (0, 0)),
        ],
        out_specs=pl.BlockSpec((R, D_PAD), lambda i: (i, 0)),
        out_shape=jax.ShapeDtypeStruct((N, D_PAD), _f32),
    )(agg1, dego, degi, W1, b1.reshape(1, D_HID), W2p)


def _post_body(aggp_ref, degi_ref, b2_ref, out_ref):
    v = aggp_ref[...]
    agg = v[:, :D_OUT] + v[:, DH:DH + D_OUT]
    ni = _norm_col(degi_ref)
    out_ref[...] = agg * ni + b2_ref[...]


def _post_call(agg2p, degi, b2):
    return pl.pallas_call(
        _post_body,
        grid=(GRID,),
        in_specs=[
            pl.BlockSpec((R, 128), lambda i: (i, 0)),
            pl.BlockSpec((NC, HR // GRID, HC), lambda i: (0, i, 0)),
            pl.BlockSpec((1, D_OUT), lambda i: (0, 0)),
        ],
        out_specs=pl.BlockSpec((R, D_OUT), lambda i: (i, 0)),
        out_shape=jax.ShapeDtypeStruct((N, D_OUT), _f32),
    )(agg2p, degi, b2.reshape(1, D_OUT))


def kernel(inputs, edge_index, W1, b1, W2, b2):
    ei_flat = edge_index.astype(_i32).reshape(2 * E)
    ei3 = ei_flat.reshape(2 * NW, NCH2, C)

    dego, degi = _deg_call(ei_flat)

    xs2 = _pre_call(inputs, dego)
    agg1 = _agg1_call(xs2, ei3)

    W2p = jnp.pad(W2, ((0, 0), (0, D_PAD - D_OUT)))
    h2 = _mid_call(agg1, dego, degi, W1, b1, W2p)

    agg2p = _agg2_call(h2, ei3)
    return _post_call(agg2p, degi, b2)

# --- scband reference (transcript-rebuilt; emitter-appended) ---
"""Pipeline reference for scband-gcn-26525718020488 (READ-ONLY COPY).

The authoritative reference and input builder live on the scoring server;
editing this copy changes nothing except your own understanding.
"""

import jax, jax.numpy as jnp
import numpy as np

N = 10000
E = 320000
D_IN = 128
D_HID = 128
D_OUT = 40


def setup_inputs(seed: int = 0) -> dict:
    key = jax.random.key(seed)
    ks = jax.random.split(key, 7)
    x = jax.random.normal(ks[0], (N, D_IN), dtype=jnp.float32)
    edge_index = jax.random.randint(ks[1], (2, E), 0, N).astype(jnp.int64)
    W1 = jax.random.normal(ks[2], (D_IN, D_HID), dtype=jnp.float32) * (1.0 / np.sqrt(D_IN))
    b1 = jnp.zeros((D_HID,), dtype=jnp.float32)
    W2 = jax.random.normal(ks[3], (D_HID, D_OUT), dtype=jnp.float32) * (1.0 / np.sqrt(D_HID))
    b2 = jnp.zeros((D_OUT,), dtype=jnp.float32)
    return {"inputs": x, "edge_index": edge_index, "W1": W1, "b1": b1, "W2": W2, "b2": b2}


def _graph_conv(x, src, dst, W, b, mult_weight_first):
    # DGL GraphConv with norm='both', allow_zero_in_degree=True
    deg_out = jnp.clip(jnp.zeros((N,), jnp.float32).at[src].add(1.0), 1.0, None)
    norm_out = deg_out ** -0.5
    h = x * norm_out[:, None]
    if mult_weight_first:
        h = h @ W
    # message passing: copy_src -> sum reduce on dst
    agg = jnp.zeros((N, h.shape[1]), dtype=h.dtype).at[dst].add(h[src])
    deg_in = jnp.clip(jnp.zeros((N,), jnp.float32).at[dst].add(1.0), 1.0, None)
    norm_in = deg_in ** -0.5
    h = agg * norm_in[:, None]
    if not mult_weight_first:
        h = h @ W
    return h + b


def reference(inputs, edge_index, W1, b1, W2, b2):
    src = edge_index[0]
    dst = edge_index[1]
    h = _graph_conv(inputs, src, dst, W1, b1, D_IN > D_HID)
    h = jax.nn.relu(h)
    h = _graph_conv(h, src, dst, W2, b2, D_HID > D_OUT)
    return h

if __name__ == "__main__":
    import jax
    _d = setup_inputs()
    print(jax.jit(kernel)(*tuple(_d.values())))

</pallas_src>

<mosaic_0001>
#map = affine_map<(d0, d1) -> (0, 0)>
#map1 = affine_map<(d0, d1) -> (0, 0, 0)>
module attributes {stable_mosaic.version = 14 : i64} {
  func.func @_agg2_body(%arg0: i32, %arg1: i32, %arg2: memref<10000x48xf32, #tpu.memory_space<hbm>>, %arg3: memref<64x80x125xi32, #tpu.memory_space<hbm>>, %arg4: memref<640x48xf32, #tpu.memory_space<hbm>>, %arg5: memref<10000x128xf32, #tpu.memory_space<hbm>>, %arg6: memref<80x125xi32, #tpu.memory_space<vmem>>, %arg7: memref<80x125xi32, #tpu.memory_space<vmem>>, %arg8: memref<125x48xf32, #tpu.memory_space<vmem>>, %arg9: memref<125x48xf32, #tpu.memory_space<vmem>>, %arg10: memref<125x48xf32, #tpu.memory_space<vmem>>, %arg11: memref<125x48xf32, #tpu.memory_space<vmem>>, %arg12: memref<10000x48xf32, #tpu.memory_space<vmem_shared>>, %arg13: memref<!tpu.dma_semaphore, #tpu.memory_space<semaphore_mem>>, %arg14: memref<!tpu.dma_semaphore, #tpu.memory_space<semaphore_mem>>, %arg15: memref<!tpu.dma_semaphore, #tpu.memory_space<semaphore_mem>>, %arg16: memref<!tpu.dma_semaphore, #tpu.memory_space<semaphore_mem>>) attributes {dimension_semantics = [#tpu.dimension_semantics<core_parallel>, #tpu.dimension_semantics<subcore_parallel>], iteration_bounds = array<i64: 2, 16>, scalar_prefetch = 0 : i64, scratch_operands = 11 : i64, tpu.core_type = #tpu.core_type<sc_vector_subcore>, window_params = [{transform_indices = #map}, {transform_indices = #map1}, {transform_indices = #map}, {transform_indices = #map}]} {
    %mul3A = arith.constant 16 : i32
    %mul3A_0 = arith.muli %arg0, %mul3A : i32
    %add3A = arith.addi %mul3A_0, %arg1 : i32
    "tpu.region"() ({
      %run_scoped3A = tpu.sem_alloc : memref<!tpu.dma_semaphore, #tpu.memory_space<semaphore_mem>>
      %dma_start3A_51 = arith.constant 0 : i32
      %dma_start3A_52 = arith.constant 0 : i32
      %dma_start3A_53 = tpu.memref_slice %arg3[%add3A, %dma_start3A_51, %dma_start3A_52] : memref<64x80x125xi32, #tpu.memory_space<hbm>> -> memref<1x80x125xi32, #tpu.memory_space<hbm>>
      %dma_start3A_54 = tpu.memref_squeeze %dma_start3A_53 : memref<1x80x125xi32, #tpu.memory_space<hbm>> -> memref<80x125xi32, #tpu.memory_space<hbm>>
      %dma_start3A_55 = arith.constant 0 : i32
      %dma_start3A_56 = arith.constant 0 : i32
      %dma_start3A_57 = tpu.memref_slice %arg3[%add3A, %dma_start3A_55, %dma_start3A_56] : memref<64x80x125xi32, #tpu.memory_space<hbm>> -> memref<1x80x125xi32, #tpu.memory_space<hbm>>
      %dma_start3A_58 = tpu.memref_squeeze %dma_start3A_57 : memref<1x80x125xi32, #tpu.memory_space<hbm>> -> memref<80x125xi32, #tpu.memory_space<hbm>>
      tpu.enqueue_dma source(%dma_start3A_58 : memref<80x125xi32, #tpu.memory_space<hbm>>) target(%arg6 : memref<80x125xi32, #tpu.memory_space<vmem>>) target_semaphore(%run_scoped3A : memref<!tpu.dma_semaphore, #tpu.memory_space<semaphore_mem>>)
      %dma_wait3A = arith.constant 0 : i32
      %dma_wait3A_59 = arith.constant 0 : i32
      %dma_wait3A_60 = tpu.memref_slice %arg3[%add3A, %dma_wait3A, %dma_wait3A_59] : memref<64x80x125xi32, #tpu.memory_space<hbm>> -> memref<1x80x125xi32, #tpu.memory_space<hbm>>
      %dma_wait3A_61 = tpu.memref_squeeze %dma_wait3A_60 : memref<1x80x125xi32, #tpu.memory_space<hbm>> -> memref<80x125xi32, #tpu.memory_space<hbm>>
      %dma_wait3A_62 = arith.constant 0 : i32
      %dma_wait3A_63 = arith.constant 0 : i32
      %dma_wait3A_64 = tpu.memref_slice %arg3[%add3A, %dma_wait3A_62, %dma_wait3A_63] : memref<64x80x125xi32, #tpu.memory_space<hbm>> -> memref<1x80x125xi32, #tpu.memory_space<hbm>>
      %dma_wait3A_65 = tpu.memref_squeeze %dma_wait3A_64 : memref<1x80x125xi32, #tpu.memory_space<hbm>> -> memref<80x125xi32, #tpu.memory_space<hbm>>
      tpu.wait_dma2 semaphore(%run_scoped3A : memref<!tpu.dma_semaphore, #tpu.memory_space<semaphore_mem>>) src(%dma_wait3A_65 : memref<80x125xi32, #tpu.memory_space<hbm>>) dst(%arg6 : memref<80x125xi32, #tpu.memory_space<vmem>>)
      tpu.yield
    }) : () -> ()
    %add3A_1 = arith.constant 32 : i32
    %add3A_2 = arith.addi %add3A_1, %add3A : i32
    "tpu.region"() ({
      %run_scoped3A = tpu.sem_alloc : memref<!tpu.dma_semaphore, #tpu.memory_space<semaphore_mem>>
      %dma_start3A_51 = arith.constant 0 : i32
      %dma_start3A_52 = arith.constant 0 : i32
      %dma_start3A_53 = tpu.memref_slice %arg3[%add3A_2, %dma_start3A_51, %dma_start3A_52] : memref<64x80x125xi32, #tpu.memory_space<hbm>> -> memref<1x80x125xi32, #tpu.memory_space<hbm>>
      %dma_start3A_54 = tpu.memref_squeeze %dma_start3A_53 : memref<1x80x125xi32, #tpu.memory_space<hbm>> -> memref<80x125xi32, #tpu.memory_space<hbm>>
      %dma_start3A_55 = arith.constant 0 : i32
      %dma_start3A_56 = arith.constant 0 : i32
      %dma_start3A_57 = tpu.memref_slice %arg3[%add3A_2, %dma_start3A_55, %dma_start3A_56] : memref<64x80x125xi32, #tpu.memory_space<hbm>> -> memref<1x80x125xi32, #tpu.memory_space<hbm>>
      %dma_start3A_58 = tpu.memref_squeeze %dma_start3A_57 : memref<1x80x125xi32, #tpu.memory_space<hbm>> -> memref<80x125xi32, #tpu.memory_space<hbm>>
      tpu.enqueue_dma source(%dma_start3A_58 : memref<80x125xi32, #tpu.memory_space<hbm>>) target(%arg7 : memref<80x125xi32, #tpu.memory_space<vmem>>) target_semaphore(%run_scoped3A : memref<!tpu.dma_semaphore, #tpu.memory_space<semaphore_mem>>)
      %dma_wait3A = arith.constant 0 : i32
      %dma_wait3A_59 = arith.constant 0 : i32
      %dma_wait3A_60 = tpu.memref_slice %arg3[%add3A_2, %dma_wait3A, %dma_wait3A_59] : memref<64x80x125xi32, #tpu.memory_space<hbm>> -> memref<1x80x125xi32, #tpu.memory_space<hbm>>
      %dma_wait3A_61 = tpu.memref_squeeze %dma_wait3A_60 : memref<1x80x125xi32, #tpu.memory_space<hbm>> -> memref<80x125xi32, #tpu.memory_space<hbm>>
      %dma_wait3A_62 = arith.constant 0 : i32
      %dma_wait3A_63 = arith.constant 0 : i32
      %dma_wait3A_64 = tpu.memref_slice %arg3[%add3A_2, %dma_wait3A_62, %dma_wait3A_63] : memref<64x80x125xi32, #tpu.memory_space<hbm>> -> memref<1x80x125xi32, #tpu.memory_space<hbm>>
      %dma_wait3A_65 = tpu.memref_squeeze %dma_wait3A_64 : memref<1x80x125xi32, #tpu.memory_space<hbm>> -> memref<80x125xi32, #tpu.memory_space<hbm>>
      tpu.wait_dma2 semaphore(%run_scoped3A : memref<!tpu.dma_semaphore, #tpu.memory_space<semaphore_mem>>) src(%dma_wait3A_65 : memref<80x125xi32, #tpu.memory_space<hbm>>) dst(%arg7 : memref<80x125xi32, #tpu.memory_space<vmem>>)
      tpu.yield
    }) : () -> ()
    %mul3A_3 = arith.constant 624 : i32
    %mul3A_4 = arith.muli %arg1, %mul3A_3 : i32
    "tpu.region"() ({
      %run_scoped3A = tpu.sem_alloc : memref<!tpu.dma_semaphore, #tpu.memory_space<semaphore_mem>>
      %dma_start3A_51 = arith.constant 0 : i32
      %dma_start3A_52 = tpu.memref_slice %arg12[%mul3A_4, %dma_start3A_51] : memref<10000x48xf32, #tpu.memory_space<vmem_shared>> -> memref<624x48xf32, #tpu.memory_space<vmem_shared>>
      %dma_start3A_53 = arith.constant 0 : i32
      %dma_start3A_54 = arith.constant 0 : i32
      %dma_start3A_55 = tpu.memref_slice %arg4[%dma_start3A_53, %dma_start3A_54] : memref<640x48xf32, #tpu.memory_space<hbm>> -> memref<624x48xf32, #tpu.memory_space<hbm>>
      tpu.enqueue_dma source(%dma_start3A_55 : memref<624x48xf32, #tpu.memory_space<hbm>>) target(%dma_start3A_52 : memref<624x48xf32, #tpu.memory_space<vmem_shared>>) target_semaphore(%run_scoped3A : memref<!tpu.dma_semaphore, #tpu.memory_space<semaphore_mem>>)
      %dma_wait3A = arith.constant 0 : i32
      %dma_wait3A_56 = tpu.memref_slice %arg12[%mul3A_4, %dma_wait3A] : memref<10000x48xf32, #tpu.memory_space<vmem_shared>> -> memref<624x48xf32, #tpu.memory_space<vmem_shared>>
      %dma_wait3A_57 = arith.constant 0 : i32
      %dma_wait3A_58 = arith.constant 0 : i32
      %dma_wait3A_59 = tpu.memref_slice %arg4[%dma_wait3A_57, %dma_wait3A_58] : memref<640x48xf32, #tpu.memory_space<hbm>> -> memref<624x48xf32, #tpu.memory_space<hbm>>
      tpu.wait_dma2 semaphore(%run_scoped3A : memref<!tpu.dma_semaphore, #tpu.memory_space<semaphore_mem>>) src(%dma_wait3A_59 : memref<624x48xf32, #tpu.memory_space<hbm>>) dst(%dma_wait3A_56 : memref<624x48xf32, #tpu.memory_space<vmem_shared>>)
      tpu.yield
    }) : () -> ()
    %eq3A = arith.constant 15 : i32
    %eq3A_5 = arith.cmpi eq, %arg1, %eq3A : i32
    %convert_element_type3A = arith.extui %eq3A_5 : i1 to i32
    %cond3A = arith.constant 0 : i32
    %cond3A_6 = arith.cmpi ne, %convert_element_type3A, %cond3A : i32
    scf.if %cond3A_6 {
      "tpu.region"() ({
        %run_scoped3A = tpu.sem_alloc : memref<!tpu.dma_semaphore, #tpu.memory_space<semaphore_mem>>
        %dma_start3A_51 = arith.constant 9984 : i32
        %dma_start3A_52 = arith.constant 0 : i32
        %dma_start3A_53 = tpu.memref_slice %arg12[%dma_start3A_51, %dma_start3A_52] : memref<10000x48xf32, #tpu.memory_space<vmem_shared>> -> memref<16x48xf32, #tpu.memory_space<vmem_shared>>
        %dma_start3A_54 = arith.constant 0 : i32
        %dma_start3A_55 = arith.constant 0 : i32
        %dma_start3A_56 = tpu.memref_slice %arg4[%dma_start3A_54, %dma_start3A_55] : memref<640x48xf32, #tpu.memory_space<hbm>> -> memref<16x48xf32, #tpu.memory_space<hbm>>
        tpu.enqueue_dma source(%dma_start3A_56 : memref<16x48xf32, #tpu.memory_space<hbm>>) target(%dma_start3A_53 : memref<16x48xf32, #tpu.memory_space<vmem_shared>>) target_semaphore(%run_scoped3A : memref<!tpu.dma_semaphore, #tpu.memory_space<semaphore_mem>>)
        %dma_wait3A = arith.constant 9984 : i32
        %dma_wait3A_57 = arith.constant 0 : i32
        %dma_wait3A_58 = tpu.memref_slice %arg12[%dma_wait3A, %dma_wait3A_57] : memref<10000x48xf32, #tpu.memory_space<vmem_shared>> -> memref<16x48xf32, #tpu.memory_space<vmem_shared>>
        %dma_wait3A_59 = arith.constant 0 : i32
        %dma_wait3A_60 = arith.constant 0 : i32
        %dma_wait3A_61 = tpu.memref_slice %arg4[%dma_wait3A_59, %dma_wait3A_60] : memref<640x48xf32, #tpu.memory_space<hbm>> -> memref<16x48xf32, #tpu.memory_space<hbm>>
        tpu.wait_dma2 semaphore(%run_scoped3A : memref<!tpu.dma_semaphore, #tpu.memory_space<semaphore_mem>>) src(%dma_wait3A_61 : memref<16x48xf32, #tpu.memory_space<hbm>>) dst(%dma_wait3A_58 : memref<16x48xf32, #tpu.memory_space<vmem_shared>>)
        tpu.yield
      }) : () -> ()
    } else {
    }
    %barrier3A = arith.constant 0 : index
    tpu.barrier barrier_id(%barrier3A)
    %dma_start3A = arith.constant 0 : i32
    %dma_start3A_7 = arith.constant 0 : i32
    %dma_start3A_8 = tpu.memref_slice %arg6[%dma_start3A, %dma_start3A_7] : memref<80x125xi32, #tpu.memory_space<vmem>> -> memref<1x125xi32, #tpu.memory_space<vmem>>
    %dma_start3A_9 = tpu.memref_squeeze %dma_start3A_8 : memref<1x125xi32, #tpu.memory_space<vmem>> -> memref<125xi32, #tpu.memory_space<vmem>>
    %dma_start3A_10 = arith.constant 0 : i32
    %dma_start3A_11 = arith.constant 0 : i32
    %dma_start3A_12 = tpu.memref_slice %arg2[%dma_start3A_10, %dma_start3A_11] : memref<10000x48xf32, #tpu.memory_space<hbm>> -> memref<10000x48xf32, #tpu.memory_space<hbm>>
    tpu.enqueue_indirect_dma source(%dma_start3A_12 : memref<10000x48xf32, #tpu.memory_space<hbm>>) target(%arg8 : memref<125x48xf32, #tpu.memory_space<vmem>>) offsets(%dma_start3A_9 : memref<125xi32, #tpu.memory_space<vmem>>) semaphore(%arg13 : memref<!tpu.dma_semaphore, #tpu.memory_space<semaphore_mem>>)
    %dma_start3A_13 = arith.constant 1 : i32
    %dma_start3A_14 = arith.constant 0 : i32
    %dma_start3A_15 = tpu.memref_slice %arg6[%dma_start3A_13, %dma_start3A_14] : memref<80x125xi32, #tpu.memory_space<vmem>> -> memref<1x125xi32, #tpu.memory_space<vmem>>
    %dma_start3A_16 = tpu.memref_squeeze %dma_start3A_15 : memref<1x125xi32, #tpu.memory_space<vmem>> -> memref<125xi32, #tpu.memory_space<vmem>>
    %dma_start3A_17 = arith.constant 0 : i32
    %dma_start3A_18 = arith.constant 0 : i32
    %dma_start3A_19 = tpu.memref_slice %arg2[%dma_start3A_17, %dma_start3A_18] : memref<10000x48xf32, #tpu.memory_space<hbm>> -> memref<10000x48xf32, #tpu.memory_space<hbm>>
    tpu.enqueue_indirect_dma source(%dma_start3A_19 : memref<10000x48xf32, #tpu.memory_space<hbm>>) target(%arg9 : memref<125x48xf32, #tpu.memory_space<vmem>>) offsets(%dma_start3A_16 : memref<125xi32, #tpu.memory_space<vmem>>) semaphore(%arg14 : memref<!tpu.dma_semaphore, #tpu.memory_space<semaphore_mem>>)
    %dma_start3A_20 = arith.constant 2 : i32
    %dma_start3A_21 = arith.constant 0 : i32
    %dma_start3A_22 = tpu.memref_slice %arg6[%dma_start3A_20, %dma_start3A_21] : memref<80x125xi32, #tpu.memory_space<vmem>> -> memref<1x125xi32, #tpu.memory_space<vmem>>
    %dma_start3A_23 = tpu.memref_squeeze %dma_start3A_22 : memref<1x125xi32, #tpu.memory_space<vmem>> -> memref<125xi32, #tpu.memory_space<vmem>>
    %dma_start3A_24 = arith.constant 0 : i32
    %dma_start3A_25 = arith.constant 0 : i32
    %dma_start3A_26 = tpu.memref_slice %arg2[%dma_start3A_24, %dma_start3A_25] : memref<10000x48xf32, #tpu.memory_space<hbm>> -> memref<10000x48xf32, #tpu.memory_space<hbm>>
    tpu.enqueue_indirect_dma source(%dma_start3A_26 : memref<10000x48xf32, #tpu.memory_space<hbm>>) target(%arg10 : memref<125x48xf32, #tpu.memory_space<vmem>>) offsets(%dma_start3A_23 : memref<125xi32, #tpu.memory_space<vmem>>) semaphore(%arg15 : memref<!tpu.dma_semaphore, #tpu.memory_space<semaphore_mem>>)
    %dma_start3A_27 = arith.constant 3 : i32
    %dma_start3A_28 = arith.constant 0 : i32
    %dma_start3A_29 = tpu.memref_slice %arg6[%dma_start3A_27, %dma_start3A_28] : memref<80x125xi32, #tpu.memory_space<vmem>> -> memref<1x125xi32, #tpu.memory_space<vmem>>
    %dma_start3A_30 = tpu.memref_squeeze %dma_start3A_29 : memref<1x125xi32, #tpu.memory_space<vmem>> -> memref<125xi32, #tpu.memory_space<vmem>>
    %dma_start3A_31 = arith.constant 0 : i32
    %dma_start3A_32 = arith.constant 0 : i32
    %dma_start3A_33 = tpu.memref_slice %arg2[%dma_start3A_31, %dma_start3A_32] : memref<10000x48xf32, #tpu.memory_space<hbm>> -> memref<10000x48xf32, #tpu.memory_space<hbm>>
    tpu.enqueue_indirect_dma source(%dma_start3A_33 : memref<10000x48xf32, #tpu.memory_space<hbm>>) target(%arg11 : memref<125x48xf32, #tpu.memory_space<vmem>>) offsets(%dma_start3A_30 : memref<125xi32, #tpu.memory_space<vmem>>) semaphore(%arg16 : memref<!tpu.dma_semaphore, #tpu.memory_space<semaphore_mem>>)
    %scan3A = arith.constant 0 : i32
    %scan3A_34 = arith.constant 0 : i32
    %scan3A_35 = arith.constant 20 : i32
    %scan3A_36 = arith.addi %scan3A_34, %scan3A_35 : i32
    %scan3A_37 = arith.constant 1 : i32
    scf.for %scan3A_51 = %scan3A_34 to %scan3A_36 step %scan3A_37  : i32 {
      %mul3A_52 = arith.constant 4 : i32
      %mul3A_53 = arith.muli %scan3A_51, %mul3A_52 : i32
      %add3A_54 = arith.constant 0 : i32
      %add3A_55 = arith.addi %mul3A_53, %add3A_54 : i32
      %dma_wait3A = arith.constant 0 : i32
      %dma_wait3A_56 = tpu.memref_slice %arg6[%add3A_55, %dma_wait3A] : memref<80x125xi32, #tpu.memory_space<vmem>> -> memref<1x125xi32, #tpu.memory_space<vmem>>
      %dma_wait3A_57 = tpu.memref_squeeze %dma_wait3A_56 : memref<1x125xi32, #tpu.memory_space<vmem>> -> memref<125xi32, #tpu.memory_space<vmem>>
      %dma_wait3A_58 = arith.constant 0 : i32
      %dma_wait3A_59 = arith.constant 0 : i32
      %dma_wait3A_60 = tpu.memref_slice %arg2[%dma_wait3A_58, %dma_wait3A_59] : memref<10000x48xf32, #tpu.memory_space<hbm>> -> memref<10000x48xf32, #tpu.memory_space<hbm>>
      tpu.wait_indirect_dma semaphore(%arg13 : memref<!tpu.dma_semaphore, #tpu.memory_space<semaphore_mem>>) src(%dma_wait3A_60 : memref<10000x48xf32, #tpu.memory_space<hbm>>) dst(%arg8 : memref<125x48xf32, #tpu.memory_space<vmem>>)
      "tpu.region"() ({
        %run_scoped3A = tpu.sem_alloc : memref<!tpu.dma_semaphore, #tpu.memory_space<semaphore_mem>>
        %dma_start3A_118 = arith.constant 0 : i32
        %dma_start3A_119 = tpu.memref_slice %arg7[%add3A_55, %dma_start3A_118] : memref<80x125xi32, #tpu.memory_space<vmem>> -> memref<1x125xi32, #tpu.memory_space<vmem>>
        %dma_start3A_120 = tpu.memref_squeeze %dma_start3A_119 : memref<1x125xi32, #tpu.memory_space<vmem>> -> memref<125xi32, #tpu.memory_space<vmem>>
        %dma_start3A_121 = arith.constant 0 : i32
        %dma_start3A_122 = arith.constant 0 : i32
        %dma_start3A_123 = tpu.memref_slice %arg12[%dma_start3A_121, %dma_start3A_122] : memref<10000x48xf32, #tpu.memory_space<vmem_shared>> -> memref<10000x48xf32, #tpu.memory_space<vmem_shared>>
        tpu.enqueue_indirect_dma source(%arg8 : memref<125x48xf32, #tpu.memory_space<vmem>>) target(%dma_start3A_123 : memref<10000x48xf32, #tpu.memory_space<vmem_shared>>) offsets(%dma_start3A_120 : memref<125xi32, #tpu.memory_space<vmem>>) semaphore(%run_scoped3A : memref<!tpu.dma_semaphore, #tpu.memory_space<semaphore_mem>>) {add = true}
        %dma_wait3A_124 = arith.constant 0 : i32
        %dma_wait3A_125 = tpu.memref_slice %arg7[%add3A_55, %dma_wait3A_124] : memref<80x125xi32, #tpu.memory_space<vmem>> -> memref<1x125xi32, #tpu.memory_space<vmem>>
        %dma_wait3A_126 = tpu.memref_squeeze %dma_wait3A_125 : memref<1x125xi32, #tpu.memory_space<vmem>> -> memref<125xi32, #tpu.memory_space<vmem>>
        %dma_wait3A_127 = arith.constant 0 : i32
        %dma_wait3A_128 = arith.constant 0 : i32
        %dma_wait3A_129 = tpu.memref_slice %arg12[%dma_wait3A_127, %dma_wait3A_128] : memref<10000x48xf32, #tpu.memory_space<vmem_shared>> -> memref<10000x48xf32, #tpu.memory_space<vmem_shared>>
        tpu.wait_indirect_dma semaphore(%run_scoped3A : memref<!tpu.dma_semaphore, #tpu.memory_space<semaphore_mem>>) src(%arg8 : memref<125x48xf32, #tpu.memory_space<vmem>>) dst(%dma_wait3A_129 : memref<10000x48xf32, #tpu.memory_space<vmem_shared>>)
        tpu.yield
      }) : () -> ()
      %add3A_61 = arith.constant 4 : i32
      %add3A_62 = arith.addi %add3A_55, %add3A_61 : i32
      %lt3A = arith.constant 80 : i32
      %lt3A_63 = arith.cmpi slt, %add3A_62, %lt3A : i32
      %convert_element_type3A_64 = arith.extui %lt3A_63 : i1 to i32
      %cond3A_65 = arith.constant 0 : i32
      %cond3A_66 = arith.cmpi ne, %convert_element_type3A_64, %cond3A_65 : i32
      scf.if %cond3A_66 {
        %dma_start3A_118 = arith.constant 0 : i32
        %dma_start3A_119 = tpu.memref_slice %arg6[%add3A_62, %dma_start3A_118] : memref<80x125xi32, #tpu.memory_space<vmem>> -> memref<1x125xi32, #tpu.memory_space<vmem>>
        %dma_start3A_120 = tpu.memref_squeeze %dma_start3A_119 : memref<1x125xi32, #tpu.memory_space<vmem>> -> memref<125xi32, #tpu.memory_space<vmem>>
        %dma_start3A_121 = arith.constant 0 : i32
        %dma_start3A_122 = arith.constant 0 : i32
        %dma_start3A_123 = tpu.memref_slice %arg2[%dma_start3A_121, %dma_start3A_122] : memref<10000x48xf32, #tpu.memory_space<hbm>> -> memref<10000x48xf32, #tpu.memory_space<hbm>>
        tpu.enqueue_indirect_dma source(%dma_start3A_123 : memref<10000x48xf32, #tpu.memory_space<hbm>>) target(%arg8 : memref<125x48xf32, #tpu.memory_space<vmem>>) offsets(%dma_start3A_120 : memref<125xi32, #tpu.memory_space<vmem>>) semaphore(%arg13 : memref<!tpu.dma_semaphore, #tpu.memory_space<semaphore_mem>>)
      } else {
      }
      %mul3A_67 = arith.constant 4 : i32
      %mul3A_68 = arith.muli %scan3A_51, %mul3A_67 : i32
      %add3A_69 = arith.constant 1 : i32
      %add3A_70 = arith.addi %mul3A_68, %add3A_69 : i32
      %dma_wait3A_71 = arith.constant 0 : i32
      %dma_wait3A_72 = tpu.memref_slice %arg6[%add3A_70, %dma_wait3A_71] : memref<80x125xi32, #tpu.memory_space<vmem>> -> memref<1x125xi32, #tpu.memory_space<vmem>>
      %dma_wait3A_73 = tpu.memref_squeeze %dma_wait3A_72 : memref<1x125xi32, #tpu.memory_space<vmem>> -> memref<125xi32, #tpu.memory_space<vmem>>
      %dma_wait3A_74 = arith.constant 0 : i32
      %dma_wait3A_75 = arith.constant 0 : i32
      %dma_wait3A_76 = tpu.memref_slice %arg2[%dma_wait3A_74, %dma_wait3A_75] : memref<10000x48xf32, #tpu.memory_space<hbm>> -> memref<10000x48xf32, #tpu.memory_space<hbm>>
      tpu.wait_indirect_dma semaphore(%arg14 : memref<!tpu.dma_semaphore, #tpu.memory_space<semaphore_mem>>) src(%dma_wait3A_76 : memref<10000x48xf32, #tpu.memory_space<hbm>>) dst(%arg9 : memref<125x48xf32, #tpu.memory_space<vmem>>)
      "tpu.region"() ({
        %run_scoped3A = tpu.sem_alloc : memref<!tpu.dma_semaphore, #tpu.memory_space<semaphore_mem>>
        %dma_start3A_118 = arith.constant 0 : i32
        %dma_start3A_119 = tpu.memref_slice %arg7[%add3A_70, %dma_start3A_118] : memref<80x125xi32, #tpu.memory_space<vmem>> -> memref<1x125xi32, #tpu.memory_space<vmem>>
        %dma_start3A_120 = tpu.memref_squeeze %dma_start3A_119 : memref<1x125xi32, #tpu.memory_space<vmem>> -> memref<125xi32, #tpu.memory_space<vmem>>
        %dma_start3A_121 = arith.constant 0 : i32
        %dma_start3A_122 = arith.constant 0 : i32
        %dma_start3A_123 = tpu.memref_slice %arg12[%dma_start3A_121, %dma_start3A_122] : memref<10000x48xf32, #tpu.memory_space<vmem_shared>> -> memref<10000x48xf32, #tpu.memory_space<vmem_shared>>
        tpu.enqueue_indirect_dma source(%arg9 : memref<125x48xf32, #tpu.memory_space<vmem>>) target(%dma_start3A_123 : memref<10000x48xf32, #tpu.memory_space<vmem_shared>>) offsets(%dma_start3A_120 : memref<125xi32, #tpu.memory_space<vmem>>) semaphore(%run_scoped3A : memref<!tpu.dma_semaphore, #tpu.memory_space<semaphore_mem>>) {add = true}
        %dma_wait3A_124 = arith.constant 0 : i32
        %dma_wait3A_125 = tpu.memref_slice %arg7[%add3A_70, %dma_wait3A_124] : memref<80x125xi32, #tpu.memory_space<vmem>> -> memref<1x125xi32, #tpu.memory_space<vmem>>
        %dma_wait3A_126 = tpu.memref_squeeze %dma_wait3A_125 : memref<1x125xi32, #tpu.memory_space<vmem>> -> memref<125xi32, #tpu.memory_space<vmem>>
        %dma_wait3A_127 = arith.constant 0 : i32
        %dma_wait3A_128 = arith.constant 0 : i32
        %dma_wait3A_129 = tpu.memref_slice %arg12[%dma_wait3A_127, %dma_wait3A_128] : memref<10000x48xf32, #tpu.memory_space<vmem_shared>> -> memref<10000x48xf32, #tpu.memory_space<vmem_shared>>
        tpu.wait_indirect_dma semaphore(%run_scoped3A : memref<!tpu.dma_semaphore, #tpu.memory_space<semaphore_mem>>) src(%arg9 : memref<125x48xf32, #tpu.memory_space<vmem>>) dst(%dma_wait3A_129 : memref<10000x48xf32, #tpu.memory_space<vmem_shared>>)
        tpu.yield
      }) : () -> ()
      %add3A_77 = arith.constant 4 : i32
      %add3A_78 = arith.addi %add3A_70, %add3A_77 : i32
      %lt3A_79 = arith.constant 80 : i32
      %lt3A_80 = arith.cmpi slt, %add3A_78, %lt3A_79 : i32
      %convert_element_type3A_81 = arith.extui %lt3A_80 : i1 to i32
      %cond3A_82 = arith.constant 0 : i32
      %cond3A_83 = arith.cmpi ne, %convert_element_type3A_81, %cond3A_82 : i32
      scf.if %cond3A_83 {
        %dma_start3A_118 = arith.constant 0 : i32
        %dma_start3A_119 = tpu.memref_slice %arg6[%add3A_78, %dma_start3A_118] : memref<80x125xi32, #tpu.memory_space<vmem>> -> memref<1x125xi32, #tpu.memory_space<vmem>>
        %dma_start3A_120 = tpu.memref_squeeze %dma_start3A_119 : memref<1x125xi32, #tpu.memory_space<vmem>> -> memref<125xi32, #tpu.memory_space<vmem>>
        %dma_start3A_121 = arith.constant 0 : i32
        %dma_start3A_122 = arith.constant 0 : i32
        %dma_start3A_123 = tpu.memref_slice %arg2[%dma_start3A_121, %dma_start3A_122] : memref<10000x48xf32, #tpu.memory_space<hbm>> -> memref<10000x48xf32, #tpu.memory_space<hbm>>
        tpu.enqueue_indirect_dma source(%dma_start3A_123 : memref<10000x48xf32, #tpu.memory_space<hbm>>) target(%arg9 : memref<125x48xf32, #tpu.memory_space<vmem>>) offsets(%dma_start3A_120 : memref<125xi32, #tpu.memory_space<vmem>>) semaphore(%arg14 : memref<!tpu.dma_semaphore, #tpu.memory_space<semaphore_mem>>)
      } else {
      }
      %mul3A_84 = arith.constant 4 : i32
      %mul3A_85 = arith.muli %scan3A_51, %mul3A_84 : i32
      %add3A_86 = arith.constant 2 : i32
      %add3A_87 = arith.addi %mul3A_85, %add3A_86 : i32
      %dma_wait3A_88 = arith.constant 0 : i32
      %dma_wait3A_89 = tpu.memref_slice %arg6[%add3A_87, %dma_wait3A_88] : memref<80x125xi32, #tpu.memory_space<vmem>> -> memref<1x125xi32, #tpu.memory_space<vmem>>
      %dma_wait3A_90 = tpu.memref_squeeze %dma_wait3A_89 : memref<1x125xi32, #tpu.memory_space<vmem>> -> memref<125xi32, #tpu.memory_space<vmem>>
      %dma_wait3A_91 = arith.constant 0 : i32
      %dma_wait3A_92 = arith.constant 0 : i32
      %dma_wait3A_93 = tpu.memref_slice %arg2[%dma_wait3A_91, %dma_wait3A_92] : memref<10000x48xf32, #tpu.memory_space<hbm>> -> memref<10000x48xf32, #tpu.memory_space<hbm>>
      tpu.wait_indirect_dma semaphore(%arg15 : memref<!tpu.dma_semaphore, #tpu.memory_space<semaphore_mem>>) src(%dma_wait3A_93 : memref<10000x48xf32, #tpu.memory_space<hbm>>) dst(%arg10 : memref<125x48xf32, #tpu.memory_space<vmem>>)
      "tpu.region"() ({
        %run_scoped3A = tpu.sem_alloc : memref<!tpu.dma_semaphore, #tpu.memory_space<semaphore_mem>>
        %dma_start3A_118 = arith.constant 0 : i32
        %dma_start3A_119 = tpu.memref_slice %arg7[%add3A_87, %dma_start3A_118] : memref<80x125xi32, #tpu.memory_space<vmem>> -> memref<1x125xi32, #tpu.memory_space<vmem>>
        %dma_start3A_120 = tpu.memref_squeeze %dma_start3A_119 : memref<1x125xi32, #tpu.memory_space<vmem>> -> memref<125xi32, #tpu.memory_space<vmem>>
        %dma_start3A_121 = arith.constant 0 : i32
        %dma_start3A_122 = arith.constant 0 : i32
        %dma_start3A_123 = tpu.memref_slice %arg12[%dma_start3A_121, %dma_start3A_122] : memref<10000x48xf32, #tpu.memory_space<vmem_shared>> -> memref<10000x48xf32, #tpu.memory_space<vmem_shared>>
        tpu.enqueue_indirect_dma source(%arg10 : memref<125x48xf32, #tpu.memory_space<vmem>>) target(%dma_start3A_123 : memref<10000x48xf32, #tpu.memory_space<vmem_shared>>) offsets(%dma_start3A_120 : memref<125xi32, #tpu.memory_space<vmem>>) semaphore(%run_scoped3A : memref<!tpu.dma_semaphore, #tpu.memory_space<semaphore_mem>>) {add = true}
        %dma_wait3A_124 = arith.constant 0 : i32
        %dma_wait3A_125 = tpu.memref_slice %arg7[%add3A_87, %dma_wait3A_124] : memref<80x125xi32, #tpu.memory_space<vmem>> -> memref<1x125xi32, #tpu.memory_space<vmem>>
        %dma_wait3A_126 = tpu.memref_squeeze %dma_wait3A_125 : memref<1x125xi32, #tpu.memory_space<vmem>> -> memref<125xi32, #tpu.memory_space<vmem>>
        %dma_wait3A_127 = arith.constant 0 : i32
        %dma_wait3A_128 = arith.constant 0 : i32
        %dma_wait3A_129 = tpu.memref_slice %arg12[%dma_wait3A_127, %dma_wait3A_128] : memref<10000x48xf32, #tpu.memory_space<vmem_shared>> -> memref<10000x48xf32, #tpu.memory_space<vmem_shared>>
        tpu.wait_indirect_dma semaphore(%run_scoped3A : memref<!tpu.dma_semaphore, #tpu.memory_space<semaphore_mem>>) src(%arg10 : memref<125x48xf32, #tpu.memory_space<vmem>>) dst(%dma_wait3A_129 : memref<10000x48xf32, #tpu.memory_space<vmem_shared>>)
        tpu.yield
      }) : () -> ()
      %add3A_94 = arith.constant 4 : i32
      %add3A_95 = arith.addi %add3A_87, %add3A_94 : i32
      %lt3A_96 = arith.constant 80 : i32
      %lt3A_97 = arith.cmpi slt, %add3A_95, %lt3A_96 : i32
      %convert_element_type3A_98 = arith.extui %lt3A_97 : i1 to i32
      %cond3A_99 = arith.constant 0 : i32
      %cond3A_100 = arith.cmpi ne, %convert_element_type3A_98, %cond3A_99 : i32
      scf.if %cond3A_100 {
        %dma_start3A_118 = arith.constant 0 : i32
        %dma_start3A_119 = tpu.memref_slice %arg6[%add3A_95, %dma_start3A_118] : memref<80x125xi32, #tpu.memory_space<vmem>> -> memref<1x125xi32, #tpu.memory_space<vmem>>
        %dma_start3A_120 = tpu.memref_squeeze %dma_start3A_119 : memref<1x125xi32, #tpu.memory_space<vmem>> -> memref<125xi32, #tpu.memory_space<vmem>>
        %dma_start3A_121 = arith.constant 0 : i32
        %dma_start3A_122 = arith.constant 0 : i32
        %dma_start3A_123 = tpu.memref_slice %arg2[%dma_start3A_121, %dma_start3A_122] : memref<10000x48xf32, #tpu.memory_space<hbm>> -> memref<10000x48xf32, #tpu.memory_space<hbm>>
        tpu.enqueue_indirect_dma source(%dma_start3A_123 : memref<10000x48xf32, #tpu.memory_space<hbm>>) target(%arg10 : memref<125x48xf32, #tpu.memory_space<vmem>>) offsets(%dma_start3A_120 : memref<125xi32, #tpu.memory_space<vmem>>) semaphore(%arg15 : memref<!tpu.dma_semaphore, #tpu.memory_space<semaphore_mem>>)
      } else {
      }
      %mul3A_101 = arith.constant 4 : i32
      %mul3A_102 = arith.muli %scan3A_51, %mul3A_101 : i32
      %add3A_103 = arith.constant 3 : i32
      %add3A_104 = arith.addi %mul3A_102, %add3A_103 : i32
      %dma_wait3A_105 = arith.constant 0 : i32
      %dma_wait3A_106 = tpu.memref_slice %arg6[%add3A_104, %dma_wait3A_105] : memref<80x125xi32, #tpu.memory_space<vmem>> -> memref<1x125xi32, #tpu.memory_space<vmem>>
      %dma_wait3A_107 = tpu.memref_squeeze %dma_wait3A_106 : memref<1x125xi32, #tpu.memory_space<vmem>> -> memref<125xi32, #tpu.memory_space<vmem>>
      %dma_wait3A_108 = arith.constant 0 : i32
      %dma_wait3A_109 = arith.constant 0 : i32
      %dma_wait3A_110 = tpu.memref_slice %arg2[%dma_wait3A_108, %dma_wait3A_109] : memref<10000x48xf32, #tpu.memory_space<hbm>> -> memref<10000x48xf32, #tpu.memory_space<hbm>>
      tpu.wait_indirect_dma semaphore(%arg16 : memref<!tpu.dma_semaphore, #tpu.memory_space<semaphore_mem>>) src(%dma_wait3A_110 : memref<10000x48xf32, #tpu.memory_space<hbm>>) dst(%arg11 : memref<125x48xf32, #tpu.memory_space<vmem>>)
      "tpu.region"() ({
        %run_scoped3A = tpu.sem_alloc : memref<!tpu.dma_semaphore, #tpu.memory_space<semaphore_mem>>
        %dma_start3A_118 = arith.constant 0 : i32
        %dma_start3A_119 = tpu.memref_slice %arg7[%add3A_104, %dma_start3A_118] : memref<80x125xi32, #tpu.memory_space<vmem>> -> memref<1x125xi32, #tpu.memory_space<vmem>>
        %dma_start3A_120 = tpu.memref_squeeze %dma_start3A_119 : memref<1x125xi32, #tpu.memory_space<vmem>> -> memref<125xi32, #tpu.memory_space<vmem>>
        %dma_start3A_121 = arith.constant 0 : i32
        %dma_start3A_122 = arith.constant 0 : i32
        %dma_start3A_123 = tpu.memref_slice %arg12[%dma_start3A_121, %dma_start3A_122] : memref<10000x48xf32, #tpu.memory_space<vmem_shared>> -> memref<10000x48xf32, #tpu.memory_space<vmem_shared>>
        tpu.enqueue_indirect_dma source(%arg11 : memref<125x48xf32, #tpu.memory_space<vmem>>) target(%dma_start3A_123 : memref<10000x48xf32, #tpu.memory_space<vmem_shared>>) offsets(%dma_start3A_120 : memref<125xi32, #tpu.memory_space<vmem>>) semaphore(%run_scoped3A : memref<!tpu.dma_semaphore, #tpu.memory_space<semaphore_mem>>) {add = true}
        %dma_wait3A_124 = arith.constant 0 : i32
        %dma_wait3A_125 = tpu.memref_slice %arg7[%add3A_104, %dma_wait3A_124] : memref<80x125xi32, #tpu.memory_space<vmem>> -> memref<1x125xi32, #tpu.memory_space<vmem>>
        %dma_wait3A_126 = tpu.memref_squeeze %dma_wait3A_125 : memref<1x125xi32, #tpu.memory_space<vmem>> -> memref<125xi32, #tpu.memory_space<vmem>>
        %dma_wait3A_127 = arith.constant 0 : i32
        %dma_wait3A_128 = arith.constant 0 : i32
        %dma_wait3A_129 = tpu.memref_slice %arg12[%dma_wait3A_127, %dma_wait3A_128] : memref<10000x48xf32, #tpu.memory_space<vmem_shared>> -> memref<10000x48xf32, #tpu.memory_space<vmem_shared>>
        tpu.wait_indirect_dma semaphore(%run_scoped3A : memref<!tpu.dma_semaphore, #tpu.memory_space<semaphore_mem>>) src(%arg11 : memref<125x48xf32, #tpu.memory_space<vmem>>) dst(%dma_wait3A_129 : memref<10000x48xf32, #tpu.memory_space<vmem_shared>>)
        tpu.yield
      }) : () -> ()
      %add3A_111 = arith.constant 4 : i32
      %add3A_112 = arith.addi %add3A_104, %add3A_111 : i32
      %lt3A_113 = arith.constant 80 : i32
      %lt3A_114 = arith.cmpi slt, %add3A_112, %lt3A_113 : i32
      %convert_element_type3A_115 = arith.extui %lt3A_114 : i1 to i32
      %cond3A_116 = arith.constant 0 : i32
      %cond3A_117 = arith.cmpi ne, %convert_element_type3A_115, %cond3A_116 : i32
      scf.if %cond3A_117 {
        %dma_start3A_118 = arith.constant 0 : i32
        %dma_start3A_119 = tpu.memref_slice %arg6[%add3A_112, %dma_start3A_118] : memref<80x125xi32, #tpu.memory_space<vmem>> -> memref<1x125xi32, #tpu.memory_space<vmem>>
        %dma_start3A_120 = tpu.memref_squeeze %dma_start3A_119 : memref<1x125xi32, #tpu.memory_space<vmem>> -> memref<125xi32, #tpu.memory_space<vmem>>
        %dma_start3A_121 = arith.constant 0 : i32
        %dma_start3A_122 = arith.constant 0 : i32
        %dma_start3A_123 = tpu.memref_slice %arg2[%dma_start3A_121, %dma_start3A_122] : memref<10000x48xf32, #tpu.memory_space<hbm>> -> memref<10000x48xf32, #tpu.memory_space<hbm>>
        tpu.enqueue_indirect_dma source(%dma_start3A_123 : memref<10000x48xf32, #tpu.memory_space<hbm>>) target(%arg11 : memref<125x48xf32, #tpu.memory_space<vmem>>) offsets(%dma_start3A_120 : memref<125xi32, #tpu.memory_space<vmem>>) semaphore(%arg16 : memref<!tpu.dma_semaphore, #tpu.memory_space<semaphore_mem>>)
      } else {
      }
    }
    %scan3A_38 = arith.constant 20 : i32
    %barrier3A_39 = arith.constant 0 : index
    tpu.barrier barrier_id(%barrier3A_39)
    %mul3A_40 = arith.constant 64 : i32
    %mul3A_41 = arith.muli %arg0, %mul3A_40 : i32
    %mul3A_42 = arith.constant 624 : i32
    %mul3A_43 = arith.muli %arg1, %mul3A_42 : i32
    %mul3A_44 = arith.constant 624 : i32
    %mul3A_45 = arith.muli %arg1, %mul3A_44 : i32
    "tpu.region"() ({
      %run_scoped3A = tpu.sem_alloc : memref<!tpu.dma_semaphore, #tpu.memory_space<semaphore_mem>>
      %dma_start3A_51 = tpu.memref_slice %arg5[%mul3A_45, %mul3A_41] : memref<10000x128xf32, #tpu.memory_space<hbm>> -> memref<624x48xf32, #tpu.memory_space<hbm>>
      %dma_start3A_52 = arith.constant 0 : i32
      %dma_start3A_53 = tpu.memref_slice %arg12[%mul3A_43, %dma_start3A_52] : memref<10000x48xf32, #tpu.memory_space<vmem_shared>> -> memref<624x48xf32, #tpu.memory_space<vmem_shared>>
      tpu.enqueue_dma source(%dma_start3A_53 : memref<624x48xf32, #tpu.memory_space<vmem_shared>>) target(%dma_start3A_51 : memref<624x48xf32, #tpu.memory_space<hbm>>) target_semaphore(%run_scoped3A : memref<!tpu.dma_semaphore, #tpu.memory_space<semaphore_mem>>)
      %dma_wait3A = tpu.memref_slice %arg5[%mul3A_45, %mul3A_41] : memref<10000x128xf32, #tpu.memory_space<hbm>> -> memref<624x48xf32, #tpu.memory_space<hbm>>
      %dma_wait3A_54 = arith.constant 0 : i32
      %dma_wait3A_55 = tpu.memref_slice %arg12[%mul3A_43, %dma_wait3A_54] : memref<10000x48xf32, #tpu.memory_space<vmem_shared>> -> memref<624x48xf32, #tpu.memory_space<vmem_shared>>
      tpu.wait_dma2 semaphore(%run_scoped3A : memref<!tpu.dma_semaphore, #tpu.memory_space<semaphore_mem>>) src(%dma_wait3A_55 : memref<624x48xf32, #tpu.memory_space<vmem_shared>>) dst(%dma_wait3A : memref<624x48xf32, #tpu.memory_space<hbm>>)
      tpu.yield
    }) : () -> ()
    %eq3A_46 = arith.constant 15 : i32
    %eq3A_47 = arith.cmpi eq, %arg1, %eq3A_46 : i32
    %convert_element_type3A_48 = arith.extui %eq3A_47 : i1 to i32
    %cond3A_49 = arith.constant 0 : i32
    %cond3A_50 = arith.cmpi ne, %convert_element_type3A_48, %cond3A_49 : i32
    scf.if %cond3A_50 {
      "tpu.region"() ({
        %run_scoped3A = tpu.sem_alloc : memref<!tpu.dma_semaphore, #tpu.memory_space<semaphore_mem>>
        %dma_start3A_51 = arith.constant 9984 : i32
        %dma_start3A_52 = tpu.memref_slice %arg5[%dma_start3A_51, %mul3A_41] : memref<10000x128xf32, #tpu.memory_space<hbm>> -> memref<16x48xf32, #tpu.memory_space<hbm>>
        %dma_start3A_53 = arith.constant 9984 : i32
        %dma_start3A_54 = arith.constant 0 : i32
        %dma_start3A_55 = tpu.memref_slice %arg12[%dma_start3A_53, %dma_start3A_54] : memref<10000x48xf32, #tpu.memory_space<vmem_shared>> -> memref<16x48xf32, #tpu.memory_space<vmem_shared>>
        tpu.enqueue_dma source(%dma_start3A_55 : memref<16x48xf32, #tpu.memory_space<vmem_shared>>) target(%dma_start3A_52 : memref<16x48xf32, #tpu.memory_space<hbm>>) target_semaphore(%run_scoped3A : memref<!tpu.dma_semaphore, #tpu.memory_space<semaphore_mem>>)
        %dma_wait3A = arith.constant 9984 : i32
        %dma_wait3A_56 = tpu.memref_slice %arg5[%dma_wait3A, %mul3A_41] : memref<10000x128xf32, #tpu.memory_space<hbm>> -> memref<16x48xf32, #tpu.memory_space<hbm>>
        %dma_wait3A_57 = arith.constant 9984 : i32
        %dma_wait3A_58 = arith.constant 0 : i32
        %dma_wait3A_59 = tpu.memref_slice %arg12[%dma_wait3A_57, %dma_wait3A_58] : memref<10000x48xf32, #tpu.memory_space<vmem_shared>> -> memref<16x48xf32, #tpu.memory_space<vmem_shared>>
        tpu.wait_dma2 semaphore(%run_scoped3A : memref<!tpu.dma_semaphore, #tpu.memory_space<semaphore_mem>>) src(%dma_wait3A_59 : memref<16x48xf32, #tpu.memory_space<vmem_shared>>) dst(%dma_wait3A_56 : memref<16x48xf32, #tpu.memory_space<hbm>>)
        tpu.yield
      }) : () -> ()
    } else {
    }
    return
  }
}

#map = affine_map<(d0, d1) -> (0)>
#map1 = affine_map<(d0, d1) -> (0, 0)>
#map2 = affine_map<(d0, d1) -> (0, 0, 0)>
module attributes {stable_mosaic.version = 14 : i64} {
  func.func @_deg_body(%arg0: i32, %arg1: i32, %arg2: memref<640000xi32, #tpu.memory_space<hbm>>, %arg3: memref<8x128xf32, #tpu.memory_space<hbm>>, %arg4: memref<1x80xi32, #tpu.memory_space<hbm>>, %arg5: memref<2x80x128xf32, #tpu.memory_space<hbm>>, %arg6: memref<2x80x128xf32, #tpu.memory_space<hbm>>, %arg7: memref<10000xi32, #tpu.memory_space<vmem>>, %arg8: memref<10000xi32, #tpu.memory_space<vmem>>, %arg9: memref<80x128xf32, #tpu.memory_space<vmem>>, %arg10: memref<80x128xf32, #tpu.memory_space<vmem>>, %arg11: memref<1x80xi32, #tpu.memory_space<vmem>>, %arg12: memref<80x128xf32, #tpu.memory_space<vmem_shared>>, %arg13: memref<80x128xf32, #tpu.memory_space<vmem_shared>>) attributes {dimension_semantics = [#tpu.dimension_semantics<core_parallel>, #tpu.dimension_semantics<subcore_parallel>], iteration_bounds = array<i64: 2, 16>, scalar_prefetch = 0 : i64, scratch_operands = 7 : i64, tpu.core_type = #tpu.core_type<sc_vector_subcore>, window_params = [{transform_indices = #map}, {transform_indices = #map1}, {transform_indices = #map1}, {transform_indices = #map2}, {transform_indices = #map2}]} {
    %mul3A = arith.constant 16 : i32
    %mul3A_0 = arith.muli %arg0, %mul3A : i32
    %add3A = arith.addi %mul3A_0, %arg1 : i32
    %mul3A_1 = arith.constant 10000 : i32
    %mul3A_2 = arith.muli %add3A, %mul3A_1 : i32
    "tpu.region"() ({
      %run_scoped3A_30 = tpu.sem_alloc : memref<!tpu.dma_semaphore, #tpu.memory_space<semaphore_mem>>
      %dma_start3A = tpu.memref_slice %arg2[%mul3A_2] : memref<640000xi32, #tpu.memory_space<hbm>> -> memref<10000xi32, #tpu.memory_space<hbm>>
      %dma_start3A_31 = tpu.memref_slice %arg2[%mul3A_2] : memref<640000xi32, #tpu.memory_space<hbm>> -> memref<10000xi32, #tpu.memory_space<hbm>>
      tpu.enqueue_dma source(%dma_start3A_31 : memref<10000xi32, #tpu.memory_space<hbm>>) target(%arg7 : memref<10000xi32, #tpu.memory_space<vmem>>) target_semaphore(%run_scoped3A_30 : memref<!tpu.dma_semaphore, #tpu.memory_space<semaphore_mem>>)
      %dma_wait3A = tpu.memref_slice %arg2[%mul3A_2] : memref<640000xi32, #tpu.memory_space<hbm>> -> memref<10000xi32, #tpu.memory_space<hbm>>
      %dma_wait3A_32 = tpu.memref_slice %arg2[%mul3A_2] : memref<640000xi32, #tpu.memory_space<hbm>> -> memref<10000xi32, #tpu.memory_space<hbm>>
      tpu.wait_dma2 semaphore(%run_scoped3A_30 : memref<!tpu.dma_semaphore, #tpu.memory_space<semaphore_mem>>) src(%dma_wait3A_32 : memref<10000xi32, #tpu.memory_space<hbm>>) dst(%arg7 : memref<10000xi32, #tpu.memory_space<vmem>>)
      tpu.yield
    }) : () -> ()
    %mul3A_3 = arith.constant 10000 : i32
    %mul3A_4 = arith.muli %add3A, %mul3A_3 : i32
    %add3A_5 = arith.constant 320000 : i32
    %add3A_6 = arith.addi %add3A_5, %mul3A_4 : i32
    "tpu.region"() ({
      %run_scoped3A_30 = tpu.sem_alloc : memref<!tpu.dma_semaphore, #tpu.memory_space<semaphore_mem>>
      %dma_start3A = tpu.memref_slice %arg2[%add3A_6] : memref<640000xi32, #tpu.memory_space<hbm>> -> memref<10000xi32, #tpu.memory_space<hbm>>
      %dma_start3A_31 = tpu.memref_slice %arg2[%add3A_6] : memref<640000xi32, #tpu.memory_space<hbm>> -> memref<10000xi32, #tpu.memory_space<hbm>>
      tpu.enqueue_dma source(%dma_start3A_31 : memref<10000xi32, #tpu.memory_space<hbm>>) target(%arg8 : memref<10000xi32, #tpu.memory_space<vmem>>) target_semaphore(%run_scoped3A_30 : memref<!tpu.dma_semaphore, #tpu.memory_space<semaphore_mem>>)
      %dma_wait3A = tpu.memref_slice %arg2[%add3A_6] : memref<640000xi32, #tpu.memory_space<hbm>> -> memref<10000xi32, #tpu.memory_space<hbm>>
      %dma_wait3A_32 = tpu.memref_slice %arg2[%add3A_6] : memref<640000xi32, #tpu.memory_space<hbm>> -> memref<10000xi32, #tpu.memory_space<hbm>>
      tpu.wait_dma2 semaphore(%run_scoped3A_30 : memref<!tpu.dma_semaphore, #tpu.memory_space<semaphore_mem>>) src(%dma_wait3A_32 : memref<10000xi32, #tpu.memory_space<hbm>>) dst(%arg8 : memref<10000xi32, #tpu.memory_space<vmem>>)
      tpu.yield
    }) : () -> ()
    "tpu.region"() ({
      %run_scoped3A_30 = tpu.sem_alloc : memref<!tpu.dma_semaphore, #tpu.memory_space<semaphore_mem>>
      tpu.enqueue_dma source(%arg4 : memref<1x80xi32, #tpu.memory_space<hbm>>) target(%arg11 : memref<1x80xi32, #tpu.memory_space<vmem>>) target_semaphore(%run_scoped3A_30 : memref<!tpu.dma_semaphore, #tpu.memory_space<semaphore_mem>>)
      tpu.wait_dma2 semaphore(%run_scoped3A_30 : memref<!tpu.dma_semaphore, #tpu.memory_space<semaphore_mem>>) src(%arg4 : memref<1x80xi32, #tpu.memory_space<hbm>>) dst(%arg11 : memref<1x80xi32, #tpu.memory_space<vmem>>)
      tpu.yield
    }) : () -> ()
    %lt3A = arith.constant 10 : i32
    %lt3A_7 = arith.cmpi slt, %arg1, %lt3A : i32
    %convert_element_type3A = arith.extui %lt3A_7 : i1 to i32
    %cond3A = arith.constant 0 : i32
    %cond3A_8 = arith.cmpi ne, %convert_element_type3A, %cond3A : i32
    scf.if %cond3A_8 {
      %mul3A_30 = arith.constant 8 : i32
      %mul3A_31 = arith.muli %arg1, %mul3A_30 : i32
      "tpu.region"() ({
        %run_scoped3A_34 = tpu.sem_alloc : memref<!tpu.dma_semaphore, #tpu.memory_space<semaphore_mem>>
        %dma_start3A = arith.constant 0 : i32
        %dma_start3A_35 = tpu.memref_slice %arg12[%mul3A_31, %dma_start3A] : memref<80x128xf32, #tpu.memory_space<vmem_shared>> -> memref<8x128xf32, #tpu.memory_space<vmem_shared>>
        tpu.enqueue_dma source(%arg3 : memref<8x128xf32, #tpu.memory_space<hbm>>) target(%dma_start3A_35 : memref<8x128xf32, #tpu.memory_space<vmem_shared>>) target_semaphore(%run_scoped3A_34 : memref<!tpu.dma_semaphore, #tpu.memory_space<semaphore_mem>>)
        %dma_wait3A = arith.constant 0 : i32
        %dma_wait3A_36 = tpu.memref_slice %arg12[%mul3A_31, %dma_wait3A] : memref<80x128xf32, #tpu.memory_space<vmem_shared>> -> memref<8x128xf32, #tpu.memory_space<vmem_shared>>
        tpu.wait_dma2 semaphore(%run_scoped3A_34 : memref<!tpu.dma_semaphore, #tpu.memory_space<semaphore_mem>>) src(%arg3 : memref<8x128xf32, #tpu.memory_space<hbm>>) dst(%dma_wait3A_36 : memref<8x128xf32, #tpu.memory_space<vmem_shared>>)
        tpu.yield
      }) : () -> ()
      %mul3A_32 = arith.constant 8 : i32
      %mul3A_33 = arith.muli %arg1, %mul3A_32 : i32
      "tpu.region"() ({
        %run_scoped3A_34 = tpu.sem_alloc : memref<!tpu.dma_semaphore, #tpu.memory_space<semaphore_mem>>
        %dma_start3A = arith.constant 0 : i32
        %dma_start3A_35 = tpu.memref_slice %arg13[%mul3A_33, %dma_start3A] : memref<80x128xf32, #tpu.memory_space<vmem_shared>> -> memref<8x128xf32, #tpu.memory_space<vmem_shared>>
        tpu.enqueue_dma source(%arg3 : memref<8x128xf32, #tpu.memory_space<hbm>>) target(%dma_start3A_35 : memref<8x128xf32, #tpu.memory_space<vmem_shared>>) target_semaphore(%run_scoped3A_34 : memref<!tpu.dma_semaphore, #tpu.memory_space<semaphore_mem>>)
        %dma_wait3A = arith.constant 0 : i32
        %dma_wait3A_36 = tpu.memref_slice %arg13[%mul3A_33, %dma_wait3A] : memref<80x128xf32, #tpu.memory_space<vmem_shared>> -> memref<8x128xf32, #tpu.memory_space<vmem_shared>>
        tpu.wait_dma2 semaphore(%run_scoped3A_34 : memref<!tpu.dma_semaphore, #tpu.memory_space<semaphore_mem>>) src(%arg3 : memref<8x128xf32, #tpu.memory_space<hbm>>) dst(%dma_wait3A_36 : memref<8x128xf32, #tpu.memory_space<vmem_shared>>)
        tpu.yield
      }) : () -> ()
    } else {
    }
    %broadcast_in_dim3A = arith.constant 0.000000e+00 : f32
    %broadcast_in_dim3A_9 = vector.broadcast %broadcast_in_dim3A : f32 to vector<16xf32>
    %scan3A = arith.constant 0 : i32
    %scan3A_10 = arith.constant 0 : i32
    %scan3A_11 = arith.constant 80 : i32
    %scan3A_12 = arith.addi %scan3A_10, %scan3A_11 : i32
    %scan3A_13 = arith.constant 1 : i32
    scf.for %scan3A_30 = %scan3A_10 to %scan3A_12 step %scan3A_13  : i32 {
      %swap3A = arith.index_cast %scan3A_30 : i32 to index
      %swap3A_31 = arith.constant 0 : index
      %swap3A_32 = tpu.vector_load %arg9[%swap3A, %swap3A_31] {strides = array<i32>} : memref<80x128xf32, #tpu.memory_space<vmem>>, vector<16xf32>,
      tpu.vector_store %arg9[%swap3A, %swap3A_31], %broadcast_in_dim3A_9 {strides = array<i32>} : memref<80x128xf32, #tpu.memory_space<vmem>>, vector<16xf32>,
      %swap3A_33 = arith.index_cast %scan3A_30 : i32 to index
      %swap3A_34 = arith.constant 0 : index
      %swap3A_35 = tpu.vector_load %arg10[%swap3A_33, %swap3A_34] {strides = array<i32>} : memref<80x128xf32, #tpu.memory_space<vmem>>, vector<16xf32>,
      tpu.vector_store %arg10[%swap3A_33, %swap3A_34], %broadcast_in_dim3A_9 {strides = array<i32>} : memref<80x128xf32, #tpu.memory_space<vmem>>, vector<16xf32>,
      %swap3A_36 = arith.index_cast %scan3A_30 : i32 to index
      %swap3A_37 = arith.constant 16 : index
      %swap3A_38 = tpu.vector_load %arg9[%swap3A_36, %swap3A_37] {strides = array<i32>} : memref<80x128xf32, #tpu.memory_space<vmem>>, vector<16xf32>,
      tpu.vector_store %arg9[%swap3A_36, %swap3A_37], %broadcast_in_dim3A_9 {strides = array<i32>} : memref<80x128xf32, #tpu.memory_space<vmem>>, vector<16xf32>,
      %swap3A_39 = arith.index_cast %scan3A_30 : i32 to index
      %swap3A_40 = arith.constant 16 : index
      %swap3A_41 = tpu.vector_load %arg10[%swap3A_39, %swap3A_40] {strides = array<i32>} : memref<80x128xf32, #tpu.memory_space<vmem>>, vector<16xf32>,
      tpu.vector_store %arg10[%swap3A_39, %swap3A_40], %broadcast_in_dim3A_9 {strides = array<i32>} : memref<80x128xf32, #tpu.memory_space<vmem>>, vector<16xf32>,
      %swap3A_42 = arith.index_cast %scan3A_30 : i32 to index
      %swap3A_43 = arith.constant 32 : index
      %swap3A_44 = tpu.vector_load %arg9[%swap3A_42, %swap3A_43] {strides = array<i32>} : memref<80x128xf32, #tpu.memory_space<vmem>>, vector<16xf32>,
      tpu.vector_store %arg9[%swap3A_42, %swap3A_43], %broadcast_in_dim3A_9 {strides = array<i32>} : memref<80x128xf32, #tpu.memory_space<vmem>>, vector<16xf32>,
      %swap3A_45 = arith.index_cast %scan3A_30 : i32 to index
      %swap3A_46 = arith.constant 32 : index
      %swap3A_47 = tpu.vector_load %arg10[%swap3A_45, %swap3A_46] {strides = array<i32>} : memref<80x128xf32, #tpu.memory_space<vmem>>, vector<16xf32>,
      tpu.vector_store %arg10[%swap3A_45, %swap3A_46], %broadcast_in_dim3A_9 {strides = array<i32>} : memref<80x128xf32, #tpu.memory_space<vmem>>, vector<16xf32>,
      %swap3A_48 = arith.index_cast %scan3A_30 : i32 to index
      %swap3A_49 = arith.constant 48 : index
      %swap3A_50 = tpu.vector_load %arg9[%swap3A_48, %swap3A_49] {strides = array<i32>} : memref<80x128xf32, #tpu.memory_space<vmem>>, vector<16xf32>,
      tpu.vector_store %arg9[%swap3A_48, %swap3A_49], %broadcast_in_dim3A_9 {strides = array<i32>} : memref<80x128xf32, #tpu.memory_space<vmem>>, vector<16xf32>,
      %swap3A_51 = arith.index_cast %scan3A_30 : i32 to index
      %swap3A_52 = arith.constant 48 : index
      %swap3A_53 = tpu.vector_load %arg10[%swap3A_51, %swap3A_52] {strides = array<i32>} : memref<80x128xf32, #tpu.memory_space<vmem>>, vector<16xf32>,
      tpu.vector_store %arg10[%swap3A_51, %swap3A_52], %broadcast_in_dim3A_9 {strides = array<i32>} : memref<80x128xf32, #tpu.memory_space<vmem>>, vector<16xf32>,
      %swap3A_54 = arith.index_cast %scan3A_30 : i32 to index
      %swap3A_55 = arith.constant 64 : index
      %swap3A_56 = tpu.vector_load %arg9[%swap3A_54, %swap3A_55] {strides = array<i32>} : memref<80x128xf32, #tpu.memory_space<vmem>>, vector<16xf32>,
      tpu.vector_store %arg9[%swap3A_54, %swap3A_55], %broadcast_in_dim3A_9 {strides = array<i32>} : memref<80x128xf32, #tpu.memory_space<vmem>>, vector<16xf32>,
      %swap3A_57 = arith.index_cast %scan3A_30 : i32 to index
      %swap3A_58 = arith.constant 64 : index
      %swap3A_59 = tpu.vector_load %arg10[%swap3A_57, %swap3A_58] {strides = array<i32>} : memref<80x128xf32, #tpu.memory_space<vmem>>, vector<16xf32>,
      tpu.vector_store %arg10[%swap3A_57, %swap3A_58], %broadcast_in_dim3A_9 {strides = array<i32>} : memref<80x128xf32, #tpu.memory_space<vmem>>, vector<16xf32>,
      %swap3A_60 = arith.index_cast %scan3A_30 : i32 to index
      %swap3A_61 = arith.constant 80 : index
      %swap3A_62 = tpu.vector_load %arg9[%swap3A_60, %swap3A_61] {strides = array<i32>} : memref<80x128xf32, #tpu.memory_space<vmem>>, vector<16xf32>,
      tpu.vector_store %arg9[%swap3A_60, %swap3A_61], %broadcast_in_dim3A_9 {strides = array<i32>} : memref<80x128xf32, #tpu.memory_space<vmem>>, vector<16xf32>,
      %swap3A_63 = arith.index_cast %scan3A_30 : i32 to index
      %swap3A_64 = arith.constant 80 : index
      %swap3A_65 = tpu.vector_load %arg10[%swap3A_63, %swap3A_64] {strides = array<i32>} : memref<80x128xf32, #tpu.memory_space<vmem>>, vector<16xf32>,
      tpu.vector_store %arg10[%swap3A_63, %swap3A_64], %broadcast_in_dim3A_9 {strides = array<i32>} : memref<80x128xf32, #tpu.memory_space<vmem>>, vector<16xf32>,
      %swap3A_66 = arith.index_cast %scan3A_30 : i32 to index
      %swap3A_67 = arith.constant 96 : index
      %swap3A_68 = tpu.vector_load %arg9[%swap3A_66, %swap3A_67] {strides = array<i32>} : memref<80x128xf32, #tpu.memory_space<vmem>>, vector<16xf32>,
      tpu.vector_store %arg9[%swap3A_66, %swap3A_67], %broadcast_in_dim3A_9 {strides = array<i32>} : memref<80x128xf32, #tpu.memory_space<vmem>>, vector<16xf32>,
      %swap3A_69 = arith.index_cast %scan3A_30 : i32 to index
      %swap3A_70 = arith.constant 96 : index
      %swap3A_71 = tpu.vector_load %arg10[%swap3A_69, %swap3A_70] {strides = array<i32>} : memref<80x128xf32, #tpu.memory_space<vmem>>, vector<16xf32>,
      tpu.vector_store %arg10[%swap3A_69, %swap3A_70], %broadcast_in_dim3A_9 {strides = array<i32>} : memref<80x128xf32, #tpu.memory_space<vmem>>, vector<16xf32>,
      %swap3A_72 = arith.index_cast %scan3A_30 : i32 to index
      %swap3A_73 = arith.constant 112 : index
      %swap3A_74 = tpu.vector_load %arg9[%swap3A_72, %swap3A_73] {strides = array<i32>} : memref<80x128xf32, #tpu.memory_space<vmem>>, vector<16xf32>,
      tpu.vector_store %arg9[%swap3A_72, %swap3A_73], %broadcast_in_dim3A_9 {strides = array<i32>} : memref<80x128xf32, #tpu.memory_space<vmem>>, vector<16xf32>,
      %swap3A_75 = arith.index_cast %scan3A_30 : i32 to index
      %swap3A_76 = arith.constant 112 : index
      %swap3A_77 = tpu.vector_load %arg10[%swap3A_75, %swap3A_76] {strides = array<i32>} : memref<80x128xf32, #tpu.memory_space<vmem>>, vector<16xf32>,
      tpu.vector_store %arg10[%swap3A_75, %swap3A_76], %broadcast_in_dim3A_9 {strides = array<i32>} : memref<80x128xf32, #tpu.memory_space<vmem>>, vector<16xf32>,
    }
    %scan3A_14 = arith.constant 80 : i32
    %broadcast_in_dim3A_15 = arith.constant 1.000000e+00 : f32
    %broadcast_in_dim3A_16 = vector.broadcast %broadcast_in_dim3A_15 : f32 to vector<16xf32>
    %scan3A_17 = arith.constant 0 : i32
    %scan3A_18 = arith.constant 0 : i32
    %scan3A_19 = arith.constant 625 : i32
    %scan3A_20 = arith.addi %scan3A_18, %scan3A_19 : i32
    %scan3A_21 = arith.constant 1 : i32
    scf.for %scan3A_30 = %scan3A_18 to %scan3A_20 step %scan3A_21  : i32 {
      %mul3A_31 = arith.constant 16 : i32
      %mul3A_32 = arith.muli %scan3A_30, %mul3A_31 : i32
      %get3A = arith.index_cast %mul3A_32 : i32 to index
      %get3A_33 = tpu.vector_load %arg7[%get3A] {strides = array<i32>} : memref<10000xi32, #tpu.memory_space<vmem>>, vector<16xi32>,
      %mul3A_34 = arith.constant 16 : i32
      %mul3A_35 = arith.muli %scan3A_30, %mul3A_34 : i32
      %get3A_36 = arith.index_cast %mul3A_35 : i32 to index
      %get3A_37 = tpu.vector_load %arg8[%get3A_36] {strides = array<i32>} : memref<10000xi32, #tpu.memory_space<vmem>>, vector<16xi32>,
      %shift_right_arithmetic3A = arith.constant 7 : i32
      %shift_right_arithmetic3A_38 = vector.broadcast %shift_right_arithmetic3A : i32 to vector<16xi32>
      %shift_right_arithmetic3A_39 = arith.shrsi %get3A_33, %shift_right_arithmetic3A_38 : vector<16xi32>
      %and3A = arith.constant 127 : i32
      %and3A_40 = vector.broadcast %and3A : i32 to vector<16xi32>
      %and3A_41 = arith.andi %get3A_33, %and3A_40 : vector<16xi32>
      tpu.vector_store_idx %arg9[%shift_right_arithmetic3A_39, %and3A_41], %broadcast_in_dim3A_16 {add = true} : memref<80x128xf32, #tpu.memory_space<vmem>>[vector<16xi32>, vector<16xi32>], vector<16xf32>,
      %shift_right_arithmetic3A_42 = arith.constant 7 : i32
      %shift_right_arithmetic3A_43 = vector.broadcast %shift_right_arithmetic3A_42 : i32 to vector<16xi32>
      %shift_right_arithmetic3A_44 = arith.shrsi %get3A_37, %shift_right_arithmetic3A_43 : vector<16xi32>
      %and3A_45 = arith.constant 127 : i32
      %and3A_46 = vector.broadcast %and3A_45 : i32 to vector<16xi32>
      %and3A_47 = arith.andi %get3A_37, %and3A_46 : vector<16xi32>
      tpu.vector_store_idx %arg10[%shift_right_arithmetic3A_44, %and3A_47], %broadcast_in_dim3A_16 {add = true} : memref<80x128xf32, #tpu.memory_space<vmem>>[vector<16xi32>, vector<16xi32>], vector<16xf32>,
    }
    %scan3A_22 = arith.constant 625 : i32
    %barrier3A = arith.constant 0 : index
    tpu.barrier barrier_id(%barrier3A)
    %run_scoped3A = arith.constant 0 : i32
    "tpu.region"() ({
      %run_scoped3A_30 = tpu.sem_alloc : memref<!tpu.dma_semaphore, #tpu.memory_space<semaphore_mem>>
      %dma_start3A = arith.constant 0 : i32
      %dma_start3A_31 = tpu.memref_slice %arg11[%run_scoped3A, %dma_start3A] : memref<1x80xi32, #tpu.memory_space<vmem>> -> memref<1x80xi32, #tpu.memory_space<vmem>>
      %dma_start3A_32 = tpu.memref_squeeze %dma_start3A_31 : memref<1x80xi32, #tpu.memory_space<vmem>> -> memref<80xi32, #tpu.memory_space<vmem>>
      %dma_start3A_33 = arith.constant 0 : i32
      %dma_start3A_34 = arith.constant 0 : i32
      %dma_start3A_35 = tpu.memref_slice %arg12[%dma_start3A_33, %dma_start3A_34] : memref<80x128xf32, #tpu.memory_space<vmem_shared>> -> memref<80x128xf32, #tpu.memory_space<vmem_shared>>
      tpu.enqueue_indirect_dma source(%arg9 : memref<80x128xf32, #tpu.memory_space<vmem>>) target(%dma_start3A_35 : memref<80x128xf32, #tpu.memory_space<vmem_shared>>) offsets(%dma_start3A_32 : memref<80xi32, #tpu.memory_space<vmem>>) semaphore(%run_scoped3A_30 : memref<!tpu.dma_semaphore, #tpu.memory_space<semaphore_mem>>) {add = true}
      %dma_wait3A = arith.constant 0 : i32
      %dma_wait3A_36 = tpu.memref_slice %arg11[%run_scoped3A, %dma_wait3A] : memref<1x80xi32, #tpu.memory_space<vmem>> -> memref<1x80xi32, #tpu.memory_space<vmem>>
      %dma_wait3A_37 = tpu.memref_squeeze %dma_wait3A_36 : memref<1x80xi32, #tpu.memory_space<vmem>> -> memref<80xi32, #tpu.memory_space<vmem>>
      %dma_wait3A_38 = arith.constant 0 : i32
      %dma_wait3A_39 = arith.constant 0 : i32
      %dma_wait3A_40 = tpu.memref_slice %arg12[%dma_wait3A_38, %dma_wait3A_39] : memref<80x128xf32, #tpu.memory_space<vmem_shared>> -> memref<80x128xf32, #tpu.memory_space<vmem_shared>>
      tpu.wait_indirect_dma semaphore(%run_scoped3A_30 : memref<!tpu.dma_semaphore, #tpu.memory_space<semaphore_mem>>) src(%arg9 : memref<80x128xf32, #tpu.memory_space<vmem>>) dst(%dma_wait3A_40 : memref<80x128xf32, #tpu.memory_space<vmem_shared>>)
      tpu.yield
    }) : () -> ()
    %run_scoped3A_23 = arith.constant 0 : i32
    "tpu.region"() ({
      %run_scoped3A_30 = tpu.sem_alloc : memref<!tpu.dma_semaphore, #tpu.memory_space<semaphore_mem>>
      %dma_start3A = arith.constant 0 : i32
      %dma_start3A_31 = tpu.memref_slice %arg11[%run_scoped3A_23, %dma_start3A] : memref<1x80xi32, #tpu.memory_space<vmem>> -> memref<1x80xi32, #tpu.memory_space<vmem>>
      %dma_start3A_32 = tpu.memref_squeeze %dma_start3A_31 : memref<1x80xi32, #tpu.memory_space<vmem>> -> memref<80xi32, #tpu.memory_space<vmem>>
      %dma_start3A_33 = arith.constant 0 : i32
      %dma_start3A_34 = arith.constant 0 : i32
      %dma_start3A_35 = tpu.memref_slice %arg13[%dma_start3A_33, %dma_start3A_34] : memref<80x128xf32, #tpu.memory_space<vmem_shared>> -> memref<80x128xf32, #tpu.memory_space<vmem_shared>>
      tpu.enqueue_indirect_dma source(%arg10 : memref<80x128xf32, #tpu.memory_space<vmem>>) target(%dma_start3A_35 : memref<80x128xf32, #tpu.memory_space<vmem_shared>>) offsets(%dma_start3A_32 : memref<80xi32, #tpu.memory_space<vmem>>) semaphore(%run_scoped3A_30 : memref<!tpu.dma_semaphore, #tpu.memory_space<semaphore_mem>>) {add = true}
      %dma_wait3A = arith.constant 0 : i32
      %dma_wait3A_36 = tpu.memref_slice %arg11[%run_scoped3A_23, %dma_wait3A] : memref<1x80xi32, #tpu.memory_space<vmem>> -> memref<1x80xi32, #tpu.memory_space<vmem>>
      %dma_wait3A_37 = tpu.memref_squeeze %dma_wait3A_36 : memref<1x80xi32, #tpu.memory_space<vmem>> -> memref<80xi32, #tpu.memory_space<vmem>>
      %dma_wait3A_38 = arith.constant 0 : i32
      %dma_wait3A_39 = arith.constant 0 : i32
      %dma_wait3A_40 = tpu.memref_slice %arg13[%dma_wait3A_38, %dma_wait3A_39] : memref<80x128xf32, #tpu.memory_space<vmem_shared>> -> memref<80x128xf32, #tpu.memory_space<vmem_shared>>
      tpu.wait_indirect_dma semaphore(%run_scoped3A_30 : memref<!tpu.dma_semaphore, #tpu.memory_space<semaphore_mem>>) src(%arg10 : memref<80x128xf32, #tpu.memory_space<vmem>>) dst(%dma_wait3A_40 : memref<80x128xf32, #tpu.memory_space<vmem_shared>>)
      tpu.yield
    }) : () -> ()
    %barrier3A_24 = arith.constant 0 : index
    tpu.barrier barrier_id(%barrier3A_24)
    %lt3A_25 = arith.constant 10 : i32
    %lt3A_26 = arith.cmpi slt, %arg1, %lt3A_25 : i32
    %convert_element_type3A_27 = arith.extui %lt3A_26 : i1 to i32
    %cond3A_28 = arith.constant 0 : i32
    %cond3A_29 = arith.cmpi ne, %convert_element_type3A_27, %cond3A_28 : i32
    scf.if %cond3A_29 {
      %mul3A_30 = arith.constant 8 : i32
      %mul3A_31 = arith.muli %arg1, %mul3A_30 : i32
      %mul3A_32 = arith.constant 8 : i32
      %mul3A_33 = arith.muli %arg1, %mul3A_32 : i32
      "tpu.region"() ({
        %run_scoped3A_38 = tpu.sem_alloc : memref<!tpu.dma_semaphore, #tpu.memory_space<semaphore_mem>>
        %dma_start3A = arith.constant 0 : i32
        %dma_start3A_39 = arith.constant 0 : i32
        %dma_start3A_40 = tpu.memref_slice %arg5[%arg0, %dma_start3A, %dma_start3A_39] : memref<2x80x128xf32, #tpu.memory_space<hbm>> -> memref<1x80x128xf32, #tpu.memory_space<hbm>>
        %dma_start3A_41 = tpu.memref_squeeze %dma_start3A_40 : memref<1x80x128xf32, #tpu.memory_space<hbm>> -> memref<80x128xf32, #tpu.memory_space<hbm>>
        %dma_start3A_42 = arith.constant 0 : i32
        %dma_start3A_43 = tpu.memref_slice %dma_start3A_41[%mul3A_33, %dma_start3A_42] : memref<80x128xf32, #tpu.memory_space<hbm>> -> memref<8x128xf32, #tpu.memory_space<hbm>>
        %dma_start3A_44 = arith.constant 0 : i32
        %dma_start3A_45 = tpu.memref_slice %arg12[%mul3A_31, %dma_start3A_44] : memref<80x128xf32, #tpu.memory_space<vmem_shared>> -> memref<8x128xf32, #tpu.memory_space<vmem_shared>>
        tpu.enqueue_dma source(%dma_start3A_45 : memref<8x128xf32, #tpu.memory_space<vmem_shared>>) target(%dma_start3A_43 : memref<8x128xf32, #tpu.memory_space<hbm>>) target_semaphore(%run_scoped3A_38 : memref<!tpu.dma_semaphore, #tpu.memory_space<semaphore_mem>>)
        %dma_wait3A = arith.constant 0 : i32
        %dma_wait3A_46 = arith.constant 0 : i32
        %dma_wait3A_47 = tpu.memref_slice %arg5[%arg0, %dma_wait3A, %dma_wait3A_46] : memref<2x80x128xf32, #tpu.memory_space<hbm>> -> memref<1x80x128xf32, #tpu.memory_space<hbm>>
        %dma_wait3A_48 = tpu.memref_squeeze %dma_wait3A_47 : memref<1x80x128xf32, #tpu.memory_space<hbm>> -> memref<80x128xf32, #tpu.memory_space<hbm>>
        %dma_wait3A_49 = arith.constant 0 : i32
        %dma_wait3A_50 = tpu.memref_slice %dma_wait3A_48[%mul3A_33, %dma_wait3A_49] : memref<80x128xf32, #tpu.memory_space<hbm>> -> memref<8x128xf32, #tpu.memory_space<hbm>>
        %dma_wait3A_51 = arith.constant 0 : i32
        %dma_wait3A_52 = tpu.memref_slice %arg12[%mul3A_31, %dma_wait3A_51] : memref<80x128xf32, #tpu.memory_space<vmem_shared>> -> memref<8x128xf32, #tpu.memory_space<vmem_shared>>
        tpu.wait_dma2 semaphore(%run_scoped3A_38 : memref<!tpu.dma_semaphore, #tpu.memory_space<semaphore_mem>>) src(%dma_wait3A_52 : memref<8x128xf32, #tpu.memory_space<vmem_shared>>) dst(%dma_wait3A_50 : memref<8x128xf32, #tpu.memory_space<hbm>>)
        tpu.yield
      }) : () -> ()
      %mul3A_34 = arith.constant 8 : i32
      %mul3A_35 = arith.muli %arg1, %mul3A_34 : i32
      %mul3A_36 = arith.constant 8 : i32
      %mul3A_37 = arith.muli %arg1, %mul3A_36 : i32
      "tpu.region"() ({
        %run_scoped3A_38 = tpu.sem_alloc : memref<!tpu.dma_semaphore, #tpu.memory_space<semaphore_mem>>
        %dma_start3A = arith.constant 0 : i32
        %dma_start3A_39 = arith.constant 0 : i32
        %dma_start3A_40 = tpu.memref_slice %arg6[%arg0, %dma_start3A, %dma_start3A_39] : memref<2x80x128xf32, #tpu.memory_space<hbm>> -> memref<1x80x128xf32, #tpu.memory_space<hbm>>
        %dma_start3A_41 = tpu.memref_squeeze %dma_start3A_40 : memref<1x80x128xf32, #tpu.memory_space<hbm>> -> memref<80x128xf32, #tpu.memory_space<hbm>>
        %dma_start3A_42 = arith.constant 0 : i32
        %dma_start3A_43 = tpu.memref_slice %dma_start3A_41[%mul3A_37, %dma_start3A_42] : memref<80x128xf32, #tpu.memory_space<hbm>> -> memref<8x128xf32, #tpu.memory_space<hbm>>
        %dma_start3A_44 = arith.constant 0 : i32
        %dma_start3A_45 = tpu.memref_slice %arg13[%mul3A_35, %dma_start3A_44] : memref<80x128xf32, #tpu.memory_space<vmem_shared>> -> memref<8x128xf32, #tpu.memory_space<vmem_shared>>
        tpu.enqueue_dma source(%dma_start3A_45 : memref<8x128xf32, #tpu.memory_space<vmem_shared>>) target(%dma_start3A_43 : memref<8x128xf32, #tpu.memory_space<hbm>>) target_semaphore(%run_scoped3A_38 : memref<!tpu.dma_semaphore, #tpu.memory_space<semaphore_mem>>)
        %dma_wait3A = arith.constant 0 : i32
        %dma_wait3A_46 = arith.constant 0 : i32
        %dma_wait3A_47 = tpu.memref_slice %arg6[%arg0, %dma_wait3A, %dma_wait3A_46] : memref<2x80x128xf32, #tpu.memory_space<hbm>> -> memref<1x80x128xf32, #tpu.memory_space<hbm>>
        %dma_wait3A_48 = tpu.memref_squeeze %dma_wait3A_47 : memref<1x80x128xf32, #tpu.memory_space<hbm>> -> memref<80x128xf32, #tpu.memory_space<hbm>>
        %dma_wait3A_49 = arith.constant 0 : i32
        %dma_wait3A_50 = tpu.memref_slice %dma_wait3A_48[%mul3A_37, %dma_wait3A_49] : memref<80x128xf32, #tpu.memory_space<hbm>> -> memref<8x128xf32, #tpu.memory_space<hbm>>
        %dma_wait3A_51 = arith.constant 0 : i32
        %dma_wait3A_52 = tpu.memref_slice %arg13[%mul3A_35, %dma_wait3A_51] : memref<80x128xf32, #tpu.memory_space<vmem_shared>> -> memref<8x128xf32, #tpu.memory_space<vmem_shared>>
        tpu.wait_dma2 semaphore(%run_scoped3A_38 : memref<!tpu.dma_semaphore, #tpu.memory_space<semaphore_mem>>) src(%dma_wait3A_52 : memref<8x128xf32, #tpu.memory_space<vmem_shared>>) dst(%dma_wait3A_50 : memref<8x128xf32, #tpu.memory_space<hbm>>)
        tpu.yield
      }) : () -> ()
    } else {
    }
    return
  }
}

#map = affine_map<(d0, d1) -> (0, 0, 0)>
#map1 = affine_map<(d0, d1) -> (0, 0)>
module attributes {stable_mosaic.version = 14 : i64} {
  func.func @_agg1_body(%arg0: i32, %arg1: i32, %arg2: memref<2x10000x64xf32, #tpu.memory_space<hbm>>, %arg3: memref<64x80x125xi32, #tpu.memory_space<hbm>>, %arg4: memref<640x64xf32, #tpu.memory_space<hbm>>, %arg5: memref<10000x128xf32, #tpu.memory_space<hbm>>, %arg6: memref<160x125xi32, #tpu.memory_space<vmem>>, %arg7: memref<160x125xi32, #tpu.memory_space<vmem>>, %arg8: memref<125x64xf32, #tpu.memory_space<vmem>>, %arg9: memref<125x64xf32, #tpu.memory_space<vmem>>, %arg10: memref<125x64xf32, #tpu.memory_space<vmem>>, %arg11: memref<125x64xf32, #tpu.memory_space<vmem>>, %arg12: memref<10000x64xf32, #tpu.memory_space<vmem_shared>>, %arg13: memref<!tpu.dma_semaphore, #tpu.memory_space<semaphore_mem>>, %arg14: memref<!tpu.dma_semaphore, #tpu.memory_space<semaphore_mem>>, %arg15: memref<!tpu.dma_semaphore, #tpu.memory_space<semaphore_mem>>, %arg16: memref<!tpu.dma_semaphore, #tpu.memory_space<semaphore_mem>>) attributes {dimension_semantics = [#tpu.dimension_semantics<core_parallel>, #tpu.dimension_semantics<subcore_parallel>], iteration_bounds = array<i64: 2, 16>, scalar_prefetch = 0 : i64, scratch_operands = 11 : i64, tpu.core_type = #tpu.core_type<sc_vector_subcore>, window_params = [{transform_indices = #map}, {transform_indices = #map}, {transform_indices = #map1}, {transform_indices = #map1}]} {
    "tpu.region"() ({
      %run_scoped3A = tpu.sem_alloc : memref<!tpu.dma_semaphore, #tpu.memory_space<semaphore_mem>>
      %dma_start3A_68 = arith.constant 0 : i32
      %dma_start3A_69 = arith.constant 0 : i32
      %dma_start3A_70 = tpu.memref_slice %arg6[%dma_start3A_68, %dma_start3A_69] : memref<160x125xi32, #tpu.memory_space<vmem>> -> memref<80x125xi32, #tpu.memory_space<vmem>>
      %dma_start3A_71 = arith.constant 0 : i32
      %dma_start3A_72 = arith.constant 0 : i32
      %dma_start3A_73 = tpu.memref_slice %arg3[%arg1, %dma_start3A_71, %dma_start3A_72] : memref<64x80x125xi32, #tpu.memory_space<hbm>> -> memref<1x80x125xi32, #tpu.memory_space<hbm>>
      %dma_start3A_74 = tpu.memref_squeeze %dma_start3A_73 : memref<1x80x125xi32, #tpu.memory_space<hbm>> -> memref<80x125xi32, #tpu.memory_space<hbm>>
      %dma_start3A_75 = arith.constant 0 : i32
      %dma_start3A_76 = arith.constant 0 : i32
      %dma_start3A_77 = tpu.memref_slice %arg6[%dma_start3A_75, %dma_start3A_76] : memref<160x125xi32, #tpu.memory_space<vmem>> -> memref<80x125xi32, #tpu.memory_space<vmem>>
      %dma_start3A_78 = arith.constant 0 : i32
      %dma_start3A_79 = arith.constant 0 : i32
      %dma_start3A_80 = tpu.memref_slice %arg3[%arg1, %dma_start3A_78, %dma_start3A_79] : memref<64x80x125xi32, #tpu.memory_space<hbm>> -> memref<1x80x125xi32, #tpu.memory_space<hbm>>
      %dma_start3A_81 = tpu.memref_squeeze %dma_start3A_80 : memref<1x80x125xi32, #tpu.memory_space<hbm>> -> memref<80x125xi32, #tpu.memory_space<hbm>>
      tpu.enqueue_dma source(%dma_start3A_81 : memref<80x125xi32, #tpu.memory_space<hbm>>) target(%dma_start3A_77 : memref<80x125xi32, #tpu.memory_space<vmem>>) target_semaphore(%run_scoped3A : memref<!tpu.dma_semaphore, #tpu.memory_space<semaphore_mem>>)
      %dma_wait3A = arith.constant 0 : i32
      %dma_wait3A_82 = arith.constant 0 : i32
      %dma_wait3A_83 = tpu.memref_slice %arg6[%dma_wait3A, %dma_wait3A_82] : memref<160x125xi32, #tpu.memory_space<vmem>> -> memref<80x125xi32, #tpu.memory_space<vmem>>
      %dma_wait3A_84 = arith.constant 0 : i32
      %dma_wait3A_85 = arith.constant 0 : i32
      %dma_wait3A_86 = tpu.memref_slice %arg3[%arg1, %dma_wait3A_84, %dma_wait3A_85] : memref<64x80x125xi32, #tpu.memory_space<hbm>> -> memref<1x80x125xi32, #tpu.memory_space<hbm>>
      %dma_wait3A_87 = tpu.memref_squeeze %dma_wait3A_86 : memref<1x80x125xi32, #tpu.memory_space<hbm>> -> memref<80x125xi32, #tpu.memory_space<hbm>>
      %dma_wait3A_88 = arith.constant 0 : i32
      %dma_wait3A_89 = arith.constant 0 : i32
      %dma_wait3A_90 = tpu.memref_slice %arg6[%dma_wait3A_88, %dma_wait3A_89] : memref<160x125xi32, #tpu.memory_space<vmem>> -> memref<80x125xi32, #tpu.memory_space<vmem>>
      %dma_wait3A_91 = arith.constant 0 : i32
      %dma_wait3A_92 = arith.constant 0 : i32
      %dma_wait3A_93 = tpu.memref_slice %arg3[%arg1, %dma_wait3A_91, %dma_wait3A_92] : memref<64x80x125xi32, #tpu.memory_space<hbm>> -> memref<1x80x125xi32, #tpu.memory_space<hbm>>
      %dma_wait3A_94 = tpu.memref_squeeze %dma_wait3A_93 : memref<1x80x125xi32, #tpu.memory_space<hbm>> -> memref<80x125xi32, #tpu.memory_space<hbm>>
      tpu.wait_dma2 semaphore(%run_scoped3A : memref<!tpu.dma_semaphore, #tpu.memory_space<semaphore_mem>>) src(%dma_wait3A_94 : memref<80x125xi32, #tpu.memory_space<hbm>>) dst(%dma_wait3A_90 : memref<80x125xi32, #tpu.memory_space<vmem>>)
      tpu.yield
    }) : () -> ()
    %add3A = arith.constant 16 : i32
    %add3A_0 = arith.addi %add3A, %arg1 : i32
    "tpu.region"() ({
      %run_scoped3A = tpu.sem_alloc : memref<!tpu.dma_semaphore, #tpu.memory_space<semaphore_mem>>
      %dma_start3A_68 = arith.constant 80 : i32
      %dma_start3A_69 = arith.constant 0 : i32
      %dma_start3A_70 = tpu.memref_slice %arg6[%dma_start3A_68, %dma_start3A_69] : memref<160x125xi32, #tpu.memory_space<vmem>> -> memref<80x125xi32, #tpu.memory_space<vmem>>
      %dma_start3A_71 = arith.constant 0 : i32
      %dma_start3A_72 = arith.constant 0 : i32
      %dma_start3A_73 = tpu.memref_slice %arg3[%add3A_0, %dma_start3A_71, %dma_start3A_72] : memref<64x80x125xi32, #tpu.memory_space<hbm>> -> memref<1x80x125xi32, #tpu.memory_space<hbm>>
      %dma_start3A_74 = tpu.memref_squeeze %dma_start3A_73 : memref<1x80x125xi32, #tpu.memory_space<hbm>> -> memref<80x125xi32, #tpu.memory_space<hbm>>
      %dma_start3A_75 = arith.constant 80 : i32
      %dma_start3A_76 = arith.constant 0 : i32
      %dma_start3A_77 = tpu.memref_slice %arg6[%dma_start3A_75, %dma_start3A_76] : memref<160x125xi32, #tpu.memory_space<vmem>> -> memref<80x125xi32, #tpu.memory_space<vmem>>
      %dma_start3A_78 = arith.constant 0 : i32
      %dma_start3A_79 = arith.constant 0 : i32
      %dma_start3A_80 = tpu.memref_slice %arg3[%add3A_0, %dma_start3A_78, %dma_start3A_79] : memref<64x80x125xi32, #tpu.memory_space<hbm>> -> memref<1x80x125xi32, #tpu.memory_space<hbm>>
      %dma_start3A_81 = tpu.memref_squeeze %dma_start3A_80 : memref<1x80x125xi32, #tpu.memory_space<hbm>> -> memref<80x125xi32, #tpu.memory_space<hbm>>
      tpu.enqueue_dma source(%dma_start3A_81 : memref<80x125xi32, #tpu.memory_space<hbm>>) target(%dma_start3A_77 : memref<80x125xi32, #tpu.memory_space<vmem>>) target_semaphore(%run_scoped3A : memref<!tpu.dma_semaphore, #tpu.memory_space<semaphore_mem>>)
      %dma_wait3A = arith.constant 80 : i32
      %dma_wait3A_82 = arith.constant 0 : i32
      %dma_wait3A_83 = tpu.memref_slice %arg6[%dma_wait3A, %dma_wait3A_82] : memref<160x125xi32, #tpu.memory_space<vmem>> -> memref<80x125xi32, #tpu.memory_space<vmem>>
      %dma_wait3A_84 = arith.constant 0 : i32
      %dma_wait3A_85 = arith.constant 0 : i32
      %dma_wait3A_86 = tpu.memref_slice %arg3[%add3A_0, %dma_wait3A_84, %dma_wait3A_85] : memref<64x80x125xi32, #tpu.memory_space<hbm>> -> memref<1x80x125xi32, #tpu.memory_space<hbm>>
      %dma_wait3A_87 = tpu.memref_squeeze %dma_wait3A_86 : memref<1x80x125xi32, #tpu.memory_space<hbm>> -> memref<80x125xi32, #tpu.memory_space<hbm>>
      %dma_wait3A_88 = arith.constant 80 : i32
      %dma_wait3A_89 = arith.constant 0 : i32
      %dma_wait3A_90 = tpu.memref_slice %arg6[%dma_wait3A_88, %dma_wait3A_89] : memref<160x125xi32, #tpu.memory_space<vmem>> -> memref<80x125xi32, #tpu.memory_space<vmem>>
      %dma_wait3A_91 = arith.constant 0 : i32
      %dma_wait3A_92 = arith.constant 0 : i32
      %dma_wait3A_93 = tpu.memref_slice %arg3[%add3A_0, %dma_wait3A_91, %dma_wait3A_92] : memref<64x80x125xi32, #tpu.memory_space<hbm>> -> memref<1x80x125xi32, #tpu.memory_space<hbm>>
      %dma_wait3A_94 = tpu.memref_squeeze %dma_wait3A_93 : memref<1x80x125xi32, #tpu.memory_space<hbm>> -> memref<80x125xi32, #tpu.memory_space<hbm>>
      tpu.wait_dma2 semaphore(%run_scoped3A : memref<!tpu.dma_semaphore, #tpu.memory_space<semaphore_mem>>) src(%dma_wait3A_94 : memref<80x125xi32, #tpu.memory_space<hbm>>) dst(%dma_wait3A_90 : memref<80x125xi32, #tpu.memory_space<vmem>>)
      tpu.yield
    }) : () -> ()
    %add3A_1 = arith.constant 32 : i32
    %add3A_2 = arith.addi %add3A_1, %arg1 : i32
    "tpu.region"() ({
      %run_scoped3A = tpu.sem_alloc : memref<!tpu.dma_semaphore, #tpu.memory_space<semaphore_mem>>
      %dma_start3A_68 = arith.constant 0 : i32
      %dma_start3A_69 = arith.constant 0 : i32
      %dma_start3A_70 = tpu.memref_slice %arg7[%dma_start3A_68, %dma_start3A_69] : memref<160x125xi32, #tpu.memory_space<vmem>> -> memref<80x125xi32, #tpu.memory_space<vmem>>
      %dma_start3A_71 = arith.constant 0 : i32
      %dma_start3A_72 = arith.constant 0 : i32
      %dma_start3A_73 = tpu.memref_slice %arg3[%add3A_2, %dma_start3A_71, %dma_start3A_72] : memref<64x80x125xi32, #tpu.memory_space<hbm>> -> memref<1x80x125xi32, #tpu.memory_space<hbm>>
      %dma_start3A_74 = tpu.memref_squeeze %dma_start3A_73 : memref<1x80x125xi32, #tpu.memory_space<hbm>> -> memref<80x125xi32, #tpu.memory_space<hbm>>
      %dma_start3A_75 = arith.constant 0 : i32
      %dma_start3A_76 = arith.constant 0 : i32
      %dma_start3A_77 = tpu.memref_slice %arg7[%dma_start3A_75, %dma_start3A_76] : memref<160x125xi32, #tpu.memory_space<vmem>> -> memref<80x125xi32, #tpu.memory_space<vmem>>
      %dma_start3A_78 = arith.constant 0 : i32
      %dma_start3A_79 = arith.constant 0 : i32
      %dma_start3A_80 = tpu.memref_slice %arg3[%add3A_2, %dma_start3A_78, %dma_start3A_79] : memref<64x80x125xi32, #tpu.memory_space<hbm>> -> memref<1x80x125xi32, #tpu.memory_space<hbm>>
      %dma_start3A_81 = tpu.memref_squeeze %dma_start3A_80 : memref<1x80x125xi32, #tpu.memory_space<hbm>> -> memref<80x125xi32, #tpu.memory_space<hbm>>
      tpu.enqueue_dma source(%dma_start3A_81 : memref<80x125xi32, #tpu.memory_space<hbm>>) target(%dma_start3A_77 : memref<80x125xi32, #tpu.memory_space<vmem>>) target_semaphore(%run_scoped3A : memref<!tpu.dma_semaphore, #tpu.memory_space<semaphore_mem>>)
      %dma_wait3A = arith.constant 0 : i32
      %dma_wait3A_82 = arith.constant 0 : i32
      %dma_wait3A_83 = tpu.memref_slice %arg7[%dma_wait3A, %dma_wait3A_82] : memref<160x125xi32, #tpu.memory_space<vmem>> -> memref<80x125xi32, #tpu.memory_space<vmem>>
      %dma_wait3A_84 = arith.constant 0 : i32
      %dma_wait3A_85 = arith.constant 0 : i32
      %dma_wait3A_86 = tpu.memref_slice %arg3[%add3A_2, %dma_wait3A_84, %dma_wait3A_85] : memref<64x80x125xi32, #tpu.memory_space<hbm>> -> memref<1x80x125xi32, #tpu.memory_space<hbm>>
      %dma_wait3A_87 = tpu.memref_squeeze %dma_wait3A_86 : memref<1x80x125xi32, #tpu.memory_space<hbm>> -> memref<80x125xi32, #tpu.memory_space<hbm>>
      %dma_wait3A_88 = arith.constant 0 : i32
      %dma_wait3A_89 = arith.constant 0 : i32
      %dma_wait3A_90 = tpu.memref_slice %arg7[%dma_wait3A_88, %dma_wait3A_89] : memref<160x125xi32, #tpu.memory_space<vmem>> -> memref<80x125xi32, #tpu.memory_space<vmem>>
      %dma_wait3A_91 = arith.constant 0 : i32
      %dma_wait3A_92 = arith.constant 0 : i32
      %dma_wait3A_93 = tpu.memref_slice %arg3[%add3A_2, %dma_wait3A_91, %dma_wait3A_92] : memref<64x80x125xi32, #tpu.memory_space<hbm>> -> memref<1x80x125xi32, #tpu.memory_space<hbm>>
      %dma_wait3A_94 = tpu.memref_squeeze %dma_wait3A_93 : memref<1x80x125xi32, #tpu.memory_space<hbm>> -> memref<80x125xi32, #tpu.memory_space<hbm>>
      tpu.wait_dma2 semaphore(%run_scoped3A : memref<!tpu.dma_semaphore, #tpu.memory_space<semaphore_mem>>) src(%dma_wait3A_94 : memref<80x125xi32, #tpu.memory_space<hbm>>) dst(%dma_wait3A_90 : memref<80x125xi32, #tpu.memory_space<vmem>>)
      tpu.yield
    }) : () -> ()
    %add3A_3 = arith.constant 48 : i32
    %add3A_4 = arith.addi %add3A_3, %arg1 : i32
    "tpu.region"() ({
      %run_scoped3A = tpu.sem_alloc : memref<!tpu.dma_semaphore, #tpu.memory_space<semaphore_mem>>
      %dma_start3A_68 = arith.constant 80 : i32
      %dma_start3A_69 = arith.constant 0 : i32
      %dma_start3A_70 = tpu.memref_slice %arg7[%dma_start3A_68, %dma_start3A_69] : memref<160x125xi32, #tpu.memory_space<vmem>> -> memref<80x125xi32, #tpu.memory_space<vmem>>
      %dma_start3A_71 = arith.constant 0 : i32
      %dma_start3A_72 = arith.constant 0 : i32
      %dma_start3A_73 = tpu.memref_slice %arg3[%add3A_4, %dma_start3A_71, %dma_start3A_72] : memref<64x80x125xi32, #tpu.memory_space<hbm>> -> memref<1x80x125xi32, #tpu.memory_space<hbm>>
      %dma_start3A_74 = tpu.memref_squeeze %dma_start3A_73 : memref<1x80x125xi32, #tpu.memory_space<hbm>> -> memref<80x125xi32, #tpu.memory_space<hbm>>
      %dma_start3A_75 = arith.constant 80 : i32
      %dma_start3A_76 = arith.constant 0 : i32
      %dma_start3A_77 = tpu.memref_slice %arg7[%dma_start3A_75, %dma_start3A_76] : memref<160x125xi32, #tpu.memory_space<vmem>> -> memref<80x125xi32, #tpu.memory_space<vmem>>
      %dma_start3A_78 = arith.constant 0 : i32
      %dma_start3A_79 = arith.constant 0 : i32
      %dma_start3A_80 = tpu.memref_slice %arg3[%add3A_4, %dma_start3A_78, %dma_start3A_79] : memref<64x80x125xi32, #tpu.memory_space<hbm>> -> memref<1x80x125xi32, #tpu.memory_space<hbm>>
      %dma_start3A_81 = tpu.memref_squeeze %dma_start3A_80 : memref<1x80x125xi32, #tpu.memory_space<hbm>> -> memref<80x125xi32, #tpu.memory_space<hbm>>
      tpu.enqueue_dma source(%dma_start3A_81 : memref<80x125xi32, #tpu.memory_space<hbm>>) target(%dma_start3A_77 : memref<80x125xi32, #tpu.memory_space<vmem>>) target_semaphore(%run_scoped3A : memref<!tpu.dma_semaphore, #tpu.memory_space<semaphore_mem>>)
      %dma_wait3A = arith.constant 80 : i32
      %dma_wait3A_82 = arith.constant 0 : i32
      %dma_wait3A_83 = tpu.memref_slice %arg7[%dma_wait3A, %dma_wait3A_82] : memref<160x125xi32, #tpu.memory_space<vmem>> -> memref<80x125xi32, #tpu.memory_space<vmem>>
      %dma_wait3A_84 = arith.constant 0 : i32
      %dma_wait3A_85 = arith.constant 0 : i32
      %dma_wait3A_86 = tpu.memref_slice %arg3[%add3A_4, %dma_wait3A_84, %dma_wait3A_85] : memref<64x80x125xi32, #tpu.memory_space<hbm>> -> memref<1x80x125xi32, #tpu.memory_space<hbm>>
      %dma_wait3A_87 = tpu.memref_squeeze %dma_wait3A_86 : memref<1x80x125xi32, #tpu.memory_space<hbm>> -> memref<80x125xi32, #tpu.memory_space<hbm>>
      %dma_wait3A_88 = arith.constant 80 : i32
      %dma_wait3A_89 = arith.constant 0 : i32
      %dma_wait3A_90 = tpu.memref_slice %arg7[%dma_wait3A_88, %dma_wait3A_89] : memref<160x125xi32, #tpu.memory_space<vmem>> -> memref<80x125xi32, #tpu.memory_space<vmem>>
      %dma_wait3A_91 = arith.constant 0 : i32
      %dma_wait3A_92 = arith.constant 0 : i32
      %dma_wait3A_93 = tpu.memref_slice %arg3[%add3A_4, %dma_wait3A_91, %dma_wait3A_92] : memref<64x80x125xi32, #tpu.memory_space<hbm>> -> memref<1x80x125xi32, #tpu.memory_space<hbm>>
      %dma_wait3A_94 = tpu.memref_squeeze %dma_wait3A_93 : memref<1x80x125xi32, #tpu.memory_space<hbm>> -> memref<80x125xi32, #tpu.memory_space<hbm>>
      tpu.wait_dma2 semaphore(%run_scoped3A : memref<!tpu.dma_semaphore, #tpu.memory_space<semaphore_mem>>) src(%dma_wait3A_94 : memref<80x125xi32, #tpu.memory_space<hbm>>) dst(%dma_wait3A_90 : memref<80x125xi32, #tpu.memory_space<vmem>>)
      tpu.yield
    }) : () -> ()
    %mul3A = arith.constant 624 : i32
    %mul3A_5 = arith.muli %arg1, %mul3A : i32
    "tpu.region"() ({
      %run_scoped3A = tpu.sem_alloc : memref<!tpu.dma_semaphore, #tpu.memory_space<semaphore_mem>>
      %dma_start3A_68 = arith.constant 0 : i32
      %dma_start3A_69 = tpu.memref_slice %arg12[%mul3A_5, %dma_start3A_68] : memref<10000x64xf32, #tpu.memory_space<vmem_shared>> -> memref<624x64xf32, #tpu.memory_space<vmem_shared>>
      %dma_start3A_70 = arith.constant 0 : i32
      %dma_start3A_71 = arith.constant 0 : i32
      %dma_start3A_72 = tpu.memref_slice %arg4[%dma_start3A_70, %dma_start3A_71] : memref<640x64xf32, #tpu.memory_space<hbm>> -> memref<624x64xf32, #tpu.memory_space<hbm>>
      tpu.enqueue_dma source(%dma_start3A_72 : memref<624x64xf32, #tpu.memory_space<hbm>>) target(%dma_start3A_69 : memref<624x64xf32, #tpu.memory_space<vmem_shared>>) target_semaphore(%run_scoped3A : memref<!tpu.dma_semaphore, #tpu.memory_space<semaphore_mem>>)
      %dma_wait3A = arith.constant 0 : i32
      %dma_wait3A_73 = tpu.memref_slice %arg12[%mul3A_5, %dma_wait3A] : memref<10000x64xf32, #tpu.memory_space<vmem_shared>> -> memref<624x64xf32, #tpu.memory_space<vmem_shared>>
      %dma_wait3A_74 = arith.constant 0 : i32
      %dma_wait3A_75 = arith.constant 0 : i32
      %dma_wait3A_76 = tpu.memref_slice %arg4[%dma_wait3A_74, %dma_wait3A_75] : memref<640x64xf32, #tpu.memory_space<hbm>> -> memref<624x64xf32, #tpu.memory_space<hbm>>
      tpu.wait_dma2 semaphore(%run_scoped3A : memref<!tpu.dma_semaphore, #tpu.memory_space<semaphore_mem>>) src(%dma_wait3A_76 : memref<624x64xf32, #tpu.memory_space<hbm>>) dst(%dma_wait3A_73 : memref<624x64xf32, #tpu.memory_space<vmem_shared>>)
      tpu.yield
    }) : () -> ()
    %eq3A = arith.constant 15 : i32
    %eq3A_6 = arith.cmpi eq, %arg1, %eq3A : i32
    %convert_element_type3A = arith.extui %eq3A_6 : i1 to i32
    %cond3A = arith.constant 0 : i32
    %cond3A_7 = arith.cmpi ne, %convert_element_type3A, %cond3A : i32
    scf.if %cond3A_7 {
      "tpu.region"() ({
        %run_scoped3A = tpu.sem_alloc : memref<!tpu.dma_semaphore, #tpu.memory_space<semaphore_mem>>
        %dma_start3A_68 = arith.constant 9984 : i32
        %dma_start3A_69 = arith.constant 0 : i32
        %dma_start3A_70 = tpu.memref_slice %arg12[%dma_start3A_68, %dma_start3A_69] : memref<10000x64xf32, #tpu.memory_space<vmem_shared>> -> memref<16x64xf32, #tpu.memory_space<vmem_shared>>
        %dma_start3A_71 = arith.constant 0 : i32
        %dma_start3A_72 = arith.constant 0 : i32
        %dma_start3A_73 = tpu.memref_slice %arg4[%dma_start3A_71, %dma_start3A_72] : memref<640x64xf32, #tpu.memory_space<hbm>> -> memref<16x64xf32, #tpu.memory_space<hbm>>
        tpu.enqueue_dma source(%dma_start3A_73 : memref<16x64xf32, #tpu.memory_space<hbm>>) target(%dma_start3A_70 : memref<16x64xf32, #tpu.memory_space<vmem_shared>>) target_semaphore(%run_scoped3A : memref<!tpu.dma_semaphore, #tpu.memory_space<semaphore_mem>>)
        %dma_wait3A = arith.constant 9984 : i32
        %dma_wait3A_74 = arith.constant 0 : i32
        %dma_wait3A_75 = tpu.memref_slice %arg12[%dma_wait3A, %dma_wait3A_74] : memref<10000x64xf32, #tpu.memory_space<vmem_shared>> -> memref<16x64xf32, #tpu.memory_space<vmem_shared>>
        %dma_wait3A_76 = arith.constant 0 : i32
        %dma_wait3A_77 = arith.constant 0 : i32
        %dma_wait3A_78 = tpu.memref_slice %arg4[%dma_wait3A_76, %dma_wait3A_77] : memref<640x64xf32, #tpu.memory_space<hbm>> -> memref<16x64xf32, #tpu.memory_space<hbm>>
        tpu.wait_dma2 semaphore(%run_scoped3A : memref<!tpu.dma_semaphore, #tpu.memory_space<semaphore_mem>>) src(%dma_wait3A_78 : memref<16x64xf32, #tpu.memory_space<hbm>>) dst(%dma_wait3A_75 : memref<16x64xf32, #tpu.memory_space<vmem_shared>>)
        tpu.yield
      }) : () -> ()
    } else {
    }
    %barrier3A = arith.constant 0 : index
    tpu.barrier barrier_id(%barrier3A)
    %dma_start3A = arith.constant 0 : i32
    %dma_start3A_8 = arith.constant 0 : i32
    %dma_start3A_9 = tpu.memref_slice %arg6[%dma_start3A, %dma_start3A_8] : memref<160x125xi32, #tpu.memory_space<vmem>> -> memref<1x125xi32, #tpu.memory_space<vmem>>
    %dma_start3A_10 = tpu.memref_squeeze %dma_start3A_9 : memref<1x125xi32, #tpu.memory_space<vmem>> -> memref<125xi32, #tpu.memory_space<vmem>>
    %dma_start3A_11 = arith.constant 0 : i32
    %dma_start3A_12 = arith.constant 0 : i32
    %dma_start3A_13 = tpu.memref_slice %arg2[%arg0, %dma_start3A_11, %dma_start3A_12] : memref<2x10000x64xf32, #tpu.memory_space<hbm>> -> memref<1x10000x64xf32, #tpu.memory_space<hbm>>
    %dma_start3A_14 = tpu.memref_squeeze %dma_start3A_13 : memref<1x10000x64xf32, #tpu.memory_space<hbm>> -> memref<10000x64xf32, #tpu.memory_space<hbm>>
    %dma_start3A_15 = arith.constant 0 : i32
    %dma_start3A_16 = arith.constant 0 : i32
    %dma_start3A_17 = tpu.memref_slice %dma_start3A_14[%dma_start3A_15, %dma_start3A_16] : memref<10000x64xf32, #tpu.memory_space<hbm>> -> memref<10000x64xf32, #tpu.memory_space<hbm>>
    tpu.enqueue_indirect_dma source(%dma_start3A_17 : memref<10000x64xf32, #tpu.memory_space<hbm>>) target(%arg8 : memref<125x64xf32, #tpu.memory_space<vmem>>) offsets(%dma_start3A_10 : memref<125xi32, #tpu.memory_space<vmem>>) semaphore(%arg13 : memref<!tpu.dma_semaphore, #tpu.memory_space<semaphore_mem>>)
    %dma_start3A_18 = arith.constant 1 : i32
    %dma_start3A_19 = arith.constant 0 : i32
    %dma_start3A_20 = tpu.memref_slice %arg6[%dma_start3A_18, %dma_start3A_19] : memref<160x125xi32, #tpu.memory_space<vmem>> -> memref<1x125xi32, #tpu.memory_space<vmem>>
    %dma_start3A_21 = tpu.memref_squeeze %dma_start3A_20 : memref<1x125xi32, #tpu.memory_space<vmem>> -> memref<125xi32, #tpu.memory_space<vmem>>
    %dma_start3A_22 = arith.constant 0 : i32
    %dma_start3A_23 = arith.constant 0 : i32
    %dma_start3A_24 = tpu.memref_slice %arg2[%arg0, %dma_start3A_22, %dma_start3A_23] : memref<2x10000x64xf32, #tpu.memory_space<hbm>> -> memref<1x10000x64xf32, #tpu.memory_space<hbm>>
    %dma_start3A_25 = tpu.memref_squeeze %dma_start3A_24 : memref<1x10000x64xf32, #tpu.memory_space<hbm>> -> memref<10000x64xf32, #tpu.memory_space<hbm>>
    %dma_start3A_26 = arith.constant 0 : i32
    %dma_start3A_27 = arith.constant 0 : i32
    %dma_start3A_28 = tpu.memref_slice %dma_start3A_25[%dma_start3A_26, %dma_start3A_27] : memref<10000x64xf32, #tpu.memory_space<hbm>> -> memref<10000x64xf32, #tpu.memory_space<hbm>>
    tpu.enqueue_indirect_dma source(%dma_start3A_28 : memref<10000x64xf32, #tpu.memory_space<hbm>>) target(%arg9 : memref<125x64xf32, #tpu.memory_space<vmem>>) offsets(%dma_start3A_21 : memref<125xi32, #tpu.memory_space<vmem>>) semaphore(%arg14 : memref<!tpu.dma_semaphore, #tpu.memory_space<semaphore_mem>>)
    %dma_start3A_29 = arith.constant 2 : i32
    %dma_start3A_30 = arith.constant 0 : i32
    %dma_start3A_31 = tpu.memref_slice %arg6[%dma_start3A_29, %dma_start3A_30] : memref<160x125xi32, #tpu.memory_space<vmem>> -> memref<1x125xi32, #tpu.memory_space<vmem>>
    %dma_start3A_32 = tpu.memref_squeeze %dma_start3A_31 : memref<1x125xi32, #tpu.memory_space<vmem>> -> memref<125xi32, #tpu.memory_space<vmem>>
    %dma_start3A_33 = arith.constant 0 : i32
    %dma_start3A_34 = arith.constant 0 : i32
    %dma_start3A_35 = tpu.memref_slice %arg2[%arg0, %dma_start3A_33, %dma_start3A_34] : memref<2x10000x64xf32, #tpu.memory_space<hbm>> -> memref<1x10000x64xf32, #tpu.memory_space<hbm>>
    %dma_start3A_36 = tpu.memref_squeeze %dma_start3A_35 : memref<1x10000x64xf32, #tpu.memory_space<hbm>> -> memref<10000x64xf32, #tpu.memory_space<hbm>>
    %dma_start3A_37 = arith.constant 0 : i32
    %dma_start3A_38 = arith.constant 0 : i32
    %dma_start3A_39 = tpu.memref_slice %dma_start3A_36[%dma_start3A_37, %dma_start3A_38] : memref<10000x64xf32, #tpu.memory_space<hbm>> -> memref<10000x64xf32, #tpu.memory_space<hbm>>
    tpu.enqueue_indirect_dma source(%dma_start3A_39 : memref<10000x64xf32, #tpu.memory_space<hbm>>) target(%arg10 : memref<125x64xf32, #tpu.memory_space<vmem>>) offsets(%dma_start3A_32 : memref<125xi32, #tpu.memory_space<vmem>>) semaphore(%arg15 : memref<!tpu.dma_semaphore, #tpu.memory_space<semaphore_mem>>)
    %dma_start3A_40 = arith.constant 3 : i32
    %dma_start3A_41 = arith.constant 0 : i32
    %dma_start3A_42 = tpu.memref_slice %arg6[%dma_start3A_40, %dma_start3A_41] : memref<160x125xi32, #tpu.memory_space<vmem>> -> memref<1x125xi32, #tpu.memory_space<vmem>>
    %dma_start3A_43 = tpu.memref_squeeze %dma_start3A_42 : memref<1x125xi32, #tpu.memory_space<vmem>> -> memref<125xi32, #tpu.memory_space<vmem>>
    %dma_start3A_44 = arith.constant 0 : i32
    %dma_start3A_45 = arith.constant 0 : i32
    %dma_start3A_46 = tpu.memref_slice %arg2[%arg0, %dma_start3A_44, %dma_start3A_45] : memref<2x10000x64xf32, #tpu.memory_space<hbm>> -> memref<1x10000x64xf32, #tpu.memory_space<hbm>>
    %dma_start3A_47 = tpu.memref_squeeze %dma_start3A_46 : memref<1x10000x64xf32, #tpu.memory_space<hbm>> -> memref<10000x64xf32, #tpu.memory_space<hbm>>
    %dma_start3A_48 = arith.constant 0 : i32
    %dma_start3A_49 = arith.constant 0 : i32
    %dma_start3A_50 = tpu.memref_slice %dma_start3A_47[%dma_start3A_48, %dma_start3A_49] : memref<10000x64xf32, #tpu.memory_space<hbm>> -> memref<10000x64xf32, #tpu.memory_space<hbm>>
    tpu.enqueue_indirect_dma source(%dma_start3A_50 : memref<10000x64xf32, #tpu.memory_space<hbm>>) target(%arg11 : memref<125x64xf32, #tpu.memory_space<vmem>>) offsets(%dma_start3A_43 : memref<125xi32, #tpu.memory_space<vmem>>) semaphore(%arg16 : memref<!tpu.dma_semaphore, #tpu.memory_space<semaphore_mem>>)
    %scan3A = arith.constant 0 : i32
    %scan3A_51 = arith.constant 0 : i32
    %scan3A_52 = arith.constant 40 : i32
    %scan3A_53 = arith.addi %scan3A_51, %scan3A_52 : i32
    %scan3A_54 = arith.constant 1 : i32
    scf.for %scan3A_68 = %scan3A_51 to %scan3A_53 step %scan3A_54  : i32 {
      %mul3A_69 = arith.constant 4 : i32
      %mul3A_70 = arith.muli %scan3A_68, %mul3A_69 : i32
      %add3A_71 = arith.constant 0 : i32
      %add3A_72 = arith.addi %mul3A_70, %add3A_71 : i32
      %dma_wait3A = arith.constant 0 : i32
      %dma_wait3A_73 = tpu.memref_slice %arg6[%add3A_72, %dma_wait3A] : memref<160x125xi32, #tpu.memory_space<vmem>> -> memref<1x125xi32, #tpu.memory_space<vmem>>
      %dma_wait3A_74 = tpu.memref_squeeze %dma_wait3A_73 : memref<1x125xi32, #tpu.memory_space<vmem>> -> memref<125xi32, #tpu.memory_space<vmem>>
      %dma_wait3A_75 = arith.constant 0 : i32
      %dma_wait3A_76 = arith.constant 0 : i32
      %dma_wait3A_77 = tpu.memref_slice %arg2[%arg0, %dma_wait3A_75, %dma_wait3A_76] : memref<2x10000x64xf32, #tpu.memory_space<hbm>> -> memref<1x10000x64xf32, #tpu.memory_space<hbm>>
      %dma_wait3A_78 = tpu.memref_squeeze %dma_wait3A_77 : memref<1x10000x64xf32, #tpu.memory_space<hbm>> -> memref<10000x64xf32, #tpu.memory_space<hbm>>
      %dma_wait3A_79 = arith.constant 0 : i32
      %dma_wait3A_80 = arith.constant 0 : i32
      %dma_wait3A_81 = tpu.memref_slice %dma_wait3A_78[%dma_wait3A_79, %dma_wait3A_80] : memref<10000x64xf32, #tpu.memory_space<hbm>> -> memref<10000x64xf32, #tpu.memory_space<hbm>>
      tpu.wait_indirect_dma semaphore(%arg13 : memref<!tpu.dma_semaphore, #tpu.memory_space<semaphore_mem>>) src(%dma_wait3A_81 : memref<10000x64xf32, #tpu.memory_space<hbm>>) dst(%arg8 : memref<125x64xf32, #tpu.memory_space<vmem>>)
      "tpu.region"() ({
        %run_scoped3A = tpu.sem_alloc : memref<!tpu.dma_semaphore, #tpu.memory_space<semaphore_mem>>
        %dma_start3A_151 = arith.constant 0 : i32
        %dma_start3A_152 = tpu.memref_slice %arg7[%add3A_72, %dma_start3A_151] : memref<160x125xi32, #tpu.memory_space<vmem>> -> memref<1x125xi32, #tpu.memory_space<vmem>>
        %dma_start3A_153 = tpu.memref_squeeze %dma_start3A_152 : memref<1x125xi32, #tpu.memory_space<vmem>> -> memref<125xi32, #tpu.memory_space<vmem>>
        %dma_start3A_154 = arith.constant 0 : i32
        %dma_start3A_155 = arith.constant 0 : i32
        %dma_start3A_156 = tpu.memref_slice %arg12[%dma_start3A_154, %dma_start3A_155] : memref<10000x64xf32, #tpu.memory_space<vmem_shared>> -> memref<10000x64xf32, #tpu.memory_space<vmem_shared>>
        tpu.enqueue_indirect_dma source(%arg8 : memref<125x64xf32, #tpu.memory_space<vmem>>) target(%dma_start3A_156 : memref<10000x64xf32, #tpu.memory_space<vmem_shared>>) offsets(%dma_start3A_153 : memref<125xi32, #tpu.memory_space<vmem>>) semaphore(%run_scoped3A : memref<!tpu.dma_semaphore, #tpu.memory_space<semaphore_mem>>) {add = true}
        %dma_wait3A_157 = arith.constant 0 : i32
        %dma_wait3A_158 = tpu.memref_slice %arg7[%add3A_72, %dma_wait3A_157] : memref<160x125xi32, #tpu.memory_space<vmem>> -> memref<1x125xi32, #tpu.memory_space<vmem>>
        %dma_wait3A_159 = tpu.memref_squeeze %dma_wait3A_158 : memref<1x125xi32, #tpu.memory_space<vmem>> -> memref<125xi32, #tpu.memory_space<vmem>>
        %dma_wait3A_160 = arith.constant 0 : i32
        %dma_wait3A_161 = arith.constant 0 : i32
        %dma_wait3A_162 = tpu.memref_slice %arg12[%dma_wait3A_160, %dma_wait3A_161] : memref<10000x64xf32, #tpu.memory_space<vmem_shared>> -> memref<10000x64xf32, #tpu.memory_space<vmem_shared>>
        tpu.wait_indirect_dma semaphore(%run_scoped3A : memref<!tpu.dma_semaphore, #tpu.memory_space<semaphore_mem>>) src(%arg8 : memref<125x64xf32, #tpu.memory_space<vmem>>) dst(%dma_wait3A_162 : memref<10000x64xf32, #tpu.memory_space<vmem_shared>>)
        tpu.yield
      }) : () -> ()
      %add3A_82 = arith.constant 4 : i32
      %add3A_83 = arith.addi %add3A_72, %add3A_82 : i32
      %lt3A = arith.constant 160 : i32
      %lt3A_84 = arith.cmpi slt, %add3A_83, %lt3A : i32
      %convert_element_type3A_85 = arith.extui %lt3A_84 : i1 to i32
      %cond3A_86 = arith.constant 0 : i32
      %cond3A_87 = arith.cmpi ne, %convert_element_type3A_85, %cond3A_86 : i32
      scf.if %cond3A_87 {
        %dma_start3A_151 = arith.constant 0 : i32
        %dma_start3A_152 = tpu.memref_slice %arg6[%add3A_83, %dma_start3A_151] : memref<160x125xi32, #tpu.memory_space<vmem>> -> memref<1x125xi32, #tpu.memory_space<vmem>>
        %dma_start3A_153 = tpu.memref_squeeze %dma_start3A_152 : memref<1x125xi32, #tpu.memory_space<vmem>> -> memref<125xi32, #tpu.memory_space<vmem>>
        %dma_start3A_154 = arith.constant 0 : i32
        %dma_start3A_155 = arith.constant 0 : i32
        %dma_start3A_156 = tpu.memref_slice %arg2[%arg0, %dma_start3A_154, %dma_start3A_155] : memref<2x10000x64xf32, #tpu.memory_space<hbm>> -> memref<1x10000x64xf32, #tpu.memory_space<hbm>>
        %dma_start3A_157 = tpu.memref_squeeze %dma_start3A_156 : memref<1x10000x64xf32, #tpu.memory_space<hbm>> -> memref<10000x64xf32, #tpu.memory_space<hbm>>
        %dma_start3A_158 = arith.constant 0 : i32
        %dma_start3A_159 = arith.constant 0 : i32
        %dma_start3A_160 = tpu.memref_slice %dma_start3A_157[%dma_start3A_158, %dma_start3A_159] : memref<10000x64xf32, #tpu.memory_space<hbm>> -> memref<10000x64xf32, #tpu.memory_space<hbm>>
        tpu.enqueue_indirect_dma source(%dma_start3A_160 : memref<10000x64xf32, #tpu.memory_space<hbm>>) target(%arg8 : memref<125x64xf32, #tpu.memory_space<vmem>>) offsets(%dma_start3A_153 : memref<125xi32, #tpu.memory_space<vmem>>) semaphore(%arg13 : memref<!tpu.dma_semaphore, #tpu.memory_space<semaphore_mem>>)
      } else {
      }
      %mul3A_88 = arith.constant 4 : i32
      %mul3A_89 = arith.muli %scan3A_68, %mul3A_88 : i32
      %add3A_90 = arith.constant 1 : i32
      %add3A_91 = arith.addi %mul3A_89, %add3A_90 : i32
      %dma_wait3A_92 = arith.constant 0 : i32
      %dma_wait3A_93 = tpu.memref_slice %arg6[%add3A_91, %dma_wait3A_92] : memref<160x125xi32, #tpu.memory_space<vmem>> -> memref<1x125xi32, #tpu.memory_space<vmem>>
      %dma_wait3A_94 = tpu.memref_squeeze %dma_wait3A_93 : memref<1x125xi32, #tpu.memory_space<vmem>> -> memref<125xi32, #tpu.memory_space<vmem>>
      %dma_wait3A_95 = arith.constant 0 : i32
      %dma_wait3A_96 = arith.constant 0 : i32
      %dma_wait3A_97 = tpu.memref_slice %arg2[%arg0, %dma_wait3A_95, %dma_wait3A_96] : memref<2x10000x64xf32, #tpu.memory_space<hbm>> -> memref<1x10000x64xf32, #tpu.memory_space<hbm>>
      %dma_wait3A_98 = tpu.memref_squeeze %dma_wait3A_97 : memref<1x10000x64xf32, #tpu.memory_space<hbm>> -> memref<10000x64xf32, #tpu.memory_space<hbm>>
      %dma_wait3A_99 = arith.constant 0 : i32
      %dma_wait3A_100 = arith.constant 0 : i32
      %dma_wait3A_101 = tpu.memref_slice %dma_wait3A_98[%dma_wait3A_99, %dma_wait3A_100] : memref<10000x64xf32, #tpu.memory_space<hbm>> -> memref<10000x64xf32, #tpu.memory_space<hbm>>
      tpu.wait_indirect_dma semaphore(%arg14 : memref<!tpu.dma_semaphore, #tpu.memory_space<semaphore_mem>>) src(%dma_wait3A_101 : memref<10000x64xf32, #tpu.memory_space<hbm>>) dst(%arg9 : memref<125x64xf32, #tpu.memory_space<vmem>>)
      "tpu.region"() ({
        %run_scoped3A = tpu.sem_alloc : memref<!tpu.dma_semaphore, #tpu.memory_space<semaphore_mem>>
        %dma_start3A_151 = arith.constant 0 : i32
        %dma_start3A_152 = tpu.memref_slice %arg7[%add3A_91, %dma_start3A_151] : memref<160x125xi32, #tpu.memory_space<vmem>> -> memref<1x125xi32, #tpu.memory_space<vmem>>
        %dma_start3A_153 = tpu.memref_squeeze %dma_start3A_152 : memref<1x125xi32, #tpu.memory_space<vmem>> -> memref<125xi32, #tpu.memory_space<vmem>>
        %dma_start3A_154 = arith.constant 0 : i32
        %dma_start3A_155 = arith.constant 0 : i32
        %dma_start3A_156 = tpu.memref_slice %arg12[%dma_start3A_154, %dma_start3A_155] : memref<10000x64xf32, #tpu.memory_space<vmem_shared>> -> memref<10000x64xf32, #tpu.memory_space<vmem_shared>>
        tpu.enqueue_indirect_dma source(%arg9 : memref<125x64xf32, #tpu.memory_space<vmem>>) target(%dma_start3A_156 : memref<10000x64xf32, #tpu.memory_space<vmem_shared>>) offsets(%dma_start3A_153 : memref<125xi32, #tpu.memory_space<vmem>>) semaphore(%run_scoped3A : memref<!tpu.dma_semaphore, #tpu.memory_space<semaphore_mem>>) {add = true}
        %dma_wait3A_157 = arith.constant 0 : i32
        %dma_wait3A_158 = tpu.memref_slice %arg7[%add3A_91, %dma_wait3A_157] : memref<160x125xi32, #tpu.memory_space<vmem>> -> memref<1x125xi32, #tpu.memory_space<vmem>>
        %dma_wait3A_159 = tpu.memref_squeeze %dma_wait3A_158 : memref<1x125xi32, #tpu.memory_space<vmem>> -> memref<125xi32, #tpu.memory_space<vmem>>
        %dma_wait3A_160 = arith.constant 0 : i32
        %dma_wait3A_161 = arith.constant 0 : i32
        %dma_wait3A_162 = tpu.memref_slice %arg12[%dma_wait3A_160, %dma_wait3A_161] : memref<10000x64xf32, #tpu.memory_space<vmem_shared>> -> memref<10000x64xf32, #tpu.memory_space<vmem_shared>>
        tpu.wait_indirect_dma semaphore(%run_scoped3A : memref<!tpu.dma_semaphore, #tpu.memory_space<semaphore_mem>>) src(%arg9 : memref<125x64xf32, #tpu.memory_space<vmem>>) dst(%dma_wait3A_162 : memref<10000x64xf32, #tpu.memory_space<vmem_shared>>)
        tpu.yield
      }) : () -> ()
      %add3A_102 = arith.constant 4 : i32
      %add3A_103 = arith.addi %add3A_91, %add3A_102 : i32
      %lt3A_104 = arith.constant 160 : i32
      %lt3A_105 = arith.cmpi slt, %add3A_103, %lt3A_104 : i32
      %convert_element_type3A_106 = arith.extui %lt3A_105 : i1 to i32
      %cond3A_107 = arith.constant 0 : i32
      %cond3A_108 = arith.cmpi ne, %convert_element_type3A_106, %cond3A_107 : i32
      scf.if %cond3A_108 {
        %dma_start3A_151 = arith.constant 0 : i32
        %dma_start3A_152 = tpu.memref_slice %arg6[%add3A_103, %dma_start3A_151] : memref<160x125xi32, #tpu.memory_space<vmem>> -> memref<1x125xi32, #tpu.memory_space<vmem>>
        %dma_start3A_153 = tpu.memref_squeeze %dma_start3A_152 : memref<1x125xi32, #tpu.memory_space<vmem>> -> memref<125xi32, #tpu.memory_space<vmem>>
        %dma_start3A_154 = arith.constant 0 : i32
        %dma_start3A_155 = arith.constant 0 : i32
        %dma_start3A_156 = tpu.memref_slice %arg2[%arg0, %dma_start3A_154, %dma_start3A_155] : memref<2x10000x64xf32, #tpu.memory_space<hbm>> -> memref<1x10000x64xf32, #tpu.memory_space<hbm>>
        %dma_start3A_157 = tpu.memref_squeeze %dma_start3A_156 : memref<1x10000x64xf32, #tpu.memory_space<hbm>> -> memref<10000x64xf32, #tpu.memory_space<hbm>>
        %dma_start3A_158 = arith.constant 0 : i32
        %dma_start3A_159 = arith.constant 0 : i32
        %dma_start3A_160 = tpu.memref_slice %dma_start3A_157[%dma_start3A_158, %dma_start3A_159] : memref<10000x64xf32, #tpu.memory_space<hbm>> -> memref<10000x64xf32, #tpu.memory_space<hbm>>
        tpu.enqueue_indirect_dma source(%dma_start3A_160 : memref<10000x64xf32, #tpu.memory_space<hbm>>) target(%arg9 : memref<125x64xf32, #tpu.memory_space<vmem>>) offsets(%dma_start3A_153 : memref<125xi32, #tpu.memory_space<vmem>>) semaphore(%arg14 : memref<!tpu.dma_semaphore, #tpu.memory_space<semaphore_mem>>)
      } else {
      }
      %mul3A_109 = arith.constant 4 : i32
      %mul3A_110 = arith.muli %scan3A_68, %mul3A_109 : i32
      %add3A_111 = arith.constant 2 : i32
      %add3A_112 = arith.addi %mul3A_110, %add3A_111 : i32
      %dma_wait3A_113 = arith.constant 0 : i32
      %dma_wait3A_114 = tpu.memref_slice %arg6[%add3A_112, %dma_wait3A_113] : memref<160x125xi32, #tpu.memory_space<vmem>> -> memref<1x125xi32, #tpu.memory_space<vmem>>
      %dma_wait3A_115 = tpu.memref_squeeze %dma_wait3A_114 : memref<1x125xi32, #tpu.memory_space<vmem>> -> memref<125xi32, #tpu.memory_space<vmem>>
      %dma_wait3A_116 = arith.constant 0 : i32
      %dma_wait3A_117 = arith.constant 0 : i32
      %dma_wait3A_118 = tpu.memref_slice %arg2[%arg0, %dma_wait3A_116, %dma_wait3A_117] : memref<2x10000x64xf32, #tpu.memory_space<hbm>> -> memref<1x10000x64xf32, #tpu.memory_space<hbm>>
      %dma_wait3A_119 = tpu.memref_squeeze %dma_wait3A_118 : memref<1x10000x64xf32, #tpu.memory_space<hbm>> -> memref<10000x64xf32, #tpu.memory_space<hbm>>
      %dma_wait3A_120 = arith.constant 0 : i32
      %dma_wait3A_121 = arith.constant 0 : i32
      %dma_wait3A_122 = tpu.memref_slice %dma_wait3A_119[%dma_wait3A_120, %dma_wait3A_121] : memref<10000x64xf32, #tpu.memory_space<hbm>> -> memref<10000x64xf32, #tpu.memory_space<hbm>>
      tpu.wait_indirect_dma semaphore(%arg15 : memref<!tpu.dma_semaphore, #tpu.memory_space<semaphore_mem>>) src(%dma_wait3A_122 : memref<10000x64xf32, #tpu.memory_space<hbm>>) dst(%arg10 : memref<125x64xf32, #tpu.memory_space<vmem>>)
      "tpu.region"() ({
        %run_scoped3A = tpu.sem_alloc : memref<!tpu.dma_semaphore, #tpu.memory_space<semaphore_mem>>
        %dma_start3A_151 = arith.constant 0 : i32
        %dma_start3A_152 = tpu.memref_slice %arg7[%add3A_112, %dma_start3A_151] : memref<160x125xi32, #tpu.memory_space<vmem>> -> memref<1x125xi32, #tpu.memory_space<vmem>>
        %dma_start3A_153 = tpu.memref_squeeze %dma_start3A_152 : memref<1x125xi32, #tpu.memory_space<vmem>> -> memref<125xi32, #tpu.memory_space<vmem>>
        %dma_start3A_154 = arith.constant 0 : i32
        %dma_start3A_155 = arith.constant 0 : i32
        %dma_start3A_156 = tpu.memref_slice %arg12[%dma_start3A_154, %dma_start3A_155] : memref<10000x64xf32, #tpu.memory_space<vmem_shared>> -> memref<10000x64xf32, #tpu.memory_space<vmem_shared>>
        tpu.enqueue_indirect_dma source(%arg10 : memref<125x64xf32, #tpu.memory_space<vmem>>) target(%dma_start3A_156 : memref<10000x64xf32, #tpu.memory_space<vmem_shared>>) offsets(%dma_start3A_153 : memref<125xi32, #tpu.memory_space<vmem>>) semaphore(%run_scoped3A : memref<!tpu.dma_semaphore, #tpu.memory_space<semaphore_mem>>) {add = true}
        %dma_wait3A_157 = arith.constant 0 : i32
        %dma_wait3A_158 = tpu.memref_slice %arg7[%add3A_112, %dma_wait3A_157] : memref<160x125xi32, #tpu.memory_space<vmem>> -> memref<1x125xi32, #tpu.memory_space<vmem>>
        %dma_wait3A_159 = tpu.memref_squeeze %dma_wait3A_158 : memref<1x125xi32, #tpu.memory_space<vmem>> -> memref<125xi32, #tpu.memory_space<vmem>>
        %dma_wait3A_160 = arith.constant 0 : i32
        %dma_wait3A_161 = arith.constant 0 : i32
        %dma_wait3A_162 = tpu.memref_slice %arg12[%dma_wait3A_160, %dma_wait3A_161] : memref<10000x64xf32, #tpu.memory_space<vmem_shared>> -> memref<10000x64xf32, #tpu.memory_space<vmem_shared>>
        tpu.wait_indirect_dma semaphore(%run_scoped3A : memref<!tpu.dma_semaphore, #tpu.memory_space<semaphore_mem>>) src(%arg10 : memref<125x64xf32, #tpu.memory_space<vmem>>) dst(%dma_wait3A_162 : memref<10000x64xf32, #tpu.memory_space<vmem_shared>>)
        tpu.yield
      }) : () -> ()
      %add3A_123 = arith.constant 4 : i32
      %add3A_124 = arith.addi %add3A_112, %add3A_123 : i32
      %lt3A_125 = arith.constant 160 : i32
      %lt3A_126 = arith.cmpi slt, %add3A_124, %lt3A_125 : i32
      %convert_element_type3A_127 = arith.extui %lt3A_126 : i1 to i32
      %cond3A_128 = arith.constant 0 : i32
      %cond3A_129 = arith.cmpi ne, %convert_element_type3A_127, %cond3A_128 : i32
      scf.if %cond3A_129 {
        %dma_start3A_151 = arith.constant 0 : i32
        %dma_start3A_152 = tpu.memref_slice %arg6[%add3A_124, %dma_start3A_151] : memref<160x125xi32, #tpu.memory_space<vmem>> -> memref<1x125xi32, #tpu.memory_space<vmem>>
        %dma_start3A_153 = tpu.memref_squeeze %dma_start3A_152 : memref<1x125xi32, #tpu.memory_space<vmem>> -> memref<125xi32, #tpu.memory_space<vmem>>
        %dma_start3A_154 = arith.constant 0 : i32
        %dma_start3A_155 = arith.constant 0 : i32
        %dma_start3A_156 = tpu.memref_slice %arg2[%arg0, %dma_start3A_154, %dma_start3A_155] : memref<2x10000x64xf32, #tpu.memory_space<hbm>> -> memref<1x10000x64xf32, #tpu.memory_space<hbm>>
        %dma_start3A_157 = tpu.memref_squeeze %dma_start3A_156 : memref<1x10000x64xf32, #tpu.memory_space<hbm>> -> memref<10000x64xf32, #tpu.memory_space<hbm>>
        %dma_start3A_158 = arith.constant 0 : i32
        %dma_start3A_159 = arith.constant 0 : i32
        %dma_start3A_160 = tpu.memref_slice %dma_start3A_157[%dma_start3A_158, %dma_start3A_159] : memref<10000x64xf32, #tpu.memory_space<hbm>> -> memref<10000x64xf32, #tpu.memory_space<hbm>>
        tpu.enqueue_indirect_dma source(%dma_start3A_160 : memref<10000x64xf32, #tpu.memory_space<hbm>>) target(%arg10 : memref<125x64xf32, #tpu.memory_space<vmem>>) offsets(%dma_start3A_153 : memref<125xi32, #tpu.memory_space<vmem>>) semaphore(%arg15 : memref<!tpu.dma_semaphore, #tpu.memory_space<semaphore_mem>>)
      } else {
      }
      %mul3A_130 = arith.constant 4 : i32
      %mul3A_131 = arith.muli %scan3A_68, %mul3A_130 : i32
      %add3A_132 = arith.constant 3 : i32
      %add3A_133 = arith.addi %mul3A_131, %add3A_132 : i32
      %dma_wait3A_134 = arith.constant 0 : i32
      %dma_wait3A_135 = tpu.memref_slice %arg6[%add3A_133, %dma_wait3A_134] : memref<160x125xi32, #tpu.memory_space<vmem>> -> memref<1x125xi32, #tpu.memory_space<vmem>>
      %dma_wait3A_136 = tpu.memref_squeeze %dma_wait3A_135 : memref<1x125xi32, #tpu.memory_space<vmem>> -> memref<125xi32, #tpu.memory_space<vmem>>
      %dma_wait3A_137 = arith.constant 0 : i32
      %dma_wait3A_138 = arith.constant 0 : i32
      %dma_wait3A_139 = tpu.memref_slice %arg2[%arg0, %dma_wait3A_137, %dma_wait3A_138] : memref<2x10000x64xf32, #tpu.memory_space<hbm>> -> memref<1x10000x64xf32, #tpu.memory_space<hbm>>
      %dma_wait3A_140 = tpu.memref_squeeze %dma_wait3A_139 : memref<1x10000x64xf32, #tpu.memory_space<hbm>> -> memref<10000x64xf32, #tpu.memory_space<hbm>>
      %dma_wait3A_141 = arith.constant 0 : i32
      %dma_wait3A_142 = arith.constant 0 : i32
      %dma_wait3A_143 = tpu.memref_slice %dma_wait3A_140[%dma_wait3A_141, %dma_wait3A_142] : memref<10000x64xf32, #tpu.memory_space<hbm>> -> memref<10000x64xf32, #tpu.memory_space<hbm>>
      tpu.wait_indirect_dma semaphore(%arg16 : memref<!tpu.dma_semaphore, #tpu.memory_space<semaphore_mem>>) src(%dma_wait3A_143 : memref<10000x64xf32, #tpu.memory_space<hbm>>) dst(%arg11 : memref<125x64xf32, #tpu.memory_space<vmem>>)
      "tpu.region"() ({
        %run_scoped3A = tpu.sem_alloc : memref<!tpu.dma_semaphore, #tpu.memory_space<semaphore_mem>>
        %dma_start3A_151 = arith.constant 0 : i32
        %dma_start3A_152 = tpu.memref_slice %arg7[%add3A_133, %dma_start3A_151] : memref<160x125xi32, #tpu.memory_space<vmem>> -> memref<1x125xi32, #tpu.memory_space<vmem>>
        %dma_start3A_153 = tpu.memref_squeeze %dma_start3A_152 : memref<1x125xi32, #tpu.memory_space<vmem>> -> memref<125xi32, #tpu.memory_space<vmem>>
        %dma_start3A_154 = arith.constant 0 : i32
        %dma_start3A_155 = arith.constant 0 : i32
        %dma_start3A_156 = tpu.memref_slice %arg12[%dma_start3A_154, %dma_start3A_155] : memref<10000x64xf32, #tpu.memory_space<vmem_shared>> -> memref<10000x64xf32, #tpu.memory_space<vmem_shared>>
        tpu.enqueue_indirect_dma source(%arg11 : memref<125x64xf32, #tpu.memory_space<vmem>>) target(%dma_start3A_156 : memref<10000x64xf32, #tpu.memory_space<vmem_shared>>) offsets(%dma_start3A_153 : memref<125xi32, #tpu.memory_space<vmem>>) semaphore(%run_scoped3A : memref<!tpu.dma_semaphore, #tpu.memory_space<semaphore_mem>>) {add = true}
        %dma_wait3A_157 = arith.constant 0 : i32
        %dma_wait3A_158 = tpu.memref_slice %arg7[%add3A_133, %dma_wait3A_157] : memref<160x125xi32, #tpu.memory_space<vmem>> -> memref<1x125xi32, #tpu.memory_space<vmem>>
        %dma_wait3A_159 = tpu.memref_squeeze %dma_wait3A_158 : memref<1x125xi32, #tpu.memory_space<vmem>> -> memref<125xi32, #tpu.memory_space<vmem>>
        %dma_wait3A_160 = arith.constant 0 : i32
        %dma_wait3A_161 = arith.constant 0 : i32
        %dma_wait3A_162 = tpu.memref_slice %arg12[%dma_wait3A_160, %dma_wait3A_161] : memref<10000x64xf32, #tpu.memory_space<vmem_shared>> -> memref<10000x64xf32, #tpu.memory_space<vmem_shared>>
        tpu.wait_indirect_dma semaphore(%run_scoped3A : memref<!tpu.dma_semaphore, #tpu.memory_space<semaphore_mem>>) src(%arg11 : memref<125x64xf32, #tpu.memory_space<vmem>>) dst(%dma_wait3A_162 : memref<10000x64xf32, #tpu.memory_space<vmem_shared>>)
        tpu.yield
      }) : () -> ()
      %add3A_144 = arith.constant 4 : i32
      %add3A_145 = arith.addi %add3A_133, %add3A_144 : i32
      %lt3A_146 = arith.constant 160 : i32
      %lt3A_147 = arith.cmpi slt, %add3A_145, %lt3A_146 : i32
      %convert_element_type3A_148 = arith.extui %lt3A_147 : i1 to i32
      %cond3A_149 = arith.constant 0 : i32
      %cond3A_150 = arith.cmpi ne, %convert_element_type3A_148, %cond3A_149 : i32
      scf.if %cond3A_150 {
        %dma_start3A_151 = arith.constant 0 : i32
        %dma_start3A_152 = tpu.memref_slice %arg6[%add3A_145, %dma_start3A_151] : memref<160x125xi32, #tpu.memory_space<vmem>> -> memref<1x125xi32, #tpu.memory_space<vmem>>
        %dma_start3A_153 = tpu.memref_squeeze %dma_start3A_152 : memref<1x125xi32, #tpu.memory_space<vmem>> -> memref<125xi32, #tpu.memory_space<vmem>>
        %dma_start3A_154 = arith.constant 0 : i32
        %dma_start3A_155 = arith.constant 0 : i32
        %dma_start3A_156 = tpu.memref_slice %arg2[%arg0, %dma_start3A_154, %dma_start3A_155] : memref<2x10000x64xf32, #tpu.memory_space<hbm>> -> memref<1x10000x64xf32, #tpu.memory_space<hbm>>
        %dma_start3A_157 = tpu.memref_squeeze %dma_start3A_156 : memref<1x10000x64xf32, #tpu.memory_space<hbm>> -> memref<10000x64xf32, #tpu.memory_space<hbm>>
        %dma_start3A_158 = arith.constant 0 : i32
        %dma_start3A_159 = arith.constant 0 : i32
        %dma_start3A_160 = tpu.memref_slice %dma_start3A_157[%dma_start3A_158, %dma_start3A_159] : memref<10000x64xf32, #tpu.memory_space<hbm>> -> memref<10000x64xf32, #tpu.memory_space<hbm>>
        tpu.enqueue_indirect_dma source(%dma_start3A_160 : memref<10000x64xf32, #tpu.memory_space<hbm>>) target(%arg11 : memref<125x64xf32, #tpu.memory_space<vmem>>) offsets(%dma_start3A_153 : memref<125xi32, #tpu.memory_space<vmem>>) semaphore(%arg16 : memref<!tpu.dma_semaphore, #tpu.memory_space<semaphore_mem>>)
      } else {
      }
    }
    %scan3A_55 = arith.constant 40 : i32
    %barrier3A_56 = arith.constant 0 : index
    tpu.barrier barrier_id(%barrier3A_56)
    %mul3A_57 = arith.constant 64 : i32
    %mul3A_58 = arith.muli %arg0, %mul3A_57 : i32
    %mul3A_59 = arith.constant 624 : i32
    %mul3A_60 = arith.muli %arg1, %mul3A_59 : i32
    %mul3A_61 = arith.constant 624 : i32
    %mul3A_62 = arith.muli %arg1, %mul3A_61 : i32
    "tpu.region"() ({
      %run_scoped3A = tpu.sem_alloc : memref<!tpu.dma_semaphore, #tpu.memory_space<semaphore_mem>>
      %dma_start3A_68 = tpu.memref_slice %arg5[%mul3A_62, %mul3A_58] : memref<10000x128xf32, #tpu.memory_space<hbm>> -> memref<624x64xf32, #tpu.memory_space<hbm>>
      %dma_start3A_69 = arith.constant 0 : i32
      %dma_start3A_70 = tpu.memref_slice %arg12[%mul3A_60, %dma_start3A_69] : memref<10000x64xf32, #tpu.memory_space<vmem_shared>> -> memref<624x64xf32, #tpu.memory_space<vmem_shared>>
      tpu.enqueue_dma source(%dma_start3A_70 : memref<624x64xf32, #tpu.memory_space<vmem_shared>>) target(%dma_start3A_68 : memref<624x64xf32, #tpu.memory_space<hbm>>) target_semaphore(%run_scoped3A : memref<!tpu.dma_semaphore, #tpu.memory_space<semaphore_mem>>)
      %dma_wait3A = tpu.memref_slice %arg5[%mul3A_62, %mul3A_58] : memref<10000x128xf32, #tpu.memory_space<hbm>> -> memref<624x64xf32, #tpu.memory_space<hbm>>
      %dma_wait3A_71 = arith.constant 0 : i32
      %dma_wait3A_72 = tpu.memref_slice %arg12[%mul3A_60, %dma_wait3A_71] : memref<10000x64xf32, #tpu.memory_space<vmem_shared>> -> memref<624x64xf32, #tpu.memory_space<vmem_shared>>
      tpu.wait_dma2 semaphore(%run_scoped3A : memref<!tpu.dma_semaphore, #tpu.memory_space<semaphore_mem>>) src(%dma_wait3A_72 : memref<624x64xf32, #tpu.memory_space<vmem_shared>>) dst(%dma_wait3A : memref<624x64xf32, #tpu.memory_space<hbm>>)
      tpu.yield
    }) : () -> ()
    %eq3A_63 = arith.constant 15 : i32
    %eq3A_64 = arith.cmpi eq, %arg1, %eq3A_63 : i32
    %convert_element_type3A_65 = arith.extui %eq3A_64 : i1 to i32
    %cond3A_66 = arith.constant 0 : i32
    %cond3A_67 = arith.cmpi ne, %convert_element_type3A_65, %cond3A_66 : i32
    scf.if %cond3A_67 {
      "tpu.region"() ({
        %run_scoped3A = tpu.sem_alloc : memref<!tpu.dma_semaphore, #tpu.memory_space<semaphore_mem>>
        %dma_start3A_68 = arith.constant 9984 : i32
        %dma_start3A_69 = tpu.memref_slice %arg5[%dma_start3A_68, %mul3A_58] : memref<10000x128xf32, #tpu.memory_space<hbm>> -> memref<16x64xf32, #tpu.memory_space<hbm>>
        %dma_start3A_70 = arith.constant 9984 : i32
        %dma_start3A_71 = arith.constant 0 : i32
        %dma_start3A_72 = tpu.memref_slice %arg12[%dma_start3A_70, %dma_start3A_71] : memref<10000x64xf32, #tpu.memory_space<vmem_shared>> -> memref<16x64xf32, #tpu.memory_space<vmem_shared>>
        tpu.enqueue_dma source(%dma_start3A_72 : memref<16x64xf32, #tpu.memory_space<vmem_shared>>) target(%dma_start3A_69 : memref<16x64xf32, #tpu.memory_space<hbm>>) target_semaphore(%run_scoped3A : memref<!tpu.dma_semaphore, #tpu.memory_space<semaphore_mem>>)
        %dma_wait3A = arith.constant 9984 : i32
        %dma_wait3A_73 = tpu.memref_slice %arg5[%dma_wait3A, %mul3A_58] : memref<10000x128xf32, #tpu.memory_space<hbm>> -> memref<16x64xf32, #tpu.memory_space<hbm>>
        %dma_wait3A_74 = arith.constant 9984 : i32
        %dma_wait3A_75 = arith.constant 0 : i32
        %dma_wait3A_76 = tpu.memref_slice %arg12[%dma_wait3A_74, %dma_wait3A_75] : memref<10000x64xf32, #tpu.memory_space<vmem_shared>> -> memref<16x64xf32, #tpu.memory_space<vmem_shared>>
        tpu.wait_dma2 semaphore(%run_scoped3A : memref<!tpu.dma_semaphore, #tpu.memory_space<semaphore_mem>>) src(%dma_wait3A_76 : memref<16x64xf32, #tpu.memory_space<vmem_shared>>) dst(%dma_wait3A_73 : memref<16x64xf32, #tpu.memory_space<hbm>>)
        tpu.yield
      }) : () -> ()
    } else {
    }
    return
  }
}

module attributes {stable_mosaic.version = 14 : i64} {
  func.func @_pre_body(%arg0: i32, %arg1: memref<1024x128xf32, #tpu.memory_space<vmem>>, %arg2: memref<2x8x128xf32, #tpu.memory_space<vmem>>, %arg3: memref<2x1024x64xf32, #tpu.memory_space<vmem>>) attributes {dimension_semantics = [#tpu.dimension_semantics<arbitrary>], iteration_bounds = array<i64: 10>, scalar_prefetch = 0 : i64, scratch_operands = 0 : i64, tpu.core_type = #tpu.core_type<tc>, window_params = [{transform_indices = @transform_0, window_bounds = array<i64: 1024, 128>}, {transform_indices = @transform_1, window_bounds = array<i64: 2, 8, 128>}, {transform_indices = @transform_2, window_bounds = array<i64: 2, 1024, 64>}]} {
    %get3A = arith.constant 0 : index
    %get3A_0 = arith.constant 0 : index
    %get3A_1 = vector.load %arg1[%get3A, %get3A_0] : memref<1024x128xf32, #tpu.memory_space<vmem>>, vector<1024x128xf32>
    %get3A_2 = arith.constant 0 : index
    %get3A_3 = arith.constant 0 : index
    %get3A_4 = arith.constant 0 : index
    %get3A_5 = vector.load %arg2[%get3A_2, %get3A_3, %get3A_4] : memref<2x8x128xf32, #tpu.memory_space<vmem>>, vector<1x8x128xf32>
    %get3A_6 = vector.shape_cast %get3A_5 : vector<1x8x128xf32> to vector<8x128xf32>
    %get3A_7 = arith.constant 1 : index
    %get3A_8 = arith.constant 0 : index
    %get3A_9 = arith.constant 0 : index
    %get3A_10 = vector.load %arg2[%get3A_7, %get3A_8, %get3A_9] : memref<2x8x128xf32, #tpu.memory_space<vmem>>, vector<1x8x128xf32>
    %get3A_11 = vector.shape_cast %get3A_10 : vector<1x8x128xf32> to vector<8x128xf32>
    %add3A = arith.addf %get3A_6, %get3A_11 : vector<8x128xf32>
    %max3A = arith.constant 1.000000e+00 : f32
    %max3A_12 = vector.broadcast %max3A : f32 to vector<8x128xf32>
    %max3A_13 = arith.maximumf %add3A, %max3A_12 : vector<8x128xf32>
    %rsqrt3A = math.rsqrt %max3A_13 : vector<8x128xf32>
    %transpose3A = tpu.transpose %rsqrt3A, [1, 0] : vector<8x128xf32> -> vector<128x8xf32>
    %slice3A = vector.extract_strided_slice %transpose3A {offsets = [0, 0], sizes = [128, 1], strides = [1, 1]} : vector<128x8xf32> to vector<128x1xf32>
    %slice3A_14 = vector.extract_strided_slice %transpose3A {offsets = [0, 1], sizes = [128, 1], strides = [1, 1]} : vector<128x8xf32> to vector<128x1xf32>
    %slice3A_15 = vector.extract_strided_slice %transpose3A {offsets = [0, 2], sizes = [128, 1], strides = [1, 1]} : vector<128x8xf32> to vector<128x1xf32>
    %slice3A_16 = vector.extract_strided_slice %transpose3A {offsets = [0, 3], sizes = [128, 1], strides = [1, 1]} : vector<128x8xf32> to vector<128x1xf32>
    %slice3A_17 = vector.extract_strided_slice %transpose3A {offsets = [0, 4], sizes = [128, 1], strides = [1, 1]} : vector<128x8xf32> to vector<128x1xf32>
    %slice3A_18 = vector.extract_strided_slice %transpose3A {offsets = [0, 5], sizes = [128, 1], strides = [1, 1]} : vector<128x8xf32> to vector<128x1xf32>
    %slice3A_19 = vector.extract_strided_slice %transpose3A {offsets = [0, 6], sizes = [128, 1], strides = [1, 1]} : vector<128x8xf32> to vector<128x1xf32>
    %slice3A_20 = vector.extract_strided_slice %transpose3A {offsets = [0, 7], sizes = [128, 1], strides = [1, 1]} : vector<128x8xf32> to vector<128x1xf32>
    %concatenate3A = tpu.concatenate %slice3A, %slice3A_14, %slice3A_15, %slice3A_16, %slice3A_17, %slice3A_18, %slice3A_19, %slice3A_20 in 0 : vector<128x1xf32>, vector<128x1xf32>, vector<128x1xf32>, vector<128x1xf32>, vector<128x1xf32>, vector<128x1xf32>, vector<128x1xf32>, vector<128x1xf32> -> vector<1024x1xf32>
    %mul3A = vector.broadcast %concatenate3A : vector<1024x1xf32> to vector<1024x128xf32>
    %mul3A_21 = arith.mulf %get3A_1, %mul3A : vector<1024x128xf32>
    %slice3A_22 = vector.extract_strided_slice %mul3A_21 {offsets = [0, 0], sizes = [1024, 64], strides = [1, 1]} : vector<1024x128xf32> to vector<1024x64xf32>
    %swap3A = arith.constant 0 : index
    %swap3A_23 = arith.constant 0 : index
    %swap3A_24 = arith.constant 0 : index
    %swap3A_25 = vector.load %arg3[%swap3A, %swap3A_23, %swap3A_24] : memref<2x1024x64xf32, #tpu.memory_space<vmem>>, vector<1x1024x64xf32>
    %swap3A_26 = vector.shape_cast %swap3A_25 : vector<1x1024x64xf32> to vector<1024x64xf32>
    %swap3A_27 = vector.shape_cast %slice3A_22 : vector<1024x64xf32> to vector<1x1024x64xf32>
    tpu.vector_store %arg3[%swap3A, %swap3A_23, %swap3A_24], %swap3A_27 {strides = array<i32>} : memref<2x1024x64xf32, #tpu.memory_space<vmem>>, vector<1x1024x64xf32>,
    %slice3A_28 = vector.extract_strided_slice %mul3A_21 {offsets = [0, 64], sizes = [1024, 64], strides = [1, 1]} : vector<1024x128xf32> to vector<1024x64xf32>
    %swap3A_29 = arith.constant 1 : index
    %swap3A_30 = arith.constant 0 : index
    %swap3A_31 = arith.constant 0 : index
    %swap3A_32 = vector.load %arg3[%swap3A_29, %swap3A_30, %swap3A_31] : memref<2x1024x64xf32, #tpu.memory_space<vmem>>, vector<1x1024x64xf32>
    %swap3A_33 = vector.shape_cast %swap3A_32 : vector<1x1024x64xf32> to vector<1024x64xf32>
    %swap3A_34 = vector.shape_cast %slice3A_28 : vector<1024x64xf32> to vector<1x1024x64xf32>
    tpu.vector_store %arg3[%swap3A_29, %swap3A_30, %swap3A_31], %swap3A_34 {strides = array<i32>} : memref<2x1024x64xf32, #tpu.memory_space<vmem>>, vector<1x1024x64xf32>,
    return
  }
  func.func @transform_0(%arg0: i32) -> (i32, i32) {
    %c0_i32 = arith.constant 0 : i32
    %c0_i32_0 = arith.constant 0 : i32
    return %arg0, %c0_i32 : i32, i32
  }
  func.func @transform_1(%arg0: i32) -> (i32, i32, i32) {
    %c0_i32 = arith.constant 0 : i32
    %c0_i32_0 = arith.constant 0 : i32
    %c0_i32_1 = arith.constant 0 : i32
    return %c0_i32, %arg0, %c0_i32_0 : i32, i32, i32
  }
  func.func @transform_2(%arg0: i32) -> (i32, i32, i32) {
    %c0_i32 = arith.constant 0 : i32
    %c0_i32_0 = arith.constant 0 : i32
    %c0_i32_1 = arith.constant 0 : i32
    return %c0_i32, %arg0, %c0_i32_0 : i32, i32, i32
  }
}

module attributes {stable_mosaic.version = 14 : i64} {
  func.func @_mid_body(%arg0: i32, %arg1: memref<1024x128xf32, #tpu.memory_space<vmem>>, %arg2: memref<2x8x128xf32, #tpu.memory_space<vmem>>, %arg3: memref<2x8x128xf32, #tpu.memory_space<vmem>>, %arg4: memref<128x128xf32, #tpu.memory_space<vmem>>, %arg5: memref<1x128xf32, #tpu.memory_space<vmem>>, %arg6: memref<128x48xf32, #tpu.memory_space<vmem>>, %arg7: memref<1024x48xf32, #tpu.memory_space<vmem>>) attributes {dimension_semantics = [#tpu.dimension_semantics<arbitrary>], iteration_bounds = array<i64: 10>, scalar_prefetch = 0 : i64, scratch_operands = 0 : i64, tpu.core_type = #tpu.core_type<tc>, window_params = [{transform_indices = @transform_0, window_bounds = array<i64: 1024, 128>}, {transform_indices = @transform_1, window_bounds = array<i64: 2, 8, 128>}, {transform_indices = @transform_2, window_bounds = array<i64: 2, 8, 128>}, {pipeline_mode = #tpu.pipeline_mode<synchronous>, transform_indices = @transform_3, window_bounds = array<i64: 128, 128>}, {pipeline_mode = #tpu.pipeline_mode<synchronous>, transform_indices = @transform_4, window_bounds = array<i64: 1, 128>}, {pipeline_mode = #tpu.pipeline_mode<synchronous>, transform_indices = @transform_5, window_bounds = array<i64: 128, 48>}, {transform_indices = @transform_6, window_bounds = array<i64: 1024, 48>}]} {
    %get3A = arith.constant 0 : index
    %get3A_0 = arith.constant 0 : index
    %get3A_1 = arith.constant 0 : index
    %get3A_2 = vector.load %arg3[%get3A, %get3A_0, %get3A_1] : memref<2x8x128xf32, #tpu.memory_space<vmem>>, vector<1x8x128xf32>
    %get3A_3 = vector.shape_cast %get3A_2 : vector<1x8x128xf32> to vector<8x128xf32>
    %get3A_4 = arith.constant 1 : index
    %get3A_5 = arith.constant 0 : index
    %get3A_6 = arith.constant 0 : index
    %get3A_7 = vector.load %arg3[%get3A_4, %get3A_5, %get3A_6] : memref<2x8x128xf32, #tpu.memory_space<vmem>>, vector<1x8x128xf32>
    %get3A_8 = vector.shape_cast %get3A_7 : vector<1x8x128xf32> to vector<8x128xf32>
    %add3A = arith.addf %get3A_3, %get3A_8 : vector<8x128xf32>
    %max3A = arith.constant 1.000000e+00 : f32
    %max3A_9 = vector.broadcast %max3A : f32 to vector<8x128xf32>
    %max3A_10 = arith.maximumf %add3A, %max3A_9 : vector<8x128xf32>
    %rsqrt3A = math.rsqrt %max3A_10 : vector<8x128xf32>
    %transpose3A = tpu.transpose %rsqrt3A, [1, 0] : vector<8x128xf32> -> vector<128x8xf32>
    %slice3A = vector.extract_strided_slice %transpose3A {offsets = [0, 0], sizes = [128, 1], strides = [1, 1]} : vector<128x8xf32> to vector<128x1xf32>
    %slice3A_11 = vector.extract_strided_slice %transpose3A {offsets = [0, 1], sizes = [128, 1], strides = [1, 1]} : vector<128x8xf32> to vector<128x1xf32>
    %slice3A_12 = vector.extract_strided_slice %transpose3A {offsets = [0, 2], sizes = [128, 1], strides = [1, 1]} : vector<128x8xf32> to vector<128x1xf32>
    %slice3A_13 = vector.extract_strided_slice %transpose3A {offsets = [0, 3], sizes = [128, 1], strides = [1, 1]} : vector<128x8xf32> to vector<128x1xf32>
    %slice3A_14 = vector.extract_strided_slice %transpose3A {offsets = [0, 4], sizes = [128, 1], strides = [1, 1]} : vector<128x8xf32> to vector<128x1xf32>
    %slice3A_15 = vector.extract_strided_slice %transpose3A {offsets = [0, 5], sizes = [128, 1], strides = [1, 1]} : vector<128x8xf32> to vector<128x1xf32>
    %slice3A_16 = vector.extract_strided_slice %transpose3A {offsets = [0, 6], sizes = [128, 1], strides = [1, 1]} : vector<128x8xf32> to vector<128x1xf32>
    %slice3A_17 = vector.extract_strided_slice %transpose3A {offsets = [0, 7], sizes = [128, 1], strides = [1, 1]} : vector<128x8xf32> to vector<128x1xf32>
    %concatenate3A = tpu.concatenate %slice3A, %slice3A_11, %slice3A_12, %slice3A_13, %slice3A_14, %slice3A_15, %slice3A_16, %slice3A_17 in 0 : vector<128x1xf32>, vector<128x1xf32>, vector<128x1xf32>, vector<128x1xf32>, vector<128x1xf32>, vector<128x1xf32>, vector<128x1xf32>, vector<128x1xf32> -> vector<1024x1xf32>
    %get3A_18 = arith.constant 0 : index
    %get3A_19 = arith.constant 0 : index
    %get3A_20 = arith.constant 0 : index
    %get3A_21 = vector.load %arg2[%get3A_18, %get3A_19, %get3A_20] : memref<2x8x128xf32, #tpu.memory_space<vmem>>, vector<1x8x128xf32>
    %get3A_22 = vector.shape_cast %get3A_21 : vector<1x8x128xf32> to vector<8x128xf32>
    %get3A_23 = arith.constant 1 : index
    %get3A_24 = arith.constant 0 : index
    %get3A_25 = arith.constant 0 : index
    %get3A_26 = vector.load %arg2[%get3A_23, %get3A_24, %get3A_25] : memref<2x8x128xf32, #tpu.memory_space<vmem>>, vector<1x8x128xf32>
    %get3A_27 = vector.shape_cast %get3A_26 : vector<1x8x128xf32> to vector<8x128xf32>
    %add3A_28 = arith.addf %get3A_22, %get3A_27 : vector<8x128xf32>
    %max3A_29 = arith.constant 1.000000e+00 : f32
    %max3A_30 = vector.broadcast %max3A_29 : f32 to vector<8x128xf32>
    %max3A_31 = arith.maximumf %add3A_28, %max3A_30 : vector<8x128xf32>
    %rsqrt3A_32 = math.rsqrt %max3A_31 : vector<8x128xf32>
    %transpose3A_33 = tpu.transpose %rsqrt3A_32, [1, 0] : vector<8x128xf32> -> vector<128x8xf32>
    %slice3A_34 = vector.extract_strided_slice %transpose3A_33 {offsets = [0, 0], sizes = [128, 1], strides = [1, 1]} : vector<128x8xf32> to vector<128x1xf32>
    %slice3A_35 = vector.extract_strided_slice %transpose3A_33 {offsets = [0, 1], sizes = [128, 1], strides = [1, 1]} : vector<128x8xf32> to vector<128x1xf32>
    %slice3A_36 = vector.extract_strided_slice %transpose3A_33 {offsets = [0, 2], sizes = [128, 1], strides = [1, 1]} : vector<128x8xf32> to vector<128x1xf32>
    %slice3A_37 = vector.extract_strided_slice %transpose3A_33 {offsets = [0, 3], sizes = [128, 1], strides = [1, 1]} : vector<128x8xf32> to vector<128x1xf32>
    %slice3A_38 = vector.extract_strided_slice %transpose3A_33 {offsets = [0, 4], sizes = [128, 1], strides = [1, 1]} : vector<128x8xf32> to vector<128x1xf32>
    %slice3A_39 = vector.extract_strided_slice %transpose3A_33 {offsets = [0, 5], sizes = [128, 1], strides = [1, 1]} : vector<128x8xf32> to vector<128x1xf32>
    %slice3A_40 = vector.extract_strided_slice %transpose3A_33 {offsets = [0, 6], sizes = [128, 1], strides = [1, 1]} : vector<128x8xf32> to vector<128x1xf32>
    %slice3A_41 = vector.extract_strided_slice %transpose3A_33 {offsets = [0, 7], sizes = [128, 1], strides = [1, 1]} : vector<128x8xf32> to vector<128x1xf32>
    %concatenate3A_42 = tpu.concatenate %slice3A_34, %slice3A_35, %slice3A_36, %slice3A_37, %slice3A_38, %slice3A_39, %slice3A_40, %slice3A_41 in 0 : vector<128x1xf32>, vector<128x1xf32>, vector<128x1xf32>, vector<128x1xf32>, vector<128x1xf32>, vector<128x1xf32>, vector<128x1xf32>, vector<128x1xf32> -> vector<1024x1xf32>
    %get3A_43 = arith.constant 0 : index
    %get3A_44 = arith.constant 0 : index
    %get3A_45 = vector.load %arg1[%get3A_43, %get3A_44] : memref<1024x128xf32, #tpu.memory_space<vmem>>, vector<1024x128xf32>
    %mul3A = vector.broadcast %concatenate3A : vector<1024x1xf32> to vector<1024x128xf32>
    %mul3A_46 = arith.mulf %get3A_45, %mul3A : vector<1024x128xf32>
    %get3A_47 = arith.constant 0 : index
    %get3A_48 = arith.constant 0 : index
    %get3A_49 = vector.load %arg4[%get3A_47, %get3A_48] : memref<128x128xf32, #tpu.memory_space<vmem>>, vector<128x128xf32>
    %dot_general3A = arith.constant dense<0.000000e+00> : vector<1024x128xf32>
    %dot_general3A_50 = tpu.matmul %mul3A_46, %get3A_49, %dot_general3A {dimension_numbers = #tpu.dot_dimension_numbers<[1], [0], [0], [1], [0, 0, 1, 1], [], []>, transpose_lhs_hint = false} : vector<1024x128xf32>, vector<128x128xf32>, vector<1024x128xf32> -> vector<1024x128xf32>
    %get3A_51 = arith.constant 0 : index
    %get3A_52 = arith.constant 0 : index
    %get3A_53 = vector.load %arg5[%get3A_51, %get3A_52] : memref<1x128xf32, #tpu.memory_space<vmem>>, vector<1x128xf32>
    %add3A_54 = vector.broadcast %get3A_53 : vector<1x128xf32> to vector<1024x128xf32>
    %add3A_55 = arith.addf %dot_general3A_50, %add3A_54 : vector<1024x128xf32>
    %max3A_56 = arith.constant 0.000000e+00 : f32
    %max3A_57 = vector.broadcast %max3A_56 : f32 to vector<1024x128xf32>
    %max3A_58 = arith.maximumf %add3A_55, %max3A_57 : vector<1024x128xf32>
    %mul3A_59 = vector.broadcast %concatenate3A_42 : vector<1024x1xf32> to vector<1024x128xf32>
    %mul3A_60 = arith.mulf %max3A_58, %mul3A_59 : vector<1024x128xf32>
    %get3A_61 = arith.constant 0 : index
    %get3A_62 = arith.constant 0 : index
    %get3A_63 = vector.load %arg6[%get3A_61, %get3A_62] : memref<128x48xf32, #tpu.memory_space<vmem>>, vector<128x48xf32>
    %dot_general3A_64 = arith.constant dense<0.000000e+00> : vector<1024x48xf32>
    %dot_general3A_65 = tpu.matmul %mul3A_60, %get3A_63, %dot_general3A_64 {dimension_numbers = #tpu.dot_dimension_numbers<[1], [0], [0], [1], [0, 0, 1, 1], [], []>, transpose_lhs_hint = false} : vector<1024x128xf32>, vector<128x48xf32>, vector<1024x48xf32> -> vector<1024x48xf32>
    %swap3A = arith.constant 0 : index
    %swap3A_66 = arith.constant 0 : index
    %swap3A_67 = vector.load %arg7[%swap3A, %swap3A_66] : memref<1024x48xf32, #tpu.memory_space<vmem>>, vector<1024x48xf32>
    tpu.vector_store %arg7[%swap3A, %swap3A_66], %dot_general3A_65 {strides = array<i32>} : memref<1024x48xf32, #tpu.memory_space<vmem>>, vector<1024x48xf32>,
    return
  }
  func.func @transform_0(%arg0: i32) -> (i32, i32) {
    %c0_i32 = arith.constant 0 : i32
    %c0_i32_0 = arith.constant 0 : i32
    return %arg0, %c0_i32 : i32, i32
  }
  func.func @transform_1(%arg0: i32) -> (i32, i32, i32) {
    %c0_i32 = arith.constant 0 : i32
    %c0_i32_0 = arith.constant 0 : i32
    %c0_i32_1 = arith.constant 0 : i32
    return %c0_i32, %arg0, %c0_i32_0 : i32, i32, i32
  }
  func.func @transform_2(%arg0: i32) -> (i32, i32, i32) {
    %c0_i32 = arith.constant 0 : i32
    %c0_i32_0 = arith.constant 0 : i32
    %c0_i32_1 = arith.constant 0 : i32
    return %c0_i32, %arg0, %c0_i32_0 : i32, i32, i32
  }
  func.func @transform_3(%arg0: i32) -> (i32, i32) {
    %c0_i32 = arith.constant 0 : i32
    %c0_i32_0 = arith.constant 0 : i32
    %c0_i32_1 = arith.constant 0 : i32
    return %c0_i32, %c0_i32_0 : i32, i32
  }
  func.func @transform_4(%arg0: i32) -> (i32, i32) {
    %c0_i32 = arith.constant 0 : i32
    %c0_i32_0 = arith.constant 0 : i32
    %c0_i32_1 = arith.constant 0 : i32
    return %c0_i32, %c0_i32_0 : i32, i32
  }
  func.func @transform_5(%arg0: i32) -> (i32, i32) {
    %c0_i32 = arith.constant 0 : i32
    %c0_i32_0 = arith.constant 0 : i32
    %c0_i32_1 = arith.constant 0 : i32
    return %c0_i32, %c0_i32_0 : i32, i32
  }
  func.func @transform_6(%arg0: i32) -> (i32, i32) {
    %c0_i32 = arith.constant 0 : i32
    %c0_i32_0 = arith.constant 0 : i32
    return %arg0, %c0_i32 : i32, i32
  }
}

module attributes {stable_mosaic.version = 14 : i64} {
  func.func @_post_body(%arg0: i32, %arg1: memref<1024x128xf32, #tpu.memory_space<vmem>>, %arg2: memref<2x8x128xf32, #tpu.memory_space<vmem>>, %arg3: memref<1x40xf32, #tpu.memory_space<vmem>>, %arg4: memref<1024x40xf32, #tpu.memory_space<vmem>>) attributes {dimension_semantics = [#tpu.dimension_semantics<arbitrary>], iteration_bounds = array<i64: 10>, scalar_prefetch = 0 : i64, scratch_operands = 0 : i64, tpu.core_type = #tpu.core_type<tc>, window_params = [{transform_indices = @transform_0, window_bounds = array<i64: 1024, 128>}, {transform_indices = @transform_1, window_bounds = array<i64: 2, 8, 128>}, {pipeline_mode = #tpu.pipeline_mode<synchronous>, transform_indices = @transform_2, window_bounds = array<i64: 1, 40>}, {transform_indices = @transform_3, window_bounds = array<i64: 1024, 40>}]} {
    %get3A = arith.constant 0 : index
    %get3A_0 = arith.constant 0 : index
    %get3A_1 = vector.load %arg1[%get3A, %get3A_0] : memref<1024x128xf32, #tpu.memory_space<vmem>>, vector<1024x128xf32>
    %slice3A = vector.extract_strided_slice %get3A_1 {offsets = [0, 0], sizes = [1024, 40], strides = [1, 1]} : vector<1024x128xf32> to vector<1024x40xf32>
    %slice3A_2 = vector.extract_strided_slice %get3A_1 {offsets = [0, 64], sizes = [1024, 40], strides = [1, 1]} : vector<1024x128xf32> to vector<1024x40xf32>
    %add3A = arith.addf %slice3A, %slice3A_2 : vector<1024x40xf32>
    %get3A_3 = arith.constant 0 : index
    %get3A_4 = arith.constant 0 : index
    %get3A_5 = arith.constant 0 : index
    %get3A_6 = vector.load %arg2[%get3A_3, %get3A_4, %get3A_5] : memref<2x8x128xf32, #tpu.memory_space<vmem>>, vector<1x8x128xf32>
    %get3A_7 = vector.shape_cast %get3A_6 : vector<1x8x128xf32> to vector<8x128xf32>
    %get3A_8 = arith.constant 1 : index
    %get3A_9 = arith.constant 0 : index
    %get3A_10 = arith.constant 0 : index
    %get3A_11 = vector.load %arg2[%get3A_8, %get3A_9, %get3A_10] : memref<2x8x128xf32, #tpu.memory_space<vmem>>, vector<1x8x128xf32>
    %get3A_12 = vector.shape_cast %get3A_11 : vector<1x8x128xf32> to vector<8x128xf32>
    %add3A_13 = arith.addf %get3A_7, %get3A_12 : vector<8x128xf32>
    %max3A = arith.constant 1.000000e+00 : f32
    %max3A_14 = vector.broadcast %max3A : f32 to vector<8x128xf32>
    %max3A_15 = arith.maximumf %add3A_13, %max3A_14 : vector<8x128xf32>
    %rsqrt3A = math.rsqrt %max3A_15 : vector<8x128xf32>
    %transpose3A = tpu.transpose %rsqrt3A, [1, 0] : vector<8x128xf32> -> vector<128x8xf32>
    %slice3A_16 = vector.extract_strided_slice %transpose3A {offsets = [0, 0], sizes = [128, 1], strides = [1, 1]} : vector<128x8xf32> to vector<128x1xf32>
    %slice3A_17 = vector.extract_strided_slice %transpose3A {offsets = [0, 1], sizes = [128, 1], strides = [1, 1]} : vector<128x8xf32> to vector<128x1xf32>
    %slice3A_18 = vector.extract_strided_slice %transpose3A {offsets = [0, 2], sizes = [128, 1], strides = [1, 1]} : vector<128x8xf32> to vector<128x1xf32>
    %slice3A_19 = vector.extract_strided_slice %transpose3A {offsets = [0, 3], sizes = [128, 1], strides = [1, 1]} : vector<128x8xf32> to vector<128x1xf32>
    %slice3A_20 = vector.extract_strided_slice %transpose3A {offsets = [0, 4], sizes = [128, 1], strides = [1, 1]} : vector<128x8xf32> to vector<128x1xf32>
    %slice3A_21 = vector.extract_strided_slice %transpose3A {offsets = [0, 5], sizes = [128, 1], strides = [1, 1]} : vector<128x8xf32> to vector<128x1xf32>
    %slice3A_22 = vector.extract_strided_slice %transpose3A {offsets = [0, 6], sizes = [128, 1], strides = [1, 1]} : vector<128x8xf32> to vector<128x1xf32>
    %slice3A_23 = vector.extract_strided_slice %transpose3A {offsets = [0, 7], sizes = [128, 1], strides = [1, 1]} : vector<128x8xf32> to vector<128x1xf32>
    %concatenate3A = tpu.concatenate %slice3A_16, %slice3A_17, %slice3A_18, %slice3A_19, %slice3A_20, %slice3A_21, %slice3A_22, %slice3A_23 in 0 : vector<128x1xf32>, vector<128x1xf32>, vector<128x1xf32>, vector<128x1xf32>, vector<128x1xf32>, vector<128x1xf32>, vector<128x1xf32>, vector<128x1xf32> -> vector<1024x1xf32>
    %mul3A = vector.broadcast %concatenate3A : vector<1024x1xf32> to vector<1024x40xf32>
    %mul3A_24 = arith.mulf %add3A, %mul3A : vector<1024x40xf32>
    %get3A_25 = arith.constant 0 : index
    %get3A_26 = arith.constant 0 : index
    %get3A_27 = vector.load %arg3[%get3A_25, %get3A_26] : memref<1x40xf32, #tpu.memory_space<vmem>>, vector<1x40xf32>
    %add3A_28 = vector.broadcast %get3A_27 : vector<1x40xf32> to vector<1024x40xf32>
    %add3A_29 = arith.addf %mul3A_24, %add3A_28 : vector<1024x40xf32>
    %swap3A = arith.constant 0 : index
    %swap3A_30 = arith.constant 0 : index
    %swap3A_31 = vector.load %arg4[%swap3A, %swap3A_30] : memref<1024x40xf32, #tpu.memory_space<vmem>>, vector<1024x40xf32>
    tpu.vector_store %arg4[%swap3A, %swap3A_30], %add3A_29 {strides = array<i32>} : memref<1024x40xf32, #tpu.memory_space<vmem>>, vector<1024x40xf32>,
    return
  }
  func.func @transform_0(%arg0: i32) -> (i32, i32) {
    %c0_i32 = arith.constant 0 : i32
    %c0_i32_0 = arith.constant 0 : i32
    return %arg0, %c0_i32 : i32, i32
  }
  func.func @transform_1(%arg0: i32) -> (i32, i32, i32) {
    %c0_i32 = arith.constant 0 : i32
    %c0_i32_0 = arith.constant 0 : i32
    %c0_i32_1 = arith.constant 0 : i32
    return %c0_i32, %arg0, %c0_i32_0 : i32, i32, i32
  }
  func.func @transform_2(%arg0: i32) -> (i32, i32) {
    %c0_i32 = arith.constant 0 : i32
    %c0_i32_0 = arith.constant 0 : i32
    %c0_i32_1 = arith.constant 0 : i32
    return %c0_i32, %c0_i32_0 : i32, i32
  }
  func.func @transform_3(%arg0: i32) -> (i32, i32) {
    %c0_i32 = arith.constant 0 : i32
    %c0_i32_0 = arith.constant 0 : i32
    return %arg0, %c0_i32 : i32, i32
  }
}

</mosaic_0001>

<sc_bundles>
// kernel: kernel.11.cloned.1.call-start
scs
__scs_entry_jumppad:
0x0: {  	(pc) =	sbr.rel $0x88, $3  }
0x1: {  	(tag) =	ssettag $0x0;
	lr =	simm.s32 $0x1  }
0x2: {  	[smem:$0x3F9B] =	sst lr;
	_ =	strace $0xD0000000  }
0x3: {  	_ = 	snop  }
0x4: {  	_ = 	snop  }
0x5: {  	_ = 	snop  }
0x6: {  	_ = 	snop  }
0x7: {  	_ = 	snop  }
__scs_overlays_trampoline_lowered:
0x8: {  	[smem:$0x3FAA] =	sst s0  }
0x9: {  	[smem:$0x3FAB] =	sst s1  }
0xa: {  	[smem:$0x3FAC] =	sst s2  }
0xb: {  	[smem:$0x3FAD] =	sst s3  }
0xc: {  	[smem:$0x3FAE] =	sst s4  }
0xd: {  	[smem:$0x3FAF] =	sst s5  }
0xe: {  	[smem:$0x3FB0] =	sst s6  }
0xf: {  	[smem:$0x3FB1] =	sst s7  }
0x10: {  	[smem:$0x3FB2] =	sst s8  }
0x11: {  	[smem:$0x3FB3] =	sst s9;
	s0 =	simm.s32 @!p0 $0x0  }
0x12: {  	s1 =	sld [smem:$0x3F99];
	s0 =	simm.s32 @p0 $0x1  }
0x13: {  	[smem:$0x3FB4] =	sst s0;
	s0 =	simm.s32 @!p1 $0x0  }
0x14: {  	s2 =	sld [smem:$0x3F98];
	s0 =	simm.s32 @p1 $0x1  }
0x15: {  	[smem:$0x3FB5] =	sst s0;
	s0 =	simm.s32 @!p2 $0x0  }
0x16: {  	s3 =	sld [smem:$0x3FDB];
	s0 =	simm.s32 @p2 $0x1  }
0x17: {  	s4 =	simm.s32 $0x1BF5;
	[smem:$0x3FB7] =	sst s0  }
0x18: {  	s0 =	sld [smem:$0x3F9A];
	_ =	swait.ge [sflag:s4], $0x0  }
0x19: {  	s7 =	sld [smem:$0x3F9B]  }
0x1a: {  	s8 =	sadd.s32 $0xFFFFE003, lr  }
0x1b: {  	s9 =	sadd.s32 $0xFFFFFEF7, lr;
	s5 =	simm.s32 $0xFFFFFFFF;
	p2 =	slt.u32 s8, $0xFFFFF086  }
0x1c: {  	p1 =	slt.u32 s9, $0xF7A;
	s5 =	simm.s32 @!p2 $0x0  }
0x1d: {  	s5 =	simm.s32 @p1 $0x1;
	p0 =	seq.s32 s7, s2  }
0x1e: {  	s7 =	smul.u32 @!p0 $0xF7A, s2;
	p2 =	seq.s32 @!p0 s5, $0x0  }
0x1f: {  	s9 =	smul.u32 $0xF7A, s1;
	s8 =	simm.s32 @!p0 $0x1BF5;
	p2 =	por !p2, p0  }
0x20: {  	[sflag:s8] =	ssyncset.s32 @!p0 $0xFFFFF086;
	s6 =	sadd.s32 @!p0 s3, s7;
	s7 =	simm.s32 @!p0 $0x108  }
0x21: {  	s3 =	sadd.s32 s3, s9;
	s6 =	sadd.s32 @!p0 $0x88, s6;
	s7 =	simm.s32 @p2 $0x1082  }
0x22: {  	[simem:s7], [sflag:s8] =	dma.local @!p0 [hbm:s6], $0xF7A  }
0x23: {  	s9 =	sor.u32 $0xD0000000, s2;
	s6 =	simm.s32 $0x108;
	_ =	swait.ge @!p0 [sflag:s8], $0x0  }
0x24: {  	s3 =	sadd.s32 $0x88, s3;
	s6 =	simm.s32 @!p1 $0x1082;
	[sflag:s4] =	ssyncset.s32 $0xFFFFF086  }
0x25: {  	[simem:s6], [sflag:s4] =	dma.local [hbm:s3], $0xF7A  }
0x26: {  	[smem:$0x3F9B] =	sst s1;
	(tag) =	ssettag s2;
	_ =	strace s9  }
0x27: {  	s1 =	sld [smem:$0x3FAB]  }
0x28: {  	s2 =	sld [smem:$0x3FAC]  }
0x29: {  	s4 =	sld [smem:$0x3FAE]  }
0x2a: {  	p0 =	seq.s32 s5, $0x0;
	s5 =	sld [smem:$0x3FAF]  }
0x2b: {  	s6 =	sld [smem:$0x3FB0]  }
0x2c: {  	s7 =	sld [smem:$0x3FB1]  }
0x2d: {  	s3 =	simm.s32 $0x108;
	s8 =	sld [smem:$0x3FB2]  }
0x2e: {  	s3 =	simm.s32 @!p0 $0x1082;
	s9 =	sld [smem:$0x3FB3]  }
0x2f: {  	lr =	sadd.s32 s0, s3;
	s0 =	sld [smem:$0x3FAA]  }
0x30: {  	s3 =	sld [smem:$0x3FAD]  }
0x31: {  	[smem:$0x3FB6] =	sst s10  }
0x32: {  	s10 =	sld [smem:$0x3FB4];
	_ =	sdelay $0x3  }
0x33: {  	p0 =	seq.s32 s10, $0x1;
	s10 =	sld [smem:$0x3FB6];
	_ =	sdelay $0x3  }
0x34: {  	[smem:$0x3FB6] =	sst s10  }
0x35: {  	s10 =	sld [smem:$0x3FB5];
	_ =	sdelay $0x3  }
0x36: {  	p1 =	seq.s32 s10, $0x1;
	s10 =	sld [smem:$0x3FB6];
	_ =	sdelay $0x3  }
0x37: {  	[smem:$0x3FB6] =	sst s10  }
0x38: {  	s10 =	sld [smem:$0x3FB7]  }
0x39: {  	_ = 	snop;
	(pc) =	sbr.ind lr, $3  }
0x3a: {  	_ = 	snop  }
0x3b: {  	_ = 	snop  }
0x3c: {  	p2 =	seq.s32 s10, $0x1;
	s10 =	sld [smem:$0x3FB6]  }
0x3d: {  	_ =	shalt  }
0x3e: {  	_ =	shalt  }
0x3f: {  	_ =	shalt  }
0x40: {  	_ =	shalt  }
0x41: {  	_ =	shalt  }
0x42: {  	_ =	shalt  }
0x43: {  	_ =	shalt  }
0x44: {  	_ =	shalt  }
0x45: {  	_ =	shalt  }
0x46: {  	_ =	shalt  }
0x47: {  	_ =	shalt  }
0x48: {  	_ =	shalt  }
0x49: {  	_ =	shalt  }
0x4a: {  	_ =	shalt  }
0x4b: {  	_ =	shalt  }
0x4c: {  	_ =	shalt  }
0x4d: {  	_ =	shalt  }
0x4e: {  	_ =	shalt  }
0x4f: {  	_ =	shalt  }
0x50: {  	_ =	shalt  }
0x51: {  	_ =	shalt  }
0x52: {  	_ =	shalt  }
0x53: {  	_ =	shalt  }
0x54: {  	_ =	shalt  }
0x55: {  	_ =	shalt  }
0x56: {  	_ =	shalt  }
0x57: {  	_ =	shalt  }
0x58: {  	_ =	shalt  }
0x59: {  	_ =	shalt  }
0x5a: {  	_ =	shalt  }
0x5b: {  	_ =	shalt  }
0x5c: {  	_ =	shalt  }
0x5d: {  	_ =	shalt  }
0x5e: {  	_ =	shalt  }
0x5f: {  	_ =	shalt  }
0x60: {  	_ =	shalt  }
0x61: {  	_ =	shalt  }
0x62: {  	_ =	shalt  }
0x63: {  	_ =	shalt  }
0x64: {  	_ =	shalt  }
0x65: {  	_ =	shalt  }
0x66: {  	_ =	shalt  }
0x67: {  	_ =	shalt  }
0x68: {  	_ =	shalt  }
0x69: {  	_ =	shalt  }
0x6a: {  	_ =	shalt  }
0x6b: {  	_ =	shalt  }
0x6c: {  	_ =	shalt  }
0x6d: {  	_ =	shalt  }
0x6e: {  	_ =	shalt  }
0x6f: {  	_ =	shalt  }
0x70: {  	_ =	shalt  }
0x71: {  	_ =	shalt  }
0x72: {  	_ =	shalt  }
0x73: {  	_ =	shalt  }
0x74: {  	_ =	shalt  }
0x75: {  	_ =	shalt  }
0x76: {  	_ =	shalt  }
0x77: {  	_ =	shalt  }
0x78: {  	_ =	shalt  }
0x79: {  	_ =	shalt  }
0x7a: {  	_ =	shalt  }
0x7b: {  	_ =	shalt  }
0x7c: {  	_ =	shalt  }
0x7d: {  	_ =	shalt  }
0x7e: {  	_ =	shalt  }
0x7f: {  	_ =	shalt  }
0x80: {  	_ =	shalt  }
0x81: {  	_ =	shalt  }
0x82: {  	_ =	shalt  }
0x83: {  	_ =	shalt  }
0x84: {  	_ =	shalt  }
0x85: {  	_ =	shalt  }
0x86: {  	_ =	shalt  }
0x87: {  	_ =	shalt  }
.Lfunc_end0:
.L_simem_size_0:
called_computation.1_lowered:
.L_overlay_start_0:
0x88: {  	s2 =	sld [smem:$0x3FD9]  }
0x89: {  	s3 =	sld [smem:$0x3FFE];
	_ =	sdelay $0x1  }
0x8a: {  	s1 =	srdreg.scid  }
0x8b: {  	s0 =	sand.u32 $0x1, s1  }
0x8c: {  	s17 =	sshll.u32 s0, $0xA;
	s2 =	sadd.s32 s3, s2  }
0x8d: {  	s2 =	sadd.s32 s2, s17  }
0x8e: {  	[smem:$0x3FC2] =	sst s2  }
0x8f: {  	_ = 	snop  }
0x90: {  	s2 =	sld [smem:$0x3FD0];
	(tm) =	ssettm $0x1  }
0x91: {  	s18 =	sld [smem:$0x3FFB];
	_ =	sdelay $0x3  }
0x92: {  	_ =	strace s18  }
0x93: {  	s3 =	sld [smem:$0x3FFC];
	_ =	sdelay $0x3  }
0x94: {  	_ =	strace s3  }
0x95: {  	s3 =	sld [smem:$0x3FFD];
	_ =	sdelay $0x3  }
0x96: {  	_ =	strace s3  }
0x97: {  	_ =	strace $0x8FFFFFFF  }
0x98: {  	s19 =	sld [smem:$0x3FDB];
	_ =	sdelay $0x1  }
0x99: {  	s4 =	simm.s32 $_scs_section_size  }
0x9a: {  	s5 =	simm.s32 $_size__tile_overlayer_lowered;
	s6 =	simm.s32 $_tile_overlayer_lowered  }
0x9b: {  	s22 =	simm.s32 $0x1BFF;
	s21 =	sshll.u32 s6, $0x1;
	s3 =	sadd.s32 s4, s19  }
0x9c: {  	s7 =	simm.s32 $0x0;
	s20 =	sshll.u32 s5, $0x1;
	s5 =	sadd.s32 s21, s3  }
0x9d: {  	[timem:s7], [sflag:s22] =	dma.local [hbm:s5], s20  }
0x9e: {  	_ =	swait.ge [sflag:s22], s20  }
0x9f: {  	s4 =	ssub.s32 $0x0, s20;
	[sflag:s22] =	ssyncset.done $0x0  }
0xa0: {  	[sflag:s22] =	ssyncadd.s32 s4;
	_ =	sdelay $0x1  }
0xa1: {  	s23 =	simm.s32 $0x1B8B  }
0xa2: {  	_ =	swait.ge [sflag:s23], $0x1  }
0xa3: {  	[sflag:s23] =	ssyncset.done $0x0  }
0xa4: {  	s25 =	simm.s32 $0x1B8E;
	s24 =	sld [smem:$0x3FFE];
	[sflag:s23] =	ssyncadd.s32 $0xFFFFFFFF  }
0xa5: {  	s26 =	simm.s32 $execute0_lowered;
	[smem:$0x3FD2] =	sst s25  }
0xa6: {  	s5 =	sshll.u32 s26, $0x1;
	_ =	strace $0x80000049;
	[dreg:$0x1] =	wrdreg $0xFFFFFFFF  }
0xa7: {  	s28 =	simm.s32 $_size_execute0_lowered;
	s3 =	sadd.s32 s3, s5;
	[dreg:$0x0] =	wrdreg $0x0  }
0xa8: {  	s5 =	sshll.u32 s28, $0x1;
	[dreg:$0x2] =	wrdreg s3  }
0xa9: {  	[dreg:$0x3] =	wrdreg s5  }
0xaa: {  	[dreg:$0x4] =	wrdreg $0xC0  }
0xab: {  	_ =	task [dreg:s7], $0x5FFFF  }
0xac: {  	[dreg:$0x1] =	wrdreg $0xFFFFFFFF  }
0xad: {  	[dreg:$0x0] =	wrdreg $0x60  }
0xae: {  	[dreg:$0x2] =	wrdreg s24  }
0xaf: {  	[dreg:$0x3] =	wrdreg s2  }
0xb0: {  	[dreg:$0x4] =	wrdreg $0x11D000  }
0xb1: {  	[dreg:$0x5] =	wrdreg $0x9  }
0xb2: {  	_ =	task.clear_ibuf [dreg:s7], $0x6FFFF;
	_ =	strace $0x90000049  }
0xb3: {  	s29 =	simm.s32 $0x9;
	_ =	strace $0x8000004B  }
0xb4: {  	_ =	swait.ge [sflag:s29], $0x1  }
0xb5: {  	[sflag:s29] =	ssyncadd.s32 $0xFFFFFFFF  }
0xb6: {  	_ =	strace $0x9000004B  }
0xb7: {  	_ =	sfence  }
0xb8: {  	s30 =	sld [smem:$0x0];
	_ =	sdelay $0x2  }
0xb9: {  	s31 =	sshll.u32 s1, $0xD;
	s1 =	sshrl.u32 s1, $0x2  }
0xba: {  	s3 =	sand.u32 $0x4000, s31;
	s1 =	sadd.s32 s1, s30  }
0xbb: {  	s0 =	sor.u32 s3, s0;
	s1 =	sshll.u32 s1, $0x11  }
0xbc: {  	s0 =	sor.u32 s1, s0  }
0xbd: {  	s0 =	sadd.s32 $0x8F2B, s0  }
0xbe: {  	[sflag:s0] =	ssyncadd.remote.s32 $0x1  }
0xbf: {  	_ =	sfence.sel $0xFFFF  }
0xc0: {  	[dreg:$0x0] =	wrdreg $0xFFFFFFFF;
	(pc) =	sbr.abs _section_cstart, $3  }
0xc1: {  	[dreg:$0x1] =	wrdreg $0xFFFFFFFF  }
0xc2: {  	_ =	task.clear_ibuf [dreg:s7], $0x2FFFF;
	_ =	strace $0x9FFFFFFF  }
0xc3: {  	(tm) =	ssettm $0x7FFFFFFF  }
tec
execute0_lowered:
.L_overlay_start_1:
0x0: {  	(tag) =	ssettag $0x1  }
0x1: {  	s0 =	rddreg [dreg:$0x0]  }
0x2: {  	s1 =	rddreg [dreg:$0x1];
	s3 =	srdreg.scid  }
0x3: {  	s2 =	rddreg [dreg:$0x2];
	s4 =	simm.s32 $0x0;
	s16 =	stileid.u32  }
0x4: {  	s20 =	simm.s32 $0x7D;
	s21 =	simm.s32 $0xA000;
	s28 =	simm.s32 $0xFDC0  }
0x5: {  	s29 =	simm.s32 $0x1;
	s30 =	simm.s32 $0x2;
	s23 =	smul.u32 $0x2800, s16  }
0x6: {  	s31 =	simm.s32 $0x3;
	s22 =	simm.s32 $0x10;
	s10 =	smul.u32 $0x500, s16  }
0x7: {  	s3 =	sand.u32 $0x1, s3;
	[smem:$0x7FF] =	sst s4;
	s11 =	smul.u32 $0x27000, s16  }
0x8: {  	s6 =	sadd.s32 $0x17200, s0;
	s25 =	smul.u32 $0x13800, s16;
	s15 =	sadd.s32 $0x9C000, s2  }
0x9: {  	p0 =	sne.s32 s16, $0xF;
	s26 =	sshll.u32 s16, $0x6;
	s16 =	simm.s32 $0x9F80  }
0xa: {  	s5 =	smul.u32 $0x13880, s3;
	_ =	strace $0x8000004A;
	s7 =	ssub.s32 $0x2, s3  }
0xb: {  	s13 =	sshll.u32 s3, $0x6;
	s3 =	sshll.u32 s3, $0x3;
	s17 =	sor.u32 $0x1C05, s26  }
0xc: {  	s19 =	sshrl.u32 @!p0 s15, $0x3;
	s26 =	simm.s32 $0x0;
	s8 =	sshrl.u32 s7, $0x1  }
0xd: {  	s11 =	sshrl.u32 s11, $0x2;
	s9 =	sadd.s32 s5, s0;
	s0 =	sadd.s32 $0x52400, s0  }
0xe: {  	s5 =	sshrl.u32 s23, $0x3;
	s12 =	ssub.s32 s7, s8;
	s14 =	sadd.s32 s11, s2  }
0xf: {  	s23 =	simm.s32 $0xBF40;
	s24 =	sadd.s32 s6, s5;
	s5 =	sadd.s32 s6, s10  }
0x10: {  	s10 =	sor.u32 s13, s25;
	s9 =	sadd.s32 $0x2B200, s9;
	s12 =	smax.u32 s12, $0x1  }
0x11: {  	s13 =	simm.s32 $0x5;
	s18 =	sshrl.u32 s14, $0x3;
	s25 =	simm.s32 $0xDE80  }
0x12: {  	s6 =	sadd.s32 $0x5000, s24;
	s7 =	sadd.s32 $0xA000, s24;
	s10 =	sshrl.u32 s10, $0x3  }
0x13: {  	s8 =	sadd.s32 $0xF000, s24;
	s10 =	sadd.s32 s0, s10;
	s0 =	sadd.s32 s3, s0  }
0x14: {  	s24 =	simm.s32 $0x8;
	s11 =	sadd.s32 $0x27000, s0;
	s0 =	simm.s32 $0x4  }
.LBB2_1:
0x15: {  	[tilespmem:s4], [sflag:$0x5] =	stream.linear.gather [hbm4b:s5+s4], $0x2800, $0x38;
	[tilespmem:$0x1B940] =	vst v63  }
0x16: {  	_ =	swait.ge [sflag:s13], $0x2800  }
0x17: {  	[sflag:s13] =	ssyncset.done $0x0  }
0x18: {  	s3 =	simm.s32 $0x2800;
	[sflag:s13] =	ssyncadd.s32 $0xFFFFD800  }
0x19: {  	[tilespmem:s3], [sflag:$0x5] =	stream.linear.gather [hbm4b:s6+s4], $0x2800, $0x38;
	[tilespmem:$0x1B940] =	vst v63  }
0x1a: {  	_ =	swait.ge [sflag:s13], $0x2800  }
0x1b: {  	[sflag:s13] =	ssyncset.done $0x0  }
0x1c: {  	s14 =	simm.s32 $0x5000;
	[sflag:s13] =	ssyncadd.s32 $0xFFFFD800  }
0x1d: {  	[tilespmem:s14], [sflag:$0x5] =	stream.linear.gather [hbm4b:s7+s4], $0x2800, $0x38;
	[tilespmem:$0x1B940] =	vst v63  }
0x1e: {  	_ =	swait.ge [sflag:s13], $0x2800  }
0x1f: {  	[sflag:s13] =	ssyncset.done $0x0  }
0x20: {  	s15 =	simm.s32 $0x7800;
	[sflag:s13] =	ssyncadd.s32 $0xFFFFD800  }
0x21: {  	[tilespmem:s15], [sflag:$0x5] =	stream.linear.gather [hbm4b:s8+s4], $0x2800, $0x38;
	[tilespmem:$0x1B940] =	vst v63  }
0x22: {  	_ =	swait.ge [sflag:s13], $0x2800  }
0x23: {  	[sflag:s13] =	ssyncset.done $0x0  }
0x24: {  	[sflag:s13] =	ssyncadd.s32 $0xFFFFD800  }
0x25: {  	[spmem:s18], [sflag:s17] =	dma.local [hbm:s1], $0x1380  }
0x26: {  	_ =	swait.ge [sflag:s13], $0x1380  }
0x27: {  	[sflag:s13] =	ssyncset.done $0x0  }
0x28: {  	s3 =	simm.s32 @!p0 $0x5;
	[sflag:s13] =	ssyncadd.s32 $0xFFFFEC80  }
0x29: {  	[spmem:s19], [sflag:s17] =	dma.local @!p0 [hbm:s1], $0x80  }
0x2a: {  	_ =	swait.ge @!p0 [sflag:s3], $0x80  }
0x2b: {  	[sflag:s3] =	ssyncset.done @!p0 $0x0  }
0x2c: {  	[sflag:s3] =	ssyncadd.s32 @!p0 $0xFFFFFF80  }
0x2d: {  	[bflag:$0x0] =	sbarrier.arrive $0xFFFF  }
0x2e: {  	[tilespmem:s21], [sflag:$0x1] =	stream.indirect.gather [hbm4b:s9+s20], $0x40, s4, s20, $0xb8;
	[tilespmem:$0x1B940] =	vst v63  }
0x2f: {  	s14 =	simm.s32 $0x80  }
0x30: {  	[tilespmem:s23], [sflag:$0x2] =	stream.indirect.gather [hbm4b:s9+s20], $0x40, s14, s20, $0xb8;
	[tilespmem:$0x1B940] =	vst v63  }
0x31: {  	s15 =	simm.s32 $0x100  }
0x32: {  	[tilespmem:s25], [sflag:$0x3] =	stream.indirect.gather [hbm4b:s9+s20], $0x40, s15, s20, $0xb8;
	[tilespmem:$0x1B940] =	vst v63  }
0x33: {  	s14 =	simm.s32 $0x180  }
0x34: {  	[tilespmem:s28], [sflag:$0x4] =	stream.indirect.gather [hbm4b:s9+s20], $0x40, s14, s20, $0xb8;
	[tilespmem:$0x1B940] =	vst v63  }
0x35: {  	_ =	swait.ge [sflag:s29], $0x1F40  }
0x36: {  	[sflag:s29] =	ssyncset.done $0x0  }
0x37: {  	s15 =	simm.s32 $0x5000;
	[sflag:s29] =	ssyncadd.s32 $0xFFFFE0C0  }
0x38: {  	[spmem:s2] =	stream.indirect.scatter.add.f32 [tilespmem:s21], [sflag:$0x5], $0x40, s15, s20, $0xb8;
	[tilespmem:$0x1B940] =	vst v63  }
0x39: {  	_ =	swait.ge [sflag:s13], $0x1F40  }
0x3a: {  	[sflag:s13] =	ssyncset.done $0x0  }
0x3b: {  	s14 =	simm.s32 $0x200;
	[sflag:s13] =	ssyncadd.s32 $0xFFFFE0C0  }
0x3c: {  	[tilespmem:s21], [sflag:$0x1] =	stream.indirect.gather [hbm4b:s9+s20], $0x40, s14, s20, $0xb8;
	[tilespmem:$0x1B940] =	vst v63  }
0x3d: {  	_ =	swait.ge [sflag:s30], $0x1F40  }
0x3e: {  	[sflag:s30] =	ssyncset.done $0x0  }
0x3f: {  	s15 =	simm.s32 $0x5080;
	[sflag:s30] =	ssyncadd.s32 $0xFFFFE0C0  }
0x40: {  	[spmem:s2] =	stream.indirect.scatter.add.f32 [tilespmem:s23], [sflag:$0x5], $0x40, s15, s20, $0xb8;
	[tilespmem:$0x1B940] =	vst v63  }
0x41: {  	_ =	swait.ge [sflag:s13], $0x1F40  }
0x42: {  	[sflag:s13] =	ssyncset.done $0x0  }
0x43: {  	s14 =	simm.s32 $0x280;
	[sflag:s13] =	ssyncadd.s32 $0xFFFFE0C0  }
0x44: {  	[tilespmem:s23], [sflag:$0x2] =	stream.indirect.gather [hbm4b:s9+s20], $0x40, s14, s20, $0xb8;
	[tilespmem:$0x1B940] =	vst v63  }
0x45: {  	_ =	swait.ge [sflag:s31], $0x1F40  }
0x46: {  	[sflag:s31] =	ssyncset.done $0x0  }
0x47: {  	s15 =	simm.s32 $0x5100;
	[sflag:s31] =	ssyncadd.s32 $0xFFFFE0C0  }
0x48: {  	[spmem:s2] =	stream.indirect.scatter.add.f32 [tilespmem:s25], [sflag:$0x5], $0x40, s15, s20, $0xb8;
	[tilespmem:$0x1B940] =	vst v63  }
0x49: {  	_ =	swait.ge [sflag:s13], $0x1F40  }
0x4a: {  	[sflag:s13] =	ssyncset.done $0x0  }
0x4b: {  	s14 =	simm.s32 $0x300;
	[sflag:s13] =	ssyncadd.s32 $0xFFFFE0C0  }
0x4c: {  	[tilespmem:s25], [sflag:$0x3] =	stream.indirect.gather [hbm4b:s9+s20], $0x40, s14, s20, $0xb8;
	[tilespmem:$0x1B940] =	vst v63  }
0x4d: {  	_ =	swait.ge [sflag:s0], $0x1F40  }
0x4e: {  	[sflag:s0] =	ssyncset.done $0x0  }
0x4f: {  	s15 =	simm.s32 $0x5180;
	[sflag:s0] =	ssyncadd.s32 $0xFFFFE0C0  }
0x50: {  	[spmem:s2] =	stream.indirect.scatter.add.f32 [tilespmem:s28], [sflag:$0x5], $0x40, s15, s20, $0xb8;
	[tilespmem:$0x1B940] =	vst v63  }
0x51: {  	_ =	swait.ge [sflag:s13], $0x1F40  }
0x52: {  	[sflag:s13] =	ssyncset.done $0x0  }
0x53: {  	s3 =	simm.s32 $0x800;
	s14 =	simm.s32 $0x380;
	[sflag:s13] =	ssyncadd.s32 $0xFFFFE0C0  }
.LBB2_2:
0x54: {  	[tilespmem:s28], [sflag:$0x4] =	stream.indirect.gather [hbm4b:s9+s20], $0x40, s14, s20, $0xb8;
	[tilespmem:$0x1B940] =	vst v63  }
0x55: {  	s14 =	smov.u32 s3  }
0x56: {  	p1 =	sne.s32 s3, $0x13000;
	s3 =	sadd.s32 $0x800, s3;
	_ =	swait.ge [sflag:s29], $0x1F40  }
0x57: {  	s14 =	sshra.s32 s14, $0x2;
	[sflag:s29] =	ssyncset.done $0x0  }
0x58: {  	s15 =	sadd.s32 $0x5000, s14;
	[sflag:s29] =	ssyncadd.s32 $0xFFFFE0C0  }
0x59: {  	[spmem:s2] =	stream.indirect.scatter.add.f32 [tilespmem:s21], [sflag:$0x5], $0x40, s15, s20, $0xb8;
	[tilespmem:$0x1B940] =	vst v63  }
0x5a: {  	_ =	swait.ge [sflag:s13], $0x1F40  }
0x5b: {  	[sflag:s13] =	ssyncset.done $0x0  }
0x5c: {  	s15 =	sadd.s32 $0x200, s14;
	[sflag:s13] =	ssyncadd.s32 $0xFFFFE0C0  }
0x5d: {  	[tilespmem:s21], [sflag:$0x1] =	stream.indirect.gather [hbm4b:s9+s20], $0x40, s15, s20, $0xb8;
	[tilespmem:$0x1B940] =	vst v63  }
0x5e: {  	_ =	swait.ge [sflag:s30], $0x1F40  }
0x5f: {  	[sflag:s30] =	ssyncset.done $0x0  }
0x60: {  	s15 =	sadd.s32 $0x5080, s14;
	[sflag:s30] =	ssyncadd.s32 $0xFFFFE0C0  }
0x61: {  	[spmem:s2] =	stream.indirect.scatter.add.f32 [tilespmem:s23], [sflag:$0x5], $0x40, s15, s20, $0xb8;
	[tilespmem:$0x1B940] =	vst v63  }
0x62: {  	_ =	swait.ge [sflag:s13], $0x1F40  }
0x63: {  	[sflag:s13] =	ssyncset.done $0x0  }
0x64: {  	s15 =	sadd.s32 $0x280, s14;
	[sflag:s13] =	ssyncadd.s32 $0xFFFFE0C0  }
0x65: {  	[tilespmem:s23], [sflag:$0x2] =	stream.indirect.gather [hbm4b:s9+s20], $0x40, s15, s20, $0xb8;
	[tilespmem:$0x1B940] =	vst v63  }
0x66: {  	_ =	swait.ge [sflag:s31], $0x1F40  }
0x67: {  	[sflag:s31] =	ssyncset.done $0x0  }
0x68: {  	s15 =	sadd.s32 $0x5100, s14;
	[sflag:s31] =	ssyncadd.s32 $0xFFFFE0C0  }
0x69: {  	[spmem:s2] =	stream.indirect.scatter.add.f32 [tilespmem:s25], [sflag:$0x5], $0x40, s15, s20, $0xb8;
	[tilespmem:$0x1B940] =	vst v63  }
0x6a: {  	_ =	swait.ge [sflag:s13], $0x1F40  }
0x6b: {  	[sflag:s13] =	ssyncset.done $0x0  }
0x6c: {  	s15 =	sadd.s32 $0x300, s14;
	[sflag:s13] =	ssyncadd.s32 $0xFFFFE0C0  }
0x6d: {  	[tilespmem:s25], [sflag:$0x3] =	stream.indirect.gather [hbm4b:s9+s20], $0x40, s15, s20, $0xb8;
	[tilespmem:$0x1B940] =	vst v63  }
0x6e: {  	_ =	swait.ge [sflag:s0], $0x1F40  }
0x6f: {  	[sflag:s0] =	ssyncset.done $0x0  }
.Ltmp0:
0x70: {  	s15 =	sadd.s32 $0x5180, s14;
	[sflag:s0] =	ssyncadd.s32 $0xFFFFE0C0;
	(pc) =	sbr.rel @p1 .LBB2_2-.Ltmp0, $4  }
0x71: {  	[spmem:s2] =	stream.indirect.scatter.add.f32 [tilespmem:s28], [sflag:$0x5], $0x40, s15, s20, $0xb8;
	[tilespmem:$0x1B940] =	vst v63  }
0x72: {  	_ =	swait.ge [sflag:s13], $0x1F40  }
0x73: {  	[sflag:s13] =	ssyncset.done $0x0  }
0x74: {  	s14 =	sadd.s32 $0x380, s14;
	[sflag:s13] =	ssyncadd.s32 $0xFFFFE0C0  }
0x75: {  	[tilespmem:s28], [sflag:$0x4] =	stream.indirect.gather [hbm4b:s9+s20], $0x40, s14, s20, $0xb8;
	[tilespmem:$0x1B940] =	vst v63  }
0x76: {  	_ =	swait.ge [sflag:s29], $0x1F40  }
0x77: {  	[sflag:s29] =	ssyncset.done $0x0  }
0x78: {  	s3 =	simm.s32 $0x9E00;
	[sflag:s29] =	ssyncadd.s32 $0xFFFFE0C0  }
0x79: {  	[spmem:s2] =	stream.indirect.scatter.add.f32 [tilespmem:s21], [sflag:$0x5], $0x40, s3, s20, $0xb8;
	[tilespmem:$0x1B940] =	vst v63  }
0x7a: {  	_ =	swait.ge [sflag:s13], $0x1F40  }
0x7b: {  	[sflag:s13] =	ssyncset.done $0x0  }
0x7c: {  	[sflag:s13] =	ssyncadd.s32 $0xFFFFE0C0  }
0x7d: {  	_ =	swait.ge [sflag:s30], $0x1F40  }
0x7e: {  	[sflag:s30] =	ssyncset.done $0x0  }
0x7f: {  	s14 =	simm.s32 $0x9E80;
	[sflag:s30] =	ssyncadd.s32 $0xFFFFE0C0  }
0x80: {  	[spmem:s2] =	stream.indirect.scatter.add.f32 [tilespmem:s23], [sflag:$0x5], $0x40, s14, s20, $0xb8;
	[tilespmem:$0x1B940] =	vst v63  }
0x81: {  	_ =	swait.ge [sflag:s13], $0x1F40  }
0x82: {  	[sflag:s13] =	ssyncset.done $0x0  }
0x83: {  	[sflag:s13] =	ssyncadd.s32 $0xFFFFE0C0  }
0x84: {  	_ =	swait.ge [sflag:s31], $0x1F40  }
0x85: {  	[sflag:s31] =	ssyncset.done $0x0  }
0x86: {  	s15 =	simm.s32 $0x9F00;
	[sflag:s31] =	ssyncadd.s32 $0xFFFFE0C0  }
0x87: {  	[spmem:s2] =	stream.indirect.scatter.add.f32 [tilespmem:s25], [sflag:$0x5], $0x40, s15, s20, $0xb8;
	[tilespmem:$0x1B940] =	vst v63  }
0x88: {  	_ =	swait.ge [sflag:s13], $0x1F40  }
0x89: {  	[sflag:s13] =	ssyncset.done $0x0  }
0x8a: {  	[sflag:s13] =	ssyncadd.s32 $0xFFFFE0C0  }
0x8b: {  	_ =	swait.ge [sflag:s0], $0x1F40  }
0x8c: {  	[sflag:s0] =	ssyncset.done $0x0  }
0x8d: {  	[sflag:s0] =	ssyncadd.s32 $0xFFFFE0C0  }
0x8e: {  	[spmem:s2] =	stream.indirect.scatter.add.f32 [tilespmem:s28], [sflag:$0x5], $0x40, s16, s20, $0xb8;
	[tilespmem:$0x1B940] =	vst v63  }
0x8f: {  	_ =	swait.ge [sflag:s13], $0x1F40  }
0x90: {  	[sflag:s13] =	ssyncset.done $0x0  }
0x91: {  	[sflag:s13] =	ssyncadd.s32 $0xFFFFE0C0  }
0x92: {  	[bflag:$0x0] =	sbarrier.arrive $0xFFFF  }
0x93: {  	[hbm:s10@s22], [sflag:s17] =	dma.strided [spmem:s18@s24], $0x1380, s29, $0x8   }
0x94: {  	s26 =	sadd.s32 $0x1, s26;
	_ =	swait.ge [sflag:s13], $0x1380  }
0x95: {  	p1 =	sne.s32 s26, s12;
	s3 =	simm.s32 @!p0 $0x1;
	[sflag:s13] =	ssyncset.done $0x0  }
0x96: {  	s14 =	simm.s32 @!p0 $0x10;
	s15 =	simm.s32 @!p0 $0x8;
	[sflag:s13] =	ssyncadd.s32 $0xFFFFEC80  }
0x97: {  	[hbm:s11@s14], [sflag:s17] =	dma.strided @!p0 [spmem:s19@s15], $0x80, s3, $0x8   }
.Ltmp1:
0x98: {  	_ = 	snop;
	(pc) =	sbr.rel @p1 .LBB2_1-.Ltmp1, $4  }
0x99: {  	s3 =	simm.s32 @!p0 $0x5  }
0x9a: {  	_ =	swait.ge @!p0 [sflag:s3], $0x80  }
0x9b: {  	[sflag:s3] =	ssyncset.done @!p0 $0x0  }
0x9c: {  	[sflag:s3] =	ssyncadd.s32 @!p0 $0xFFFFFF80  }
0x9d: {  	_ =	sfence.sel $0x180000  }
0x9e: {  	[bflag:$0x0] =	sbarrier.arrive $0xFFFF  }
0x9f: {  	_ =	strace $0x9000004A  }
0xa0: {  	s0 =	stileid.u32;
	[bflag:$0x2] =	sbarrier.arrive $0xFFFF  }
0xa1: {  	p0 =	sne.s32 s0, $0x0;
	s0 =	rddreg [dreg:$0x3]  }
0xa2: {  	s0 =	sadd.s32 @!p0 $0x100000, s0  }
0xa3: {  	[sflag:s0] =	ssyncadd.tile.s32 @!p0 $0x1;
	_ =	shalt  }
.Lfunc_end2:
_tile_overlayer_lowered:
.L_overlay_start_2:
0xa4: {  	(tag) =	ssettag $0x2  }
0xa5: {  	s0 =	rddreg [dreg:$0x0];
	s2 =	stileid.u32  }
0xa6: {  	s1 =	rddreg [dreg:$0x1];
	p0 =	sne.s32 s2, $0x0  }
0xa7: {  	s3 =	rddreg [dreg:$0x2];
	[bflag:$0x3] =	sbarrier.arrive $0xFFFF;
	s2 =	simm.s32 @!p0 $0x1C05  }
0xa8: {  	[timem:s3], [sflag:s2] =	dma.local @!p0 [hbm:s0], s1  }
0xa9: {  	s0 =	simm.s32 @!p0 $0x5  }
0xaa: {  	_ =	swait.ge @!p0 [sflag:s0], s1  }
0xab: {  	s1 =	ssub.s32 @!p0 $0x0, s1;
	[sflag:s0] =	ssyncset.done @!p0 $0x0  }
0xac: {  	[sflag:s0] =	ssyncadd.s32 @!p0 s1  }
0xad: {  	[bflag:$0x3] =	sbarrier.arrive $0xFFFF  }
0xae: {  	_ =	shalt  }

// kernel: kernel.14.cloned.1.call-start
scs
__scs_entry_jumppad:
0x0: {  	(pc) =	sbr.rel $0x88, $3  }
0x1: {  	(tag) =	ssettag $0x0;
	lr =	simm.s32 $0x1  }
0x2: {  	[smem:$0x3F9B] =	sst lr;
	_ =	strace $0xD0000000  }
0x3: {  	_ = 	snop  }
0x4: {  	_ = 	snop  }
0x5: {  	_ = 	snop  }
0x6: {  	_ = 	snop  }
0x7: {  	_ = 	snop  }
__scs_overlays_trampoline_lowered:
0x8: {  	[smem:$0x3FAA] =	sst s0  }
0x9: {  	[smem:$0x3FAB] =	sst s1  }
0xa: {  	[smem:$0x3FAC] =	sst s2  }
0xb: {  	[smem:$0x3FAD] =	sst s3  }
0xc: {  	[smem:$0x3FAE] =	sst s4  }
0xd: {  	[smem:$0x3FAF] =	sst s5  }
0xe: {  	[smem:$0x3FB0] =	sst s6  }
0xf: {  	[smem:$0x3FB1] =	sst s7  }
0x10: {  	[smem:$0x3FB2] =	sst s8  }
0x11: {  	[smem:$0x3FB3] =	sst s9;
	s0 =	simm.s32 @!p0 $0x0  }
0x12: {  	s1 =	sld [smem:$0x3F99];
	s0 =	simm.s32 @p0 $0x1  }
0x13: {  	[smem:$0x3FB4] =	sst s0;
	s0 =	simm.s32 @!p1 $0x0  }
0x14: {  	s2 =	sld [smem:$0x3F98];
	s0 =	simm.s32 @p1 $0x1  }
0x15: {  	[smem:$0x3FB5] =	sst s0;
	s0 =	simm.s32 @!p2 $0x0  }
0x16: {  	s3 =	sld [smem:$0x3FDB];
	s0 =	simm.s32 @p2 $0x1  }
0x17: {  	s4 =	simm.s32 $0x1BF5;
	[smem:$0x3FB7] =	sst s0  }
0x18: {  	s0 =	sld [smem:$0x3F9A];
	_ =	swait.ge [sflag:s4], $0x0  }
0x19: {  	s7 =	sld [smem:$0x3F9B]  }
0x1a: {  	s8 =	sadd.s32 $0xFFFFE003, lr  }
0x1b: {  	s9 =	sadd.s32 $0xFFFFFEF7, lr;
	s5 =	simm.s32 $0xFFFFFFFF;
	p2 =	slt.u32 s8, $0xFFFFF086  }
0x1c: {  	p1 =	slt.u32 s9, $0xF7A;
	s5 =	simm.s32 @!p2 $0x0  }
0x1d: {  	s5 =	simm.s32 @p1 $0x1;
	p0 =	seq.s32 s7, s2  }
0x1e: {  	s7 =	smul.u32 @!p0 $0xF7A, s2;
	p2 =	seq.s32 @!p0 s5, $0x0  }
0x1f: {  	s9 =	smul.u32 $0xF7A, s1;
	s8 =	simm.s32 @!p0 $0x1BF5;
	p2 =	por !p2, p0  }
0x20: {  	[sflag:s8] =	ssyncset.s32 @!p0 $0xFFFFF086;
	s6 =	sadd.s32 @!p0 s3, s7;
	s7 =	simm.s32 @!p0 $0x108  }
0x21: {  	s3 =	sadd.s32 s3, s9;
	s6 =	sadd.s32 @!p0 $0x88, s6;
	s7 =	simm.s32 @p2 $0x1082  }
0x22: {  	[simem:s7], [sflag:s8] =	dma.local @!p0 [hbm:s6], $0xF7A  }
0x23: {  	s9 =	sor.u32 $0xD0000000, s2;
	s6 =	simm.s32 $0x108;
	_ =	swait.ge @!p0 [sflag:s8], $0x0  }
0x24: {  	s3 =	sadd.s32 $0x88, s3;
	s6 =	simm.s32 @!p1 $0x1082;
	[sflag:s4] =	ssyncset.s32 $0xFFFFF086  }
0x25: {  	[simem:s6], [sflag:s4] =	dma.local [hbm:s3], $0xF7A  }
0x26: {  	[smem:$0x3F9B] =	sst s1;
	(tag) =	ssettag s2;
	_ =	strace s9  }
0x27: {  	s1 =	sld [smem:$0x3FAB]  }
0x28: {  	s2 =	sld [smem:$0x3FAC]  }
0x29: {  	s4 =	sld [smem:$0x3FAE]  }
0x2a: {  	p0 =	seq.s32 s5, $0x0;
	s5 =	sld [smem:$0x3FAF]  }
0x2b: {  	s6 =	sld [smem:$0x3FB0]  }
0x2c: {  	s7 =	sld [smem:$0x3FB1]  }
0x2d: {  	s3 =	simm.s32 $0x108;
	s8 =	sld [smem:$0x3FB2]  }
0x2e: {  	s3 =	simm.s32 @!p0 $0x1082;
	s9 =	sld [smem:$0x3FB3]  }
0x2f: {  	lr =	sadd.s32 s0, s3;
	s0 =	sld [smem:$0x3FAA]  }
0x30: {  	s3 =	sld [smem:$0x3FAD]  }
0x31: {  	[smem:$0x3FB6] =	sst s10  }
0x32: {  	s10 =	sld [smem:$0x3FB4];
	_ =	sdelay $0x3  }
0x33: {  	p0 =	seq.s32 s10, $0x1;
	s10 =	sld [smem:$0x3FB6];
	_ =	sdelay $0x3  }
0x34: {  	[smem:$0x3FB6] =	sst s10  }
0x35: {  	s10 =	sld [smem:$0x3FB5];
	_ =	sdelay $0x3  }
0x36: {  	p1 =	seq.s32 s10, $0x1;
	s10 =	sld [smem:$0x3FB6];
	_ =	sdelay $0x3  }
0x37: {  	[smem:$0x3FB6] =	sst s10  }
0x38: {  	s10 =	sld [smem:$0x3FB7]  }
0x39: {  	_ = 	snop;
	(pc) =	sbr.ind lr, $3  }
0x3a: {  	_ = 	snop  }
0x3b: {  	_ = 	snop  }
0x3c: {  	p2 =	seq.s32 s10, $0x1;
	s10 =	sld [smem:$0x3FB6]  }
0x3d: {  	_ =	shalt  }
0x3e: {  	_ =	shalt  }
0x3f: {  	_ =	shalt  }
0x40: {  	_ =	shalt  }
0x41: {  	_ =	shalt  }
0x42: {  	_ =	shalt  }
0x43: {  	_ =	shalt  }
0x44: {  	_ =	shalt  }
0x45: {  	_ =	shalt  }
0x46: {  	_ =	shalt  }
0x47: {  	_ =	shalt  }
0x48: {  	_ =	shalt  }
0x49: {  	_ =	shalt  }
0x4a: {  	_ =	shalt  }
0x4b: {  	_ =	shalt  }
0x4c: {  	_ =	shalt  }
0x4d: {  	_ =	shalt  }
0x4e: {  	_ =	shalt  }
0x4f: {  	_ =	shalt  }
0x50: {  	_ =	shalt  }
0x51: {  	_ =	shalt  }
0x52: {  	_ =	shalt  }
0x53: {  	_ =	shalt  }
0x54: {  	_ =	shalt  }
0x55: {  	_ =	shalt  }
0x56: {  	_ =	shalt  }
0x57: {  	_ =	shalt  }
0x58: {  	_ =	shalt  }
0x59: {  	_ =	shalt  }
0x5a: {  	_ =	shalt  }
0x5b: {  	_ =	shalt  }
0x5c: {  	_ =	shalt  }
0x5d: {  	_ =	shalt  }
0x5e: {  	_ =	shalt  }
0x5f: {  	_ =	shalt  }
0x60: {  	_ =	shalt  }
0x61: {  	_ =	shalt  }
0x62: {  	_ =	shalt  }
0x63: {  	_ =	shalt  }
0x64: {  	_ =	shalt  }
0x65: {  	_ =	shalt  }
0x66: {  	_ =	shalt  }
0x67: {  	_ =	shalt  }
0x68: {  	_ =	shalt  }
0x69: {  	_ =	shalt  }
0x6a: {  	_ =	shalt  }
0x6b: {  	_ =	shalt  }
0x6c: {  	_ =	shalt  }
0x6d: {  	_ =	shalt  }
0x6e: {  	_ =	shalt  }
0x6f: {  	_ =	shalt  }
0x70: {  	_ =	shalt  }
0x71: {  	_ =	shalt  }
0x72: {  	_ =	shalt  }
0x73: {  	_ =	shalt  }
0x74: {  	_ =	shalt  }
0x75: {  	_ =	shalt  }
0x76: {  	_ =	shalt  }
0x77: {  	_ =	shalt  }
0x78: {  	_ =	shalt  }
0x79: {  	_ =	shalt  }
0x7a: {  	_ =	shalt  }
0x7b: {  	_ =	shalt  }
0x7c: {  	_ =	shalt  }
0x7d: {  	_ =	shalt  }
0x7e: {  	_ =	shalt  }
0x7f: {  	_ =	shalt  }
0x80: {  	_ =	shalt  }
0x81: {  	_ =	shalt  }
0x82: {  	_ =	shalt  }
0x83: {  	_ =	shalt  }
0x84: {  	_ =	shalt  }
0x85: {  	_ =	shalt  }
0x86: {  	_ =	shalt  }
0x87: {  	_ =	shalt  }
.Lfunc_end0:
.L_simem_size_0:
called_computation.2_lowered:
.L_overlay_start_0:
0x88: {  	s2 =	sld [smem:$0x3FD9]  }
0x89: {  	s3 =	sld [smem:$0x3FFE];
	_ =	sdelay $0x1  }
0x8a: {  	s1 =	srdreg.scid  }
0x8b: {  	s0 =	sand.u32 $0x1, s1  }
0x8c: {  	s17 =	sshll.u32 s0, $0xA;
	s2 =	sadd.s32 s3, s2  }
0x8d: {  	s2 =	sadd.s32 s2, s17  }
0x8e: {  	[smem:$0x3FC2] =	sst s2  }
0x8f: {  	_ = 	snop  }
0x90: {  	s2 =	sld [smem:$0x3FD0];
	(tm) =	ssettm $0x1  }
0x91: {  	s18 =	sld [smem:$0x3FFB];
	_ =	sdelay $0x3  }
0x92: {  	_ =	strace s18  }
0x93: {  	s3 =	sld [smem:$0x3FFC];
	_ =	sdelay $0x3  }
0x94: {  	_ =	strace s3  }
0x95: {  	s3 =	sld [smem:$0x3FFD];
	_ =	sdelay $0x3  }
0x96: {  	_ =	strace s3  }
0x97: {  	_ =	strace $0x8FFFFFFF  }
0x98: {  	s19 =	sld [smem:$0x3FDB];
	_ =	sdelay $0x1  }
0x99: {  	s4 =	simm.s32 $_scs_section_size  }
0x9a: {  	s5 =	simm.s32 $_size__tile_overlayer_lowered;
	s6 =	simm.s32 $_tile_overlayer_lowered  }
0x9b: {  	s22 =	simm.s32 $0x1BFF;
	s21 =	sshll.u32 s6, $0x1;
	s3 =	sadd.s32 s4, s19  }
0x9c: {  	s7 =	simm.s32 $0x0;
	s20 =	sshll.u32 s5, $0x1;
	s5 =	sadd.s32 s21, s3  }
0x9d: {  	[timem:s7], [sflag:s22] =	dma.local [hbm:s5], s20  }
0x9e: {  	_ =	swait.ge [sflag:s22], s20  }
0x9f: {  	s4 =	ssub.s32 $0x0, s20;
	[sflag:s22] =	ssyncset.done $0x0  }
0xa0: {  	[sflag:s22] =	ssyncadd.s32 s4;
	_ =	sdelay $0x1  }
0xa1: {  	s23 =	simm.s32 $0x1B8B  }
0xa2: {  	_ =	swait.ge [sflag:s23], $0x1  }
0xa3: {  	[sflag:s23] =	ssyncset.done $0x0  }
0xa4: {  	s25 =	simm.s32 $0x1B8E;
	s24 =	sld [smem:$0x3FFE];
	[sflag:s23] =	ssyncadd.s32 $0xFFFFFFFF  }
0xa5: {  	s26 =	simm.s32 $execute0_lowered;
	[smem:$0x3FD2] =	sst s25  }
0xa6: {  	s5 =	sshll.u32 s26, $0x1;
	_ =	strace $0x8000004C;
	[dreg:$0x1] =	wrdreg $0xFFFFFFFF  }
0xa7: {  	s28 =	simm.s32 $_size_execute0_lowered;
	s3 =	sadd.s32 s3, s5;
	[dreg:$0x0] =	wrdreg $0x0  }
0xa8: {  	s5 =	sshll.u32 s28, $0x1;
	[dreg:$0x2] =	wrdreg s3  }
0xa9: {  	[dreg:$0x3] =	wrdreg s5  }
0xaa: {  	[dreg:$0x4] =	wrdreg $0xC0  }
0xab: {  	_ =	task [dreg:s7], $0x5FFFF  }
0xac: {  	[dreg:$0x1] =	wrdreg $0xFFFFFFFF  }
0xad: {  	[dreg:$0x0] =	wrdreg $0x60  }
0xae: {  	[dreg:$0x2] =	wrdreg s24  }
0xaf: {  	[dreg:$0x3] =	wrdreg s2  }
0xb0: {  	[dreg:$0x4] =	wrdreg $0xADC00  }
0xb1: {  	[dreg:$0x5] =	wrdreg $0x9  }
0xb2: {  	_ =	task.clear_ibuf [dreg:s7], $0x6FFFF;
	_ =	strace $0x9000004C  }
0xb3: {  	s29 =	simm.s32 $0x9;
	_ =	strace $0x8000004E  }
0xb4: {  	_ =	swait.ge [sflag:s29], $0x1  }
0xb5: {  	[sflag:s29] =	ssyncadd.s32 $0xFFFFFFFF  }
0xb6: {  	_ =	strace $0x9000004E  }
0xb7: {  	_ =	sfence  }
0xb8: {  	s30 =	sld [smem:$0x0];
	_ =	sdelay $0x2  }
0xb9: {  	s31 =	sshll.u32 s1, $0xD;
	s1 =	sshrl.u32 s1, $0x2  }
0xba: {  	s3 =	sand.u32 $0x4000, s31;
	s1 =	sadd.s32 s1, s30  }
0xbb: {  	s0 =	sor.u32 s3, s0;
	s1 =	sshll.u32 s1, $0x11  }
0xbc: {  	s0 =	sor.u32 s1, s0  }
0xbd: {  	s0 =	sadd.s32 $0x8F2B, s0  }
0xbe: {  	[sflag:s0] =	ssyncadd.remote.s32 $0x1  }
0xbf: {  	_ =	sfence.sel $0xFFFF  }
0xc0: {  	[dreg:$0x0] =	wrdreg $0xFFFFFFFF;
	(pc) =	sbr.abs _section_cstart, $3  }
0xc1: {  	[dreg:$0x1] =	wrdreg $0xFFFFFFFF  }
0xc2: {  	_ =	task.clear_ibuf [dreg:s7], $0x2FFFF;
	_ =	strace $0x9FFFFFFF  }
0xc3: {  	(tm) =	ssettm $0x7FFFFFFF  }
tec
execute0_lowered:
.L_overlay_start_1:
0x0: {  	(tag) =	ssettag $0x1  }
0x1: {  	s0 =	rddreg [dreg:$0x0]  }
0x2: {  	s1 =	rddreg [dreg:$0x1]  }
0x3: {  	s2 =	rddreg [dreg:$0x2]  }
0x4: {  	s3 =	srdreg.scid;
	s4 =	simm.s32 $0x0;
	s13 =	stileid.u32  }
0x5: {  	s16 =	simm.s32 $0x7D;
	s17 =	simm.s32 $0x5000;
	s19 =	simm.s32 $0x6770  }
0x6: {  	s21 =	simm.s32 $0x7EE0;
	s23 =	simm.s32 $0x9650;
	s24 =	simm.s32 $0x1  }
0x7: {  	s28 =	simm.s32 $0x4;
	s30 =	simm.s32 $0x4E80;
	s31 =	simm.s32 $0x4F00  }
0x8: {  	s18 =	simm.s32 $0x0;
	s3 =	sand.u32 $0x1, s3;
	s11 =	smul.u32 $0x1D400, s13  }
0x9: {  	[smem:$0x7FF] =	sst s4;
	s7 =	sadd.s32 $0x17200, s0;
	s25 =	smul.u32 $0x13800, s13  }
0xa: {  	s15 =	sadd.s32 $0x75000, s2;
	p0 =	sne.s32 s13, $0xF;
	s29 =	sshll.u32 s13, $0x6  }
0xb: {  	s5 =	sshll.u32 s3, $0x4;
	_ =	strace $0x8000004D;
	s9 =	ssub.s32 $0x2, s3  }
0xc: {  	s26 =	sshll.u32 s3, $0x6;
	s3 =	sshll.u32 s3, $0x3;
	s15 =	sshrl.u32 @!p0 s15, $0x3  }
0xd: {  	s6 =	sor.u32 s13, s5;
	s5 =	sadd.s32 $0x2A00, s0;
	s0 =	sadd.s32 $0x2B200, s0  }
0xe: {  	s10 =	sshrl.u32 s9, $0x1;
	s11 =	sshrl.u32 s11, $0x2;
	s8 =	smul.u32 $0x2800, s6  }
0xf: {  	s13 =	sor.u32 $0x1C05, s29;
	s6 =	smul.u32 $0x500, s6;
	s10 =	ssub.s32 s9, s10  }
0x10: {  	s12 =	sadd.s32 s11, s2;
	s3 =	sadd.s32 s3, s0;
	s11 =	simm.s32 $0x5  }
0x11: {  	s9 =	sadd.s32 $0x27000, s3;
	s10 =	smax.u32 s10, $0x1;
	s8 =	sshrl.u32 s8, $0x3  }
0x12: {  	s14 =	sshrl.u32 s12, $0x3;
	s3 =	simm.s32 $0x10;
	s8 =	sadd.s32 s7, s8  }
0x13: {  	s6 =	sadd.s32 s7, s6;
	s7 =	sadd.s32 $0xA000, s8;
	s8 =	sor.u32 s26, s25  }
0x14: {  	s12 =	simm.s32 $0x6;
	s25 =	simm.s32 $0x2;
	s8 =	sshrl.u32 s8, $0x3  }
0x15: {  	s26 =	simm.s32 $0x3;
	s8 =	sadd.s32 s0, s8;
	s0 =	simm.s32 $0x4F80  }
.LBB2_1:
0x16: {  	[tilespmem:s4], [sflag:$0x5] =	stream.linear.gather [hbm4b:s6+s4], $0x2800, $0x38;
	[tilespmem:$0x122F0] =	vst v63  }
0x17: {  	_ =	swait.ge [sflag:s11], $0x2800  }
0x18: {  	[sflag:s11] =	ssyncset.done $0x0  }
0x19: {  	s20 =	simm.s32 $0x2800;
	[sflag:s11] =	ssyncadd.s32 $0xFFFFD800  }
0x1a: {  	[tilespmem:s20], [sflag:$0x5] =	stream.linear.gather [hbm4b:s7+s4], $0x2800, $0x38;
	[tilespmem:$0x122F0] =	vst v63  }
0x1b: {  	_ =	swait.ge [sflag:s11], $0x2800  }
0x1c: {  	[sflag:s11] =	ssyncset.done $0x0  }
0x1d: {  	[sflag:s11] =	ssyncadd.s32 $0xFFFFD800  }
0x1e: {  	[spmem:s14], [sflag:s13] =	dma.local [hbm:s1], $0xEA0  }
0x1f: {  	_ =	swait.ge [sflag:s11], $0xEA0  }
0x20: {  	[sflag:s11] =	ssyncset.done $0x0  }
0x21: {  	s20 =	simm.s32 @!p0 $0x5;
	[sflag:s11] =	ssyncadd.s32 $0xFFFFF160  }
0x22: {  	[spmem:s15], [sflag:s13] =	dma.local @!p0 [hbm:s1], $0x60  }
0x23: {  	_ =	swait.ge @!p0 [sflag:s20], $0x60  }
0x24: {  	[sflag:s20] =	ssyncset.done @!p0 $0x0  }
0x25: {  	[sflag:s20] =	ssyncadd.s32 @!p0 $0xFFFFFFA0  }
0x26: {  	[bflag:$0x0] =	sbarrier.arrive $0xFFFF  }
0x27: {  	[tilespmem:s17], [sflag:$0x1] =	stream.indirect.gather [hbm4b:s5+s16], $0x30, s4, s16, $0xb8;
	[tilespmem:$0x122F0] =	vst v63  }
0x28: {  	s22 =	simm.s32 $0x80  }
0x29: {  	[tilespmem:s19], [sflag:$0x2] =	stream.indirect.gather [hbm4b:s5+s16], $0x30, s22, s16, $0xb8;
	[tilespmem:$0x122F0] =	vst v63  }
0x2a: {  	s29 =	simm.s32 $0x100  }
0x2b: {  	[tilespmem:s21], [sflag:$0x3] =	stream.indirect.gather [hbm4b:s5+s16], $0x30, s29, s16, $0xb8;
	[tilespmem:$0x122F0] =	vst v63  }
0x2c: {  	s22 =	simm.s32 $0x180  }
0x2d: {  	[tilespmem:s23], [sflag:$0x4] =	stream.indirect.gather [hbm4b:s5+s16], $0x30, s22, s16, $0xb8;
	[tilespmem:$0x122F0] =	vst v63  }
0x2e: {  	_ =	swait.ge [sflag:s24], $0x1770  }
0x2f: {  	[sflag:s24] =	ssyncset.done $0x0  }
0x30: {  	s29 =	simm.s32 $0x2800;
	[sflag:s24] =	ssyncadd.s32 $0xFFFFE890  }
0x31: {  	[spmem:s2] =	stream.indirect.scatter.add.f32 [tilespmem:s17], [sflag:$0x5], $0x30, s29, s16, $0xb8;
	[tilespmem:$0x122F0] =	vst v63  }
0x32: {  	_ =	swait.ge [sflag:s11], $0x1770  }
0x33: {  	[sflag:s11] =	ssyncset.done $0x0  }
0x34: {  	s22 =	simm.s32 $0x200;
	[sflag:s11] =	ssyncadd.s32 $0xFFFFE890  }
0x35: {  	[tilespmem:s17], [sflag:$0x1] =	stream.indirect.gather [hbm4b:s5+s16], $0x30, s22, s16, $0xb8;
	[tilespmem:$0x122F0] =	vst v63  }
0x36: {  	_ =	swait.ge [sflag:s25], $0x1770  }
0x37: {  	[sflag:s25] =	ssyncset.done $0x0  }
0x38: {  	s29 =	simm.s32 $0x2880;
	[sflag:s25] =	ssyncadd.s32 $0xFFFFE890  }
0x39: {  	[spmem:s2] =	stream.indirect.scatter.add.f32 [tilespmem:s19], [sflag:$0x5], $0x30, s29, s16, $0xb8;
	[tilespmem:$0x122F0] =	vst v63  }
0x3a: {  	_ =	swait.ge [sflag:s11], $0x1770  }
0x3b: {  	[sflag:s11] =	ssyncset.done $0x0  }
0x3c: {  	s22 =	simm.s32 $0x280;
	[sflag:s11] =	ssyncadd.s32 $0xFFFFE890  }
0x3d: {  	[tilespmem:s19], [sflag:$0x2] =	stream.indirect.gather [hbm4b:s5+s16], $0x30, s22, s16, $0xb8;
	[tilespmem:$0x122F0] =	vst v63  }
0x3e: {  	_ =	swait.ge [sflag:s26], $0x1770  }
0x3f: {  	[sflag:s26] =	ssyncset.done $0x0  }
0x40: {  	s29 =	simm.s32 $0x2900;
	[sflag:s26] =	ssyncadd.s32 $0xFFFFE890  }
0x41: {  	[spmem:s2] =	stream.indirect.scatter.add.f32 [tilespmem:s21], [sflag:$0x5], $0x30, s29, s16, $0xb8;
	[tilespmem:$0x122F0] =	vst v63  }
0x42: {  	_ =	swait.ge [sflag:s11], $0x1770  }
0x43: {  	[sflag:s11] =	ssyncset.done $0x0  }
0x44: {  	s22 =	simm.s32 $0x300;
	[sflag:s11] =	ssyncadd.s32 $0xFFFFE890  }
0x45: {  	[tilespmem:s21], [sflag:$0x3] =	stream.indirect.gather [hbm4b:s5+s16], $0x30, s22, s16, $0xb8;
	[tilespmem:$0x122F0] =	vst v63  }
0x46: {  	_ =	swait.ge [sflag:s28], $0x1770  }
0x47: {  	[sflag:s28] =	ssyncset.done $0x0  }
0x48: {  	s29 =	simm.s32 $0x2980;
	[sflag:s28] =	ssyncadd.s32 $0xFFFFE890  }
0x49: {  	[spmem:s2] =	stream.indirect.scatter.add.f32 [tilespmem:s23], [sflag:$0x5], $0x30, s29, s16, $0xb8;
	[tilespmem:$0x122F0] =	vst v63  }
0x4a: {  	_ =	swait.ge [sflag:s11], $0x1770  }
0x4b: {  	[sflag:s11] =	ssyncset.done $0x0  }
0x4c: {  	s20 =	simm.s32 $0x800;
	s22 =	simm.s32 $0x380;
	[sflag:s11] =	ssyncadd.s32 $0xFFFFE890  }
.LBB2_2:
0x4d: {  	[tilespmem:s23], [sflag:$0x4] =	stream.indirect.gather [hbm4b:s5+s16], $0x30, s22, s16, $0xb8;
	[tilespmem:$0x122F0] =	vst v63  }
0x4e: {  	s22 =	smov.u32 s20  }
0x4f: {  	p1 =	sne.s32 s20, $0x9000;
	s20 =	sadd.s32 $0x800, s20;
	_ =	swait.ge [sflag:s24], $0x1770  }
0x50: {  	s22 =	sshra.s32 s22, $0x2;
	[sflag:s24] =	ssyncset.done $0x0  }
0x51: {  	s29 =	sadd.s32 $0x2800, s22;
	[sflag:s24] =	ssyncadd.s32 $0xFFFFE890  }
0x52: {  	[spmem:s2] =	stream.indirect.scatter.add.f32 [tilespmem:s17], [sflag:$0x5], $0x30, s29, s16, $0xb8;
	[tilespmem:$0x122F0] =	vst v63  }
0x53: {  	_ =	swait.ge [sflag:s11], $0x1770  }
0x54: {  	[sflag:s11] =	ssyncset.done $0x0  }
0x55: {  	s29 =	sadd.s32 $0x200, s22;
	[sflag:s11] =	ssyncadd.s32 $0xFFFFE890  }
0x56: {  	[tilespmem:s17], [sflag:$0x1] =	stream.indirect.gather [hbm4b:s5+s16], $0x30, s29, s16, $0xb8;
	[tilespmem:$0x122F0] =	vst v63  }
0x57: {  	_ =	swait.ge [sflag:s25], $0x1770  }
0x58: {  	[sflag:s25] =	ssyncset.done $0x0  }
0x59: {  	s29 =	sadd.s32 $0x2880, s22;
	[sflag:s25] =	ssyncadd.s32 $0xFFFFE890  }
0x5a: {  	[spmem:s2] =	stream.indirect.scatter.add.f32 [tilespmem:s19], [sflag:$0x5], $0x30, s29, s16, $0xb8;
	[tilespmem:$0x122F0] =	vst v63  }
0x5b: {  	_ =	swait.ge [sflag:s11], $0x1770  }
0x5c: {  	[sflag:s11] =	ssyncset.done $0x0  }
0x5d: {  	s29 =	sadd.s32 $0x280, s22;
	[sflag:s11] =	ssyncadd.s32 $0xFFFFE890  }
0x5e: {  	[tilespmem:s19], [sflag:$0x2] =	stream.indirect.gather [hbm4b:s5+s16], $0x30, s29, s16, $0xb8;
	[tilespmem:$0x122F0] =	vst v63  }
0x5f: {  	_ =	swait.ge [sflag:s26], $0x1770  }
0x60: {  	[sflag:s26] =	ssyncset.done $0x0  }
0x61: {  	s29 =	sadd.s32 $0x2900, s22;
	[sflag:s26] =	ssyncadd.s32 $0xFFFFE890  }
0x62: {  	[spmem:s2] =	stream.indirect.scatter.add.f32 [tilespmem:s21], [sflag:$0x5], $0x30, s29, s16, $0xb8;
	[tilespmem:$0x122F0] =	vst v63  }
0x63: {  	_ =	swait.ge [sflag:s11], $0x1770  }
0x64: {  	[sflag:s11] =	ssyncset.done $0x0  }
0x65: {  	s29 =	sadd.s32 $0x300, s22;
	[sflag:s11] =	ssyncadd.s32 $0xFFFFE890  }
0x66: {  	[tilespmem:s21], [sflag:$0x3] =	stream.indirect.gather [hbm4b:s5+s16], $0x30, s29, s16, $0xb8;
	[tilespmem:$0x122F0] =	vst v63  }
0x67: {  	_ =	swait.ge [sflag:s28], $0x1770  }
0x68: {  	[sflag:s28] =	ssyncset.done $0x0  }
.Ltmp0:
0x69: {  	s29 =	sadd.s32 $0x2980, s22;
	[sflag:s28] =	ssyncadd.s32 $0xFFFFE890;
	(pc) =	sbr.rel @p1 .LBB2_2-.Ltmp0, $4  }
0x6a: {  	[spmem:s2] =	stream.indirect.scatter.add.f32 [tilespmem:s23], [sflag:$0x5], $0x30, s29, s16, $0xb8;
	[tilespmem:$0x122F0] =	vst v63  }
0x6b: {  	_ =	swait.ge [sflag:s11], $0x1770  }
0x6c: {  	[sflag:s11] =	ssyncset.done $0x0  }
0x6d: {  	s22 =	sadd.s32 $0x380, s22;
	[sflag:s11] =	ssyncadd.s32 $0xFFFFE890  }
0x6e: {  	[tilespmem:s23], [sflag:$0x4] =	stream.indirect.gather [hbm4b:s5+s16], $0x30, s22, s16, $0xb8;
	[tilespmem:$0x122F0] =	vst v63  }
0x6f: {  	_ =	swait.ge [sflag:s24], $0x1770  }
0x70: {  	[sflag:s24] =	ssyncset.done $0x0  }
0x71: {  	s20 =	simm.s32 $0x4E00;
	[sflag:s24] =	ssyncadd.s32 $0xFFFFE890  }
0x72: {  	[spmem:s2] =	stream.indirect.scatter.add.f32 [tilespmem:s17], [sflag:$0x5], $0x30, s20, s16, $0xb8;
	[tilespmem:$0x122F0] =	vst v63  }
0x73: {  	_ =	swait.ge [sflag:s11], $0x1770  }
0x74: {  	[sflag:s11] =	ssyncset.done $0x0  }
0x75: {  	[sflag:s11] =	ssyncadd.s32 $0xFFFFE890  }
0x76: {  	_ =	swait.ge [sflag:s25], $0x1770  }
0x77: {  	[sflag:s25] =	ssyncset.done $0x0  }
0x78: {  	[sflag:s25] =	ssyncadd.s32 $0xFFFFE890  }
0x79: {  	[spmem:s2] =	stream.indirect.scatter.add.f32 [tilespmem:s19], [sflag:$0x5], $0x30, s30, s16, $0xb8;
	[tilespmem:$0x122F0] =	vst v63  }
0x7a: {  	_ =	swait.ge [sflag:s11], $0x1770  }
0x7b: {  	[sflag:s11] =	ssyncset.done $0x0  }
0x7c: {  	[sflag:s11] =	ssyncadd.s32 $0xFFFFE890  }
0x7d: {  	_ =	swait.ge [sflag:s26], $0x1770  }
0x7e: {  	[sflag:s26] =	ssyncset.done $0x0  }
0x7f: {  	[sflag:s26] =	ssyncadd.s32 $0xFFFFE890  }
0x80: {  	[spmem:s2] =	stream.indirect.scatter.add.f32 [tilespmem:s21], [sflag:$0x5], $0x30, s31, s16, $0xb8;
	[tilespmem:$0x122F0] =	vst v63  }
0x81: {  	_ =	swait.ge [sflag:s11], $0x1770  }
0x82: {  	[sflag:s11] =	ssyncset.done $0x0  }
0x83: {  	[sflag:s11] =	ssyncadd.s32 $0xFFFFE890  }
0x84: {  	_ =	swait.ge [sflag:s28], $0x1770  }
0x85: {  	[sflag:s28] =	ssyncset.done $0x0  }
0x86: {  	[sflag:s28] =	ssyncadd.s32 $0xFFFFE890  }
0x87: {  	[spmem:s2] =	stream.indirect.scatter.add.f32 [tilespmem:s23], [sflag:$0x5], $0x30, s0, s16, $0xb8;
	[tilespmem:$0x122F0] =	vst v63  }
0x88: {  	_ =	swait.ge [sflag:s11], $0x1770  }
0x89: {  	[sflag:s11] =	ssyncset.done $0x0  }
0x8a: {  	[sflag:s11] =	ssyncadd.s32 $0xFFFFE890  }
0x8b: {  	[bflag:$0x0] =	sbarrier.arrive $0xFFFF  }
0x8c: {  	[hbm:s8@s3], [sflag:s13] =	dma.strided [spmem:s14@s12], $0xEA0, s24, $0x6   }
0x8d: {  	s22 =	simm.s32 @!p0 $0x10;
	_ =	swait.ge [sflag:s11], $0xEA0  }
0x8e: {  	s29 =	simm.s32 @!p0 $0x6;
	s18 =	sadd.s32 $0x1, s18;
	[sflag:s11] =	ssyncset.done $0x0  }
0x8f: {  	p1 =	sne.s32 s18, s10;
	s20 =	simm.s32 @!p0 $0x1;
	[sflag:s11] =	ssyncadd.s32 $0xFFFFF160  }
0x90: {  	[hbm:s9@s22], [sflag:s13] =	dma.strided @!p0 [spmem:s15@s29], $0x60, s20, $0x6   }
.Ltmp1:
0x91: {  	_ = 	snop;
	(pc) =	sbr.rel @p1 .LBB2_1-.Ltmp1, $4  }
0x92: {  	s20 =	simm.s32 @!p0 $0x5  }
0x93: {  	_ =	swait.ge @!p0 [sflag:s20], $0x60  }
0x94: {  	[sflag:s20] =	ssyncset.done @!p0 $0x0  }
0x95: {  	[sflag:s20] =	ssyncadd.s32 @!p0 $0xFFFFFFA0  }
0x96: {  	_ =	sfence.sel $0x180000  }
0x97: {  	[bflag:$0x0] =	sbarrier.arrive $0xFFFF  }
0x98: {  	_ =	strace $0x9000004D  }
0x99: {  	s0 =	stileid.u32;
	[bflag:$0x2] =	sbarrier.arrive $0xFFFF  }
0x9a: {  	p0 =	sne.s32 s0, $0x0;
	s0 =	rddreg [dreg:$0x3]  }
0x9b: {  	s0 =	sadd.s32 @!p0 $0x100000, s0  }
0x9c: {  	[sflag:s0] =	ssyncadd.tile.s32 @!p0 $0x1;
	_ =	shalt  }
.Lfunc_end2:
_tile_overlayer_lowered:
.L_overlay_start_2:
0x9d: {  	(tag) =	ssettag $0x2  }
0x9e: {  	s0 =	rddreg [dreg:$0x0];
	s2 =	stileid.u32  }
0x9f: {  	s1 =	rddreg [dreg:$0x1];
	p0 =	sne.s32 s2, $0x0  }
0xa0: {  	s3 =	rddreg [dreg:$0x2];
	[bflag:$0x3] =	sbarrier.arrive $0xFFFF;
	s2 =	simm.s32 @!p0 $0x1C05  }
0xa1: {  	[timem:s3], [sflag:s2] =	dma.local @!p0 [hbm:s0], s1  }
0xa2: {  	s0 =	simm.s32 @!p0 $0x5  }
0xa3: {  	_ =	swait.ge @!p0 [sflag:s0], s1  }
0xa4: {  	s1 =	ssub.s32 @!p0 $0x0, s1;
	[sflag:s0] =	ssyncset.done @!p0 $0x0  }
0xa5: {  	[sflag:s0] =	ssyncadd.s32 @!p0 s1  }
0xa6: {  	[bflag:$0x3] =	sbarrier.arrive $0xFFFF  }
0xa7: {  	_ =	shalt  }

// kernel: kernel.8.cloned.1.call-start
scs
__scs_entry_jumppad:
0x0: {  	(pc) =	sbr.rel $0x88, $3  }
0x1: {  	(tag) =	ssettag $0x0;
	lr =	simm.s32 $0x1  }
0x2: {  	[smem:$0x3F9B] =	sst lr;
	_ =	strace $0xD0000000  }
0x3: {  	_ = 	snop  }
0x4: {  	_ = 	snop  }
0x5: {  	_ = 	snop  }
0x6: {  	_ = 	snop  }
0x7: {  	_ = 	snop  }
__scs_overlays_trampoline_lowered:
0x8: {  	[smem:$0x3FAA] =	sst s0  }
0x9: {  	[smem:$0x3FAB] =	sst s1  }
0xa: {  	[smem:$0x3FAC] =	sst s2  }
0xb: {  	[smem:$0x3FAD] =	sst s3  }
0xc: {  	[smem:$0x3FAE] =	sst s4  }
0xd: {  	[smem:$0x3FAF] =	sst s5  }
0xe: {  	[smem:$0x3FB0] =	sst s6  }
0xf: {  	[smem:$0x3FB1] =	sst s7  }
0x10: {  	[smem:$0x3FB2] =	sst s8  }
0x11: {  	[smem:$0x3FB3] =	sst s9;
	s0 =	simm.s32 @!p0 $0x0  }
0x12: {  	s1 =	sld [smem:$0x3F99];
	s0 =	simm.s32 @p0 $0x1  }
0x13: {  	[smem:$0x3FB4] =	sst s0;
	s0 =	simm.s32 @!p1 $0x0  }
0x14: {  	s2 =	sld [smem:$0x3F98];
	s0 =	simm.s32 @p1 $0x1  }
0x15: {  	[smem:$0x3FB5] =	sst s0;
	s0 =	simm.s32 @!p2 $0x0  }
0x16: {  	s3 =	sld [smem:$0x3FDB];
	s0 =	simm.s32 @p2 $0x1  }
0x17: {  	s4 =	simm.s32 $0x1BF5;
	[smem:$0x3FB7] =	sst s0  }
0x18: {  	s0 =	sld [smem:$0x3F9A];
	_ =	swait.ge [sflag:s4], $0x0  }
0x19: {  	s7 =	sld [smem:$0x3F9B]  }
0x1a: {  	s8 =	sadd.s32 $0xFFFFE003, lr  }
0x1b: {  	s9 =	sadd.s32 $0xFFFFFEF7, lr;
	s5 =	simm.s32 $0xFFFFFFFF;
	p2 =	slt.u32 s8, $0xFFFFF086  }
0x1c: {  	p1 =	slt.u32 s9, $0xF7A;
	s5 =	simm.s32 @!p2 $0x0  }
0x1d: {  	s5 =	simm.s32 @p1 $0x1;
	p0 =	seq.s32 s7, s2  }
0x1e: {  	s7 =	smul.u32 @!p0 $0xF7A, s2;
	p2 =	seq.s32 @!p0 s5, $0x0  }
0x1f: {  	s9 =	smul.u32 $0xF7A, s1;
	s8 =	simm.s32 @!p0 $0x1BF5;
	p2 =	por !p2, p0  }
0x20: {  	[sflag:s8] =	ssyncset.s32 @!p0 $0xFFFFF086;
	s6 =	sadd.s32 @!p0 s3, s7;
	s7 =	simm.s32 @!p0 $0x108  }
0x21: {  	s3 =	sadd.s32 s3, s9;
	s6 =	sadd.s32 @!p0 $0x88, s6;
	s7 =	simm.s32 @p2 $0x1082  }
0x22: {  	[simem:s7], [sflag:s8] =	dma.local @!p0 [hbm:s6], $0xF7A  }
0x23: {  	s9 =	sor.u32 $0xD0000000, s2;
	s6 =	simm.s32 $0x108;
	_ =	swait.ge @!p0 [sflag:s8], $0x0  }
0x24: {  	s3 =	sadd.s32 $0x88, s3;
	s6 =	simm.s32 @!p1 $0x1082;
	[sflag:s4] =	ssyncset.s32 $0xFFFFF086  }
0x25: {  	[simem:s6], [sflag:s4] =	dma.local [hbm:s3], $0xF7A  }
0x26: {  	[smem:$0x3F9B] =	sst s1;
	(tag) =	ssettag s2;
	_ =	strace s9  }
0x27: {  	s1 =	sld [smem:$0x3FAB]  }
0x28: {  	s2 =	sld [smem:$0x3FAC]  }
0x29: {  	s4 =	sld [smem:$0x3FAE]  }
0x2a: {  	p0 =	seq.s32 s5, $0x0;
	s5 =	sld [smem:$0x3FAF]  }
0x2b: {  	s6 =	sld [smem:$0x3FB0]  }
0x2c: {  	s7 =	sld [smem:$0x3FB1]  }
0x2d: {  	s3 =	simm.s32 $0x108;
	s8 =	sld [smem:$0x3FB2]  }
0x2e: {  	s3 =	simm.s32 @!p0 $0x1082;
	s9 =	sld [smem:$0x3FB3]  }
0x2f: {  	lr =	sadd.s32 s0, s3;
	s0 =	sld [smem:$0x3FAA]  }
0x30: {  	s3 =	sld [smem:$0x3FAD]  }
0x31: {  	[smem:$0x3FB6] =	sst s10  }
0x32: {  	s10 =	sld [smem:$0x3FB4];
	_ =	sdelay $0x3  }
0x33: {  	p0 =	seq.s32 s10, $0x1;
	s10 =	sld [smem:$0x3FB6];
	_ =	sdelay $0x3  }
0x34: {  	[smem:$0x3FB6] =	sst s10  }
0x35: {  	s10 =	sld [smem:$0x3FB5];
	_ =	sdelay $0x3  }
0x36: {  	p1 =	seq.s32 s10, $0x1;
	s10 =	sld [smem:$0x3FB6];
	_ =	sdelay $0x3  }
0x37: {  	[smem:$0x3FB6] =	sst s10  }
0x38: {  	s10 =	sld [smem:$0x3FB7]  }
0x39: {  	_ = 	snop;
	(pc) =	sbr.ind lr, $3  }
0x3a: {  	_ = 	snop  }
0x3b: {  	_ = 	snop  }
0x3c: {  	p2 =	seq.s32 s10, $0x1;
	s10 =	sld [smem:$0x3FB6]  }
0x3d: {  	_ =	shalt  }
0x3e: {  	_ =	shalt  }
0x3f: {  	_ =	shalt  }
0x40: {  	_ =	shalt  }
0x41: {  	_ =	shalt  }
0x42: {  	_ =	shalt  }
0x43: {  	_ =	shalt  }
0x44: {  	_ =	shalt  }
0x45: {  	_ =	shalt  }
0x46: {  	_ =	shalt  }
0x47: {  	_ =	shalt  }
0x48: {  	_ =	shalt  }
0x49: {  	_ =	shalt  }
0x4a: {  	_ =	shalt  }
0x4b: {  	_ =	shalt  }
0x4c: {  	_ =	shalt  }
0x4d: {  	_ =	shalt  }
0x4e: {  	_ =	shalt  }
0x4f: {  	_ =	shalt  }
0x50: {  	_ =	shalt  }
0x51: {  	_ =	shalt  }
0x52: {  	_ =	shalt  }
0x53: {  	_ =	shalt  }
0x54: {  	_ =	shalt  }
0x55: {  	_ =	shalt  }
0x56: {  	_ =	shalt  }
0x57: {  	_ =	shalt  }
0x58: {  	_ =	shalt  }
0x59: {  	_ =	shalt  }
0x5a: {  	_ =	shalt  }
0x5b: {  	_ =	shalt  }
0x5c: {  	_ =	shalt  }
0x5d: {  	_ =	shalt  }
0x5e: {  	_ =	shalt  }
0x5f: {  	_ =	shalt  }
0x60: {  	_ =	shalt  }
0x61: {  	_ =	shalt  }
0x62: {  	_ =	shalt  }
0x63: {  	_ =	shalt  }
0x64: {  	_ =	shalt  }
0x65: {  	_ =	shalt  }
0x66: {  	_ =	shalt  }
0x67: {  	_ =	shalt  }
0x68: {  	_ =	shalt  }
0x69: {  	_ =	shalt  }
0x6a: {  	_ =	shalt  }
0x6b: {  	_ =	shalt  }
0x6c: {  	_ =	shalt  }
0x6d: {  	_ =	shalt  }
0x6e: {  	_ =	shalt  }
0x6f: {  	_ =	shalt  }
0x70: {  	_ =	shalt  }
0x71: {  	_ =	shalt  }
0x72: {  	_ =	shalt  }
0x73: {  	_ =	shalt  }
0x74: {  	_ =	shalt  }
0x75: {  	_ =	shalt  }
0x76: {  	_ =	shalt  }
0x77: {  	_ =	shalt  }
0x78: {  	_ =	shalt  }
0x79: {  	_ =	shalt  }
0x7a: {  	_ =	shalt  }
0x7b: {  	_ =	shalt  }
0x7c: {  	_ =	shalt  }
0x7d: {  	_ =	shalt  }
0x7e: {  	_ =	shalt  }
0x7f: {  	_ =	shalt  }
0x80: {  	_ =	shalt  }
0x81: {  	_ =	shalt  }
0x82: {  	_ =	shalt  }
0x83: {  	_ =	shalt  }
0x84: {  	_ =	shalt  }
0x85: {  	_ =	shalt  }
0x86: {  	_ =	shalt  }
0x87: {  	_ =	shalt  }
.Lfunc_end0:
.L_simem_size_0:
called_computation_lowered:
.L_overlay_start_0:
0x88: {  	s2 =	sld [smem:$0x3FD9]  }
0x89: {  	s3 =	sld [smem:$0x3FFE];
	_ =	sdelay $0x1  }
0x8a: {  	s1 =	srdreg.scid  }
0x8b: {  	s0 =	sand.u32 $0x1, s1  }
0x8c: {  	s17 =	sshll.u32 s0, $0xA;
	s2 =	sadd.s32 s3, s2  }
0x8d: {  	s2 =	sadd.s32 s2, s17  }
0x8e: {  	[smem:$0x3FC2] =	sst s2  }
0x8f: {  	_ = 	snop  }
0x90: {  	s2 =	sld [smem:$0x3FD0];
	(tm) =	ssettm $0x1  }
0x91: {  	s18 =	sld [smem:$0x3FFB];
	_ =	sdelay $0x3  }
0x92: {  	_ =	strace s18  }
0x93: {  	s3 =	sld [smem:$0x3FFC];
	_ =	sdelay $0x3  }
0x94: {  	_ =	strace s3  }
0x95: {  	s3 =	sld [smem:$0x3FFD];
	_ =	sdelay $0x3  }
0x96: {  	_ =	strace s3  }
0x97: {  	_ =	strace $0x8FFFFFFF  }
0x98: {  	s19 =	sld [smem:$0x3FDB];
	_ =	sdelay $0x1  }
0x99: {  	s4 =	simm.s32 $_scs_section_size  }
0x9a: {  	s5 =	simm.s32 $_size__tile_overlayer_lowered;
	s6 =	simm.s32 $_tile_overlayer_lowered  }
0x9b: {  	s22 =	simm.s32 $0x1BFF;
	s21 =	sshll.u32 s6, $0x1;
	s3 =	sadd.s32 s4, s19  }
0x9c: {  	s7 =	simm.s32 $0x0;
	s20 =	sshll.u32 s5, $0x1;
	s5 =	sadd.s32 s21, s3  }
0x9d: {  	[timem:s7], [sflag:s22] =	dma.local [hbm:s5], s20  }
0x9e: {  	_ =	swait.ge [sflag:s22], s20  }
0x9f: {  	s4 =	ssub.s32 $0x0, s20;
	[sflag:s22] =	ssyncset.done $0x0  }
0xa0: {  	[sflag:s22] =	ssyncadd.s32 s4;
	_ =	sdelay $0x1  }
0xa1: {  	s23 =	simm.s32 $0x1B8B  }
0xa2: {  	_ =	swait.ge [sflag:s23], $0x1  }
0xa3: {  	[sflag:s23] =	ssyncset.done $0x0  }
0xa4: {  	s25 =	simm.s32 $0x1B8E;
	s24 =	sld [smem:$0x3FFE];
	[sflag:s23] =	ssyncadd.s32 $0xFFFFFFFF  }
0xa5: {  	s26 =	simm.s32 $execute0_lowered;
	[smem:$0x3FD2] =	sst s25  }
0xa6: {  	s5 =	sshll.u32 s26, $0x1;
	_ =	strace $0x80000046;
	[dreg:$0x1] =	wrdreg $0xFFFFFFFF  }
0xa7: {  	s28 =	simm.s32 $_size_execute0_lowered;
	s3 =	sadd.s32 s3, s5;
	[dreg:$0x0] =	wrdreg $0x0  }
0xa8: {  	s5 =	sshll.u32 s28, $0x1;
	[dreg:$0x2] =	wrdreg s3  }
0xa9: {  	[dreg:$0x3] =	wrdreg s5  }
0xaa: {  	[dreg:$0x4] =	wrdreg $0xC0  }
0xab: {  	_ =	task [dreg:s7], $0x5FFFF  }
0xac: {  	[dreg:$0x1] =	wrdreg $0xFFFFFFFF  }
0xad: {  	[dreg:$0x0] =	wrdreg $0x60  }
0xae: {  	[dreg:$0x2] =	wrdreg s24  }
0xaf: {  	[dreg:$0x3] =	wrdreg s2  }
0xb0: {  	[dreg:$0x4] =	wrdreg $0x9E700  }
0xb1: {  	[dreg:$0x5] =	wrdreg $0xA0F00  }
0xb2: {  	[dreg:$0x6] =	wrdreg $0x9  }
0xb3: {  	_ =	task.clear_ibuf [dreg:s7], $0x7FFFF;
	_ =	strace $0x90000046  }
0xb4: {  	s29 =	simm.s32 $0x9;
	_ =	strace $0x80000048  }
0xb5: {  	_ =	swait.ge [sflag:s29], $0x1  }
0xb6: {  	[sflag:s29] =	ssyncadd.s32 $0xFFFFFFFF  }
0xb7: {  	_ =	strace $0x90000048  }
0xb8: {  	_ =	sfence  }
0xb9: {  	s30 =	sld [smem:$0x0];
	_ =	sdelay $0x2  }
0xba: {  	s31 =	sshll.u32 s1, $0xD;
	s1 =	sshrl.u32 s1, $0x2  }
0xbb: {  	s3 =	sand.u32 $0x4000, s31;
	s1 =	sadd.s32 s1, s30  }
0xbc: {  	s0 =	sor.u32 s3, s0;
	s1 =	sshll.u32 s1, $0x11  }
0xbd: {  	s0 =	sor.u32 s1, s0  }
0xbe: {  	s0 =	sadd.s32 $0x8F2B, s0  }
0xbf: {  	[sflag:s0] =	ssyncadd.remote.s32 $0x1  }
0xc0: {  	_ =	sfence.sel $0xFFFF  }
0xc1: {  	[dreg:$0x0] =	wrdreg $0xFFFFFFFF;
	(pc) =	sbr.abs _section_cstart, $3  }
0xc2: {  	[dreg:$0x1] =	wrdreg $0xFFFFFFFF  }
0xc3: {  	_ =	task.clear_ibuf [dreg:s7], $0x2FFFF;
	_ =	strace $0x9FFFFFFF  }
0xc4: {  	(tm) =	ssettm $0x7FFFFFFF  }
0xc5: {  	_ =	shalt  }
tec
execute0_lowered:
.L_overlay_start_1:
0x0: {  	(tag) =	ssettag $0x1  }
0x1: {  	s7 =	rddreg [dreg:$0x0]  }
0x2: {  	s9 =	rddreg [dreg:$0x1]  }
0x3: {  	s0 =	srdreg.scid;
	s2 =	rddreg [dreg:$0x2]  }
0x4: {  	s3 =	rddreg [dreg:$0x3];
	s4 =	simm.s32 $0x0;
	s16 =	simm.s32 $0x4E20  }
0x5: {  	s17 =	simm.s32 $0x7620;
	s18 =	simm.s32 $0x50;
	s6 =	sand.u32 $0x1, s0  }
0x6: {  	s0 =	stileid.u32;
	[smem:$0x7FF] =	sst s4;
	s1 =	sshll.u32 s6, $0x4  }
0x7: {  	s10 =	smul.u32 $0x500, s6;
	s11 =	ssub.s32 $0x2, s6;
	s6 =	sadd.s32 $0x16600, s7  }
0x8: {  	s13 =	sshll.u32 s0, $0xA;
	s20 =	sshll.u32 s0, $0x7;
	p0 =	sgt.u32 s0, $0x9  }
0x9: {  	s5 =	sor.u32 s0, s1;
	s1 =	rddreg [dreg:$0x4];
	_ =	strace $0x80000047  }
0xa: {  	s31 =	sshrl.u32 s11, $0x1;
	s14 =	sadd.s32 s13, s2;
	s15 =	sadd.s32 s13, s3  }
0xb: {  	s13 =	sshll.u32 @!p0 s0, $0x6;
	s5 =	smul.u32 $0x2710, s5;
	s12 =	sadd.s32 s10, s7  }
0xc: {  	s11 =	ssub.s32 s11, s31;
	s19 =	sadd.s32 s9, s10;
	s10 =	simm.s32 $0x1  }
0xd: {  	s13 =	sor.u32 @!p0 $0x1C01, s13;
	s14 =	sshrl.u32 @!p0 s14, $0x3;
	s15 =	sshrl.u32 @!p0 s15, $0x3  }
0xe: {  	s21 =	sadd.s32 $0x16800, s12;
	s9 =	smax.u32 s11, $0x1;
	s11 =	simm.s32 $0x2710  }
0xf: {  	s12 =	simm.s32 $0x9E20;
	s19 =	sadd.s32 @!p0 s20, s19;
	s5 =	sshrl.u32 s5, $0x3  }
0x10: {  	s20 =	sadd.s32 @!p0 s20, s21;
	s21 =	simm.s32 $0x0;
	s8 =	sadd.s32 s5, s7  }
0x11: {  	v0 =	vimm.f32 $0.0e+00;
	v1 =	vimm.f32 $1.000000000e+00;
	s5 =	sadd.s32 $0x16400, s7;
	s7 =	sadd.s32 $0x2A00, s8;
	s8 =	sadd.s32 $0xC640, s8  }
.LBB2_1:
0x12: {  	[tilespmem:s4], [sflag:$0x1] =	stream.linear.gather [hbm4b:s7+s4], $0x2710, $0x38;
	[tilespmem:$0xA370] =	vst v63  }
0x13: {  	_ =	swait.ge [sflag:s10], $0x2710  }
0x14: {  	[sflag:s10] =	ssyncset.done $0x0  }
0x15: {  	[sflag:s10] =	ssyncadd.s32 $0xFFFFD8F0  }
0x16: {  	[tilespmem:s11], [sflag:$0x1] =	stream.linear.gather [hbm4b:s8+s4], $0x2710, $0x38;
	[tilespmem:$0xA370] =	vst v63  }
0x17: {  	_ =	swait.ge [sflag:s10], $0x2710  }
0x18: {  	[sflag:s10] =	ssyncset.done $0x0  }
0x19: {  	[sflag:s10] =	ssyncadd.s32 $0xFFFFD8F0  }
0x1a: {  	[tilespmem:s12], [sflag:$0x1] =	stream.linear.gather [hbm4b:s6+s4], $0x50, $0x38;
	[tilespmem:$0xA370] =	vst v63  }
0x1b: {  	_ =	swait.ge [sflag:s10], $0x50  }
0x1c: {  	[sflag:s10] =	ssyncset.done $0x0  }
0x1d: {  	s22 =	simm.s32 @!p0 $0x1;
	[sflag:s10] =	ssyncadd.s32 $0xFFFFFFB0  }
0x1e: {  	[spmem:s14], [sflag:s13] =	dma.local @!p0 [hbm:s5], $0x80  }
0x1f: {  	_ =	swait.ge @!p0 [sflag:s22], $0x80  }
0x20: {  	[sflag:s22] =	ssyncset.done @!p0 $0x0  }
0x21: {  	[sflag:s22] =	ssyncadd.s32 @!p0 $0xFFFFFF80  }
0x22: {  	[spmem:s15], [sflag:s13] =	dma.local @!p0 [hbm:s5], $0x80  }
0x23: {  	_ =	swait.ge @!p0 [sflag:s22], $0x80  }
0x24: {  	[sflag:s22] =	ssyncset.done @!p0 $0x0  }
0x25: {  	s23 =	simm.s32 $0x200;
	[sflag:s22] =	ssyncadd.s32 @!p0 $0xFFFFFF80;
	s22 =	simm.s32 $0x0  }
.LBB2_2:
0x26: {  	p1 =	sne.s32 s23, $0x9E00;
	[tilespmem:s22+$0x7690] =	vst v0  }
0x27: {  	[tilespmem:s22+$0x4E20] =	vst v0  }
0x28: {  	[tilespmem:s22+$0x7620] =	vst v0  }
0x29: {  	[tilespmem:s22+$0x4E30] =	vst v0  }
0x2a: {  	[tilespmem:s22+$0x7630] =	vst v0  }
0x2b: {  	[tilespmem:s22+$0x4E40] =	vst v0  }
0x2c: {  	[tilespmem:s22+$0x7640] =	vst v0  }
0x2d: {  	[tilespmem:s22+$0x4E50] =	vst v0  }
0x2e: {  	[tilespmem:s22+$0x7650] =	vst v0  }
0x2f: {  	[tilespmem:s22+$0x4E60] =	vst v0  }
0x30: {  	[tilespmem:s22+$0x7660] =	vst v0  }
.Ltmp0:
0x31: {  	[tilespmem:s22+$0x4E70] =	vst v0;
	(pc) =	sbr.rel @p1 .LBB2_2-.Ltmp0, $4  }
0x32: {  	[tilespmem:s22+$0x7670] =	vst v0  }
0x33: {  	[tilespmem:s22+$0x4E80] =	vst v0  }
0x34: {  	[tilespmem:s22+$0x7680] =	vst v0  }
0x35: {  	[tilespmem:s22+$0x4E90] =	vst v0;
	s22 =	sshra.s32 s23, $0x2;
	s23 =	sadd.s32 $0x200, s23  }
0x36: {  	[tilespmem:s22+$0x7690] =	vst v0  }
0x37: {  	[tilespmem:s22+$0x4E20] =	vst v0  }
0x38: {  	[tilespmem:s22+$0x7620] =	vst v0  }
0x39: {  	[tilespmem:s22+$0x4E30] =	vst v0  }
0x3a: {  	[tilespmem:s22+$0x7630] =	vst v0  }
0x3b: {  	[tilespmem:s22+$0x4E40] =	vst v0  }
0x3c: {  	[tilespmem:s22+$0x7640] =	vst v0  }
0x3d: {  	[tilespmem:s22+$0x4E50] =	vst v0  }
0x3e: {  	[tilespmem:s22+$0x7650] =	vst v0  }
0x3f: {  	[tilespmem:s22+$0x4E60] =	vst v0  }
0x40: {  	[tilespmem:s22+$0x7660] =	vst v0  }
0x41: {  	[tilespmem:s22+$0x4E70] =	vst v0  }
0x42: {  	[tilespmem:s22+$0x7670] =	vst v0  }
0x43: {  	[tilespmem:s22+$0x4E80] =	vst v0  }
0x44: {  	[tilespmem:s22+$0x7680] =	vst v0  }
0x45: {  	[tilespmem:s22+$0x4E90] =	vst v0;
	s23 =	simm.s32 $0x0  }
0x46: {  	s22 =	simm.s32 $0x40;
	v2 =	vld [tilespmem:s23+$0x0]  }
.LBB2_4:
0x47: {  	p1 =	sne.s32 s22, $0x9C00;
	v3 =	vld [tilespmem:s23+$0x2710];
	_ =	sdelay $0x4  }
.Ltmp1:
0x48: {  	(pc) =	sbr.rel @p1 .LBB2_4-.Ltmp1, $4  }
0x49: {  	_ = 	snop  }
0x4a: {  	[tilespmem:v2+s16+$0x0] =	vst.idx.add.f32.msk $0xffff, v1  }
0x4b: {  	s23 =	sshra.s32 s22, $0x2;
	[tilespmem:v3+s17+$0x0] =	vst.idx.add.f32.msk $0xffff, v1  }
0x4c: {  	s22 =	sadd.s32 $0x40, s22;
	v2 =	vld [tilespmem:s23+$0x0]  }
0x4d: {  	_ = 	snop  }
0x4e: {  	v3 =	vld [tilespmem:s23+$0x2710];
	_ =	sdelay $0x6  }
0x4f: {  	[tilespmem:v2+s16+$0x0] =	vst.idx.add.f32.msk $0xffff, v1  }
0x50: {  	[tilespmem:v3+s17+$0x0] =	vst.idx.add.f32.msk $0xffff, v1  }
0x51: {  	[bflag:$0x0] =	sbarrier.arrive $0xFFFF  }
0x52: {  	[spmem:s2] =	stream.indirect.scatter.add.f32 [tilespmem:s16], [sflag:$0x1], $0x80, s12, s18, $0xb8;
	[tilespmem:$0xA370] =	vst v63  }
0x53: {  	_ =	swait.ge [sflag:s10], $0x2800  }
0x54: {  	[sflag:s10] =	ssyncset.done $0x0  }
0x55: {  	[sflag:s10] =	ssyncadd.s32 $0xFFFFD800  }
0x56: {  	[spmem:s3] =	stream.indirect.scatter.add.f32 [tilespmem:s17], [sflag:$0x1], $0x80, s12, s18, $0xb8;
	[tilespmem:$0xA370] =	vst v63  }
0x57: {  	_ =	swait.ge [sflag:s10], $0x2800  }
0x58: {  	[sflag:s10] =	ssyncset.done $0x0  }
0x59: {  	[sflag:s10] =	ssyncadd.s32 $0xFFFFD800  }
0x5a: {  	s22 =	simm.s32 @!p0 $0x1;
	[bflag:$0x0] =	sbarrier.arrive $0xFFFF  }
0x5b: {  	[hbm:s19], [sflag:s13] =	dma.local @!p0 [spmem:s14], $0x80  }
0x5c: {  	s21 =	sadd.s32 $0x1, s21;
	_ =	swait.ge @!p0 [sflag:s22], $0x80  }
0x5d: {  	p1 =	sne.s32 s21, s9;
	[sflag:s22] =	ssyncset.done @!p0 $0x0  }
.Ltmp2:
0x5e: {  	[sflag:s22] =	ssyncadd.s32 @!p0 $0xFFFFFF80;
	(pc) =	sbr.rel @p1 .LBB2_1-.Ltmp2, $4  }
0x5f: {  	[hbm:s20], [sflag:s13] =	dma.local @!p0 [spmem:s15], $0x80  }
0x60: {  	_ =	swait.ge @!p0 [sflag:s22], $0x80  }
0x61: {  	[sflag:s22] =	ssyncset.done @!p0 $0x0  }
0x62: {  	[sflag:s22] =	ssyncadd.s32 @!p0 $0xFFFFFF80  }
0x63: {  	_ =	sfence.sel $0x180000  }
0x64: {  	[bflag:$0x0] =	sbarrier.arrive $0xFFFF  }
0x65: {  	p0 =	sne.s32 s0, $0x0;
	_ =	strace $0x90000047  }
0x66: {  	s0 =	sadd.s32 @!p0 $0x100000, s1;
	[bflag:$0x2] =	sbarrier.arrive $0xFFFF  }
0x67: {  	[sflag:s0] =	ssyncadd.tile.s32 @!p0 $0x1;
	_ =	shalt  }
.Lfunc_end2:
_tile_overlayer_lowered:
.L_overlay_start_2:
0x68: {  	(tag) =	ssettag $0x2  }
0x69: {  	s0 =	rddreg [dreg:$0x0];
	s2 =	stileid.u32  }
0x6a: {  	s1 =	rddreg [dreg:$0x1];
	p0 =	sne.s32 s2, $0x0  }
0x6b: {  	s3 =	rddreg [dreg:$0x2];
	[bflag:$0x3] =	sbarrier.arrive $0xFFFF;
	s2 =	simm.s32 @!p0 $0x1C01  }
0x6c: {  	[timem:s3], [sflag:s2] =	dma.local @!p0 [hbm:s0], s1  }
0x6d: {  	s0 =	simm.s32 @!p0 $0x1  }
0x6e: {  	_ =	swait.ge @!p0 [sflag:s0], s1  }
0x6f: {  	s1 =	ssub.s32 @!p0 $0x0, s1;
	[sflag:s0] =	ssyncset.done @!p0 $0x0  }
0x70: {  	[sflag:s0] =	ssyncadd.s32 @!p0 s1  }
0x71: {  	[bflag:$0x3] =	sbarrier.arrive $0xFFFF  }
0x72: {  	_ =	shalt  }

</sc_bundles>
